<compile_context>
chip_gen: v7x
topology: tpu7x:2x2x1
jax: 0.10.2.dev20260603
libtpu: 0.0.44.dev20260713+nightly
codegen_flags: <defaults>
</compile_context>

<pallas_src>
import functools

import jax
import jax.numpy as jnp
from jax import lax
from jax.experimental import pallas as pl
from jax.experimental.pallas import tpu as pltpu
from jax.experimental.pallas import tpu_sc as plsc

T = 128


def _gelu(x):
    return x * 0.5 * (1.0 + lax.erf(x * 0.7071067811865476))


def _router_body(x_ref, Wr_ref, br_ref, Wsu_ref, bsu_ref, Wsd_ref, bsd_ref,
                 base_ref, p_ref, w16_ref, te_ref, *, E, NT):
    x = x_ref[...]
    S = x.shape[0]
    f32 = jnp.float32

    logits = jnp.dot(x, Wr_ref[...], preferred_element_type=f32) + br_ref[...]
    m = jnp.max(logits, axis=-1, keepdims=True)
    sumexp = jnp.sum(jnp.exp(logits - m), axis=-1, keepdims=True)
    w = 1.0 / sumexp
    ii = lax.broadcasted_iota(jnp.int32, logits.shape, 1)
    idx = jnp.min(jnp.where(logits >= m, ii, E), axis=-1, keepdims=True)
    onehot = (ii == idx).astype(f32)

    L = (lax.broadcasted_iota(jnp.int32, (S, S), 1)
         < lax.broadcasted_iota(jnp.int32, (S, S), 0)).astype(f32)
    R = jnp.dot(L, onehot, preferred_element_type=f32)
    rank = jnp.sum(R * onehot, axis=-1, keepdims=True)

    counts = jnp.sum(onehot, axis=0, keepdims=True)
    pc = jnp.floor((counts + (T - 1)) / T) * T
    M = (lax.broadcasted_iota(jnp.int32, (E, E), 0)
         < lax.broadcasted_iota(jnp.int32, (E, E), 1)).astype(f32)
    off = jnp.dot(pc, M, preferred_element_type=f32)
    p = jnp.sum(onehot * off, axis=-1, keepdims=True) + rank
    p_ref[...] = p.astype(jnp.int32)
    w16_ref[...] = jnp.broadcast_to(w, (S, 128))

    ones_col = jnp.ones((S, 1), f32)
    counts_col = lax.dot_general(onehot, ones_col, (((0,), (0,)), ((), ())),
                                 preferred_element_type=f32)
    pc_col = jnp.floor((counts_col + (T - 1)) / T) * T
    off_col = lax.dot_general(M, pc_col, (((0,), (0,)), ((), ())),
                              preferred_element_type=f32)
    cend_col = off_col + pc_col
    it = (lax.broadcasted_iota(jnp.int32, (E, NT), 1) * T).astype(f32)
    te = jnp.sum((cend_col <= it).astype(f32), axis=0, keepdims=True)
    te_ref[...] = jnp.minimum(te, E - 1).astype(jnp.int32)

    sh = jnp.dot(_gelu(jnp.dot(x, Wsu_ref[...], preferred_element_type=f32)
                       + bsu_ref[...]),
                 Wsd_ref[...], preferred_element_type=f32)
    base_ref[...] = x + sh + bsd_ref[...]


def _run_router(x, Wr, br, Wsu, bsu, Wsd, bsd, *, NT):
    S, D = x.shape
    E = Wr.shape[1]
    F = Wsu.shape[1]
    const = lambda *bshape: pl.BlockSpec(bshape, lambda: (0,) * len(bshape))
    return pl.pallas_call(
        functools.partial(_router_body, E=E, NT=NT),
        in_specs=[const(S, D), const(D, E), const(1, E),
                  const(D, F), const(1, F), const(F, D), const(1, D)],
        out_specs=[const(S, D), const(S, 1), const(S, 128), const(1, NT)],
        out_shape=[
            jax.ShapeDtypeStruct((S, D), jnp.float32),
            jax.ShapeDtypeStruct((S, 1), jnp.int32),
            jax.ShapeDtypeStruct((S, 128), jnp.float32),
            jax.ShapeDtypeStruct((1, NT), jnp.int32),
        ],
    )(x, Wr, br.reshape(1, E), Wsu, bsu.reshape(1, F), Wsd, bsd.reshape(1, D))


def _run_dispatch(p, x, w16, *, NTT):
    S, D = x.shape
    info = plsc.get_sparse_core_info()
    NC, NS = info.num_cores, info.num_subcores
    NW = NC * NS
    CH = S // NW
    mesh = plsc.VectorSubcoreMesh(core_axis_name="c", subcore_axis_name="s")

    @functools.partial(
        pl.kernel, mesh=mesh,
        out_type=[jax.ShapeDtypeStruct((NTT, D), jnp.float32),
                  jax.ShapeDtypeStruct((NTT, 128), jnp.float32)],
        scratch_types=[pltpu.VMEM((CH,), jnp.int32),
                       pltpu.VMEM((CH, D), jnp.float32),
                       pltpu.VMEM((CH, 128), jnp.float32),
                       pltpu.SemaphoreType.DMA],
    )
    def dispatch(p_hbm, x_hbm, w_hbm, xs_hbm, ws_hbm, p_v, x_v, w_v, sem):
        wid = lax.axis_index("s") * NC + lax.axis_index("c")
        row0 = wid * CH
        pltpu.sync_copy(p_hbm.at[pl.ds(row0, CH)], p_v)
        pltpu.sync_copy(x_hbm.at[pl.ds(row0, CH)], x_v)
        pltpu.sync_copy(w_hbm.at[pl.ds(row0, CH)], w_v)
        c1 = pltpu.async_copy(x_v, xs_hbm.at[p_v], sem)
        c2 = pltpu.async_copy(w_v, ws_hbm.at[p_v], sem)
        c1.wait()
        c2.wait()

    return dispatch(p, x, w16)


def _expert_body(te_ref, xs_ref, ws_ref, bu_ref, bd_ref, Wu_ref, Wd_ref,
                 ys_ref, wu_buf, wd_buf, xs_buf, ws_buf, ys_buf,
                 semwu, semwd, semx, semws, semy, *, NT):
    f32 = jnp.float32

    def start_in(j, slot):
        e = te_ref[0, j]
        pltpu.make_async_copy(Wu_ref.at[e], wu_buf.at[slot],
                              semwu.at[slot]).start()
        pltpu.make_async_copy(Wd_ref.at[e], wd_buf.at[slot],
                              semwd.at[slot]).start()
        pltpu.make_async_copy(xs_ref.at[pl.ds(j * T, T)], xs_buf.at[slot],
                              semx.at[slot]).start()
        pltpu.make_async_copy(ws_ref.at[pl.ds(j * T, T)], ws_buf.at[slot],
                              semws.at[slot]).start()

    def step(g, j, slot):
        e = te_ref[0, j]
        pltpu.make_async_copy(Wu_ref.at[e], wu_buf.at[slot],
                              semwu.at[slot]).wait()
        pltpu.make_async_copy(Wd_ref.at[e], wd_buf.at[slot],
                              semwd.at[slot]).wait()
        pltpu.make_async_copy(xs_ref.at[pl.ds(j * T, T)], xs_buf.at[slot],
                              semx.at[slot]).wait()
        pltpu.make_async_copy(ws_ref.at[pl.ds(j * T, T)], ws_buf.at[slot],
                              semws.at[slot]).wait()

        @pl.when(g >= 1)
        def _():
            pltpu.make_async_copy(ys_buf.at[slot],
                                  ys_ref.at[pl.ds((j - 2) * T, T)],
                                  semy.at[slot]).wait()

        bu = bu_ref[pl.ds(e, 1), :]
        bd = bd_ref[pl.ds(e, 1), :]
        h = _gelu(jnp.dot(xs_buf[slot], wu_buf[slot],
                          preferred_element_type=f32) + bu)
        down = jnp.dot(h, wd_buf[slot], preferred_element_type=f32) + bd
        ys_buf[slot] = down * ws_buf[slot][:, :1]
        pltpu.make_async_copy(ys_buf.at[slot], ys_ref.at[pl.ds(j * T, T)],
                              semy.at[slot]).start()

        @pl.when(j + 2 < NT)
        def _():
            start_in(j + 2, slot)

    start_in(0, 0)
    start_in(1, 1)

    def body(g, _):
        step(g, 2 * g, 0)
        step(g, 2 * g + 1, 1)
        return 0
    lax.fori_loop(0, NT // 2, body, 0, unroll=False)

    pltpu.make_async_copy(ys_buf.at[0], ys_ref.at[pl.ds((NT - 2) * T, T)],
                          semy.at[0]).wait()
    pltpu.make_async_copy(ys_buf.at[1], ys_ref.at[pl.ds((NT - 1) * T, T)],
                          semy.at[1]).wait()


def _run_experts(te, xs, ws, Wu, bu, Wd, bd, *, NT):
    NTT, D = xs.shape
    E, _, F = Wu.shape
    assert NT % 2 == 0
    any_spec = pl.BlockSpec(memory_space=pl.ANY)
    return pl.pallas_call(
        functools.partial(_expert_body, NT=NT),
        in_specs=[
            pl.BlockSpec(memory_space=pltpu.MemorySpace.SMEM),
            any_spec,
            any_spec,
            pl.BlockSpec((E, F), lambda: (0, 0)),
            pl.BlockSpec((E, D), lambda: (0, 0)),
            any_spec,
            any_spec,
        ],
        out_specs=any_spec,
        out_shape=jax.ShapeDtypeStruct((NTT, D), jnp.float32),
        scratch_shapes=[
            pltpu.VMEM((2, D, F), jnp.float32),
            pltpu.VMEM((2, F, D), jnp.float32),
            pltpu.VMEM((2, T, D), jnp.float32),
            pltpu.VMEM((2, T, 128), jnp.float32),
            pltpu.VMEM((2, T, D), jnp.float32),
            pltpu.SemaphoreType.DMA((2,)),
            pltpu.SemaphoreType.DMA((2,)),
            pltpu.SemaphoreType.DMA((2,)),
            pltpu.SemaphoreType.DMA((2,)),
            pltpu.SemaphoreType.DMA((2,)),
        ],
    )(te, xs, ws, bu, bd, Wu, Wd)


def _run_combine(p, ys, base):
    S, D = base.shape
    info = plsc.get_sparse_core_info()
    NC, NS, L16 = info.num_cores, info.num_subcores, info.num_lanes
    NW = NC * NS
    CH = S // NW
    mesh = plsc.VectorSubcoreMesh(core_axis_name="c", subcore_axis_name="s")

    @functools.partial(
        pl.kernel, mesh=mesh,
        out_type=jax.ShapeDtypeStruct((S, D), jnp.float32),
        scratch_types=[pltpu.VMEM((CH,), jnp.int32),
                       pltpu.VMEM((CH, D), jnp.float32),
                       pltpu.VMEM((CH, D), jnp.float32),
                       pltpu.SemaphoreType.DMA],
    )
    def combine(p_hbm, ys_hbm, base_hbm, out_hbm, p_v, y_v, b_v, sem):
        wid = lax.axis_index("s") * NC + lax.axis_index("c")
        row0 = wid * CH
        pltpu.sync_copy(p_hbm.at[pl.ds(row0, CH)], p_v)
        copy = pltpu.async_copy(ys_hbm.at[p_v], y_v, sem)
        pltpu.sync_copy(base_hbm.at[pl.ds(row0, CH)], b_v)
        copy.wait()

        def row_body(r, _):
            for c in range(D // L16):
                sl = pl.ds(c * L16, L16)
                b_v[r, sl] = b_v[r, sl] + y_v[r, sl]
            return 0
        lax.fori_loop(0, CH, row_body, 0)
        pltpu.sync_copy(b_v, out_hbm.at[pl.ds(row0, CH)])

    return combine(p, ys, base)


def kernel(hidden_states, Wr, br, Wu, bu, Wd, bd, Wsu, bsu, Wsd, bsd):
    B, S, D = hidden_states.shape
    E = Wr.shape[1]
    NT = E + (S - E) // T + 1
    NTT = NT * T
    x = hidden_states.reshape(S, D)

    base, p2, w16, te2 = _run_router(x, Wr, br, Wsu, bsu, Wsd, bsd, NT=NT)
    p = p2.reshape(S)
    xs, ws = _run_dispatch(p, x, w16, NTT=NTT)
    ys = _run_experts(te2, xs, ws, Wu, bu, Wd, bd, NT=NT)
    out = _run_combine(p, ys, base)
    return out.reshape(B, S, D)

# --- scband reference (transcript-rebuilt; emitter-appended) ---
"""Pipeline reference for scband-mixture-of-experts-72387378807203 (READ-ONLY COPY).

The authoritative reference and input builder live on the scoring server;
editing this copy changes nothing except your own understanding.
"""

import jax, jax.numpy as jnp
import numpy as np

B, S, D = 1, 2048, 768
E, K, F = 64, 1, 256

def setup_inputs(seed: int = 0) -> dict:
    key = jax.random.key(seed)
    ks = jax.random.split(key, 12)
    hidden_states = jax.random.normal(ks[0], (B, S, D), dtype=jnp.float32)
    Wr = jax.random.normal(ks[1], (D, E), dtype=jnp.float32) * 0.02
    br = jnp.zeros((E,), dtype=jnp.float32)
    Wu = jax.random.normal(ks[2], (E, D, F), dtype=jnp.float32) * 0.02
    bu = jnp.zeros((E, F), dtype=jnp.float32)
    Wd = jax.random.normal(ks[3], (E, F, D), dtype=jnp.float32) * 0.02
    bd = jnp.zeros((E, D), dtype=jnp.float32)
    Wsu = jax.random.normal(ks[4], (D, F), dtype=jnp.float32) * 0.02
    bsu = jnp.zeros((F,), dtype=jnp.float32)
    Wsd = jax.random.normal(ks[5], (F, D), dtype=jnp.float32) * 0.02
    bsd = jnp.zeros((D,), dtype=jnp.float32)
    return {"hidden_states": hidden_states, "Wr": Wr, "br": br,
            "Wu": Wu, "bu": bu, "Wd": Wd, "bd": bd,
            "Wsu": Wsu, "bsu": bsu, "Wsd": Wsd, "bsd": bsd}

def reference(hidden_states, Wr, br, Wu, bu, Wd, bd, Wsu, bsu, Wsd, bsd):
    # Router (eval mode: expert_bias is not added)
    router_logits = hidden_states @ Wr + br                      # [B,S,E]
    expert_weights = jax.nn.softmax(router_logits, axis=-1)
    top_k_weights, top_k_indices = jax.lax.top_k(expert_weights, K)
    # Shared expert (shared_expert_size=1)
    shared_output = jax.nn.gelu(hidden_states @ Wsu + bsu, approximate=False) @ Wsd + bsd
    # Routed experts: dense per-expert compute, then masked combine
    # (mathematically identical to the torch masked-scatter loop)
    up = jnp.einsum('bsd,edf->bsef', hidden_states, Wu) + bu     # [B,S,E,F]
    h = jax.nn.gelu(up, approximate=False)
    down = jnp.einsum('bsef,efd->bsed', h, Wd) + bd              # [B,S,E,D]
    expert_output = jnp.zeros_like(hidden_states)
    for i in range(K):
        onehot = jax.nn.one_hot(top_k_indices[..., i], E, dtype=hidden_states.dtype)  # [B,S,E]
        sel = jnp.einsum('bse,bsed->bsd', onehot, down)
        expert_output = expert_output + sel * top_k_weights[..., i:i + 1]
    output = hidden_states + shared_output + expert_output
    return output

if __name__ == "__main__":
    import jax
    _d = setup_inputs()
    print(jax.jit(kernel)(*tuple(_d.values())))

</pallas_src>

<mosaic_0001>
#map = affine_map<(d0, d1) -> (0)>
#map1 = affine_map<(d0, d1) -> (0, 0)>
module attributes {stable_mosaic.version = 14 : i64} {
  func.func @dispatch(%arg0: i32, %arg1: i32, %arg2: memref<2048xi32, #tpu.memory_space<hbm>>, %arg3: memref<2048x768xf32, #tpu.memory_space<hbm>>, %arg4: memref<2048x128xf32, #tpu.memory_space<hbm>>, %arg5: memref<10240x768xf32, #tpu.memory_space<hbm>>, %arg6: memref<10240x128xf32, #tpu.memory_space<hbm>>, %arg7: memref<64xi32, #tpu.memory_space<vmem>>, %arg8: memref<64x768xf32, #tpu.memory_space<vmem>>, %arg9: memref<64x128xf32, #tpu.memory_space<vmem>>, %arg10: memref<!tpu.dma_semaphore, #tpu.memory_space<semaphore_mem>>) attributes {dimension_semantics = [#tpu.dimension_semantics<core_parallel>, #tpu.dimension_semantics<subcore_parallel>], iteration_bounds = array<i64: 2, 16>, scalar_prefetch = 0 : i64, scratch_operands = 4 : i64, tpu.core_type = #tpu.core_type<sc_vector_subcore>, window_params = [{transform_indices = #map}, {transform_indices = #map1}, {transform_indices = #map1}, {transform_indices = #map1}, {transform_indices = #map1}]} {
    %mul3A = arith.constant 2 : i32
    %mul3A_0 = arith.muli %arg1, %mul3A : i32
    %add3A = arith.addi %mul3A_0, %arg0 : i32
    %mul3A_1 = arith.constant 64 : i32
    %mul3A_2 = arith.muli %add3A, %mul3A_1 : i32
    "tpu.region"() ({
      %run_scoped3A = tpu.sem_alloc : memref<!tpu.dma_semaphore, #tpu.memory_space<semaphore_mem>>
      %dma_start3A_13 = tpu.memref_slice %arg2[%mul3A_2] : memref<2048xi32, #tpu.memory_space<hbm>> -> memref<64xi32, #tpu.memory_space<hbm>>
      %dma_start3A_14 = tpu.memref_slice %arg2[%mul3A_2] : memref<2048xi32, #tpu.memory_space<hbm>> -> memref<64xi32, #tpu.memory_space<hbm>>
      tpu.enqueue_dma source(%dma_start3A_14 : memref<64xi32, #tpu.memory_space<hbm>>) target(%arg7 : memref<64xi32, #tpu.memory_space<vmem>>) target_semaphore(%run_scoped3A : memref<!tpu.dma_semaphore, #tpu.memory_space<semaphore_mem>>)
      %dma_wait3A_15 = tpu.memref_slice %arg2[%mul3A_2] : memref<2048xi32, #tpu.memory_space<hbm>> -> memref<64xi32, #tpu.memory_space<hbm>>
      %dma_wait3A_16 = tpu.memref_slice %arg2[%mul3A_2] : memref<2048xi32, #tpu.memory_space<hbm>> -> memref<64xi32, #tpu.memory_space<hbm>>
      tpu.wait_dma2 semaphore(%run_scoped3A : memref<!tpu.dma_semaphore, #tpu.memory_space<semaphore_mem>>) src(%dma_wait3A_16 : memref<64xi32, #tpu.memory_space<hbm>>) dst(%arg7 : memref<64xi32, #tpu.memory_space<vmem>>)
      tpu.yield
    }) : () -> ()
    "tpu.region"() ({
      %run_scoped3A = tpu.sem_alloc : memref<!tpu.dma_semaphore, #tpu.memory_space<semaphore_mem>>
      %dma_start3A_13 = arith.constant 0 : i32
      %dma_start3A_14 = tpu.memref_slice %arg3[%mul3A_2, %dma_start3A_13] : memref<2048x768xf32, #tpu.memory_space<hbm>> -> memref<64x768xf32, #tpu.memory_space<hbm>>
      %dma_start3A_15 = arith.constant 0 : i32
      %dma_start3A_16 = tpu.memref_slice %arg3[%mul3A_2, %dma_start3A_15] : memref<2048x768xf32, #tpu.memory_space<hbm>> -> memref<64x768xf32, #tpu.memory_space<hbm>>
      tpu.enqueue_dma source(%dma_start3A_16 : memref<64x768xf32, #tpu.memory_space<hbm>>) target(%arg8 : memref<64x768xf32, #tpu.memory_space<vmem>>) target_semaphore(%run_scoped3A : memref<!tpu.dma_semaphore, #tpu.memory_space<semaphore_mem>>)
      %dma_wait3A_17 = arith.constant 0 : i32
      %dma_wait3A_18 = tpu.memref_slice %arg3[%mul3A_2, %dma_wait3A_17] : memref<2048x768xf32, #tpu.memory_space<hbm>> -> memref<64x768xf32, #tpu.memory_space<hbm>>
      %dma_wait3A_19 = arith.constant 0 : i32
      %dma_wait3A_20 = tpu.memref_slice %arg3[%mul3A_2, %dma_wait3A_19] : memref<2048x768xf32, #tpu.memory_space<hbm>> -> memref<64x768xf32, #tpu.memory_space<hbm>>
      tpu.wait_dma2 semaphore(%run_scoped3A : memref<!tpu.dma_semaphore, #tpu.memory_space<semaphore_mem>>) src(%dma_wait3A_20 : memref<64x768xf32, #tpu.memory_space<hbm>>) dst(%arg8 : memref<64x768xf32, #tpu.memory_space<vmem>>)
      tpu.yield
    }) : () -> ()
    "tpu.region"() ({
      %run_scoped3A = tpu.sem_alloc : memref<!tpu.dma_semaphore, #tpu.memory_space<semaphore_mem>>
      %dma_start3A_13 = arith.constant 0 : i32
      %dma_start3A_14 = tpu.memref_slice %arg4[%mul3A_2, %dma_start3A_13] : memref<2048x128xf32, #tpu.memory_space<hbm>> -> memref<64x128xf32, #tpu.memory_space<hbm>>
      %dma_start3A_15 = arith.constant 0 : i32
      %dma_start3A_16 = tpu.memref_slice %arg4[%mul3A_2, %dma_start3A_15] : memref<2048x128xf32, #tpu.memory_space<hbm>> -> memref<64x128xf32, #tpu.memory_space<hbm>>
      tpu.enqueue_dma source(%dma_start3A_16 : memref<64x128xf32, #tpu.memory_space<hbm>>) target(%arg9 : memref<64x128xf32, #tpu.memory_space<vmem>>) target_semaphore(%run_scoped3A : memref<!tpu.dma_semaphore, #tpu.memory_space<semaphore_mem>>)
      %dma_wait3A_17 = arith.constant 0 : i32
      %dma_wait3A_18 = tpu.memref_slice %arg4[%mul3A_2, %dma_wait3A_17] : memref<2048x128xf32, #tpu.memory_space<hbm>> -> memref<64x128xf32, #tpu.memory_space<hbm>>
      %dma_wait3A_19 = arith.constant 0 : i32
      %dma_wait3A_20 = tpu.memref_slice %arg4[%mul3A_2, %dma_wait3A_19] : memref<2048x128xf32, #tpu.memory_space<hbm>> -> memref<64x128xf32, #tpu.memory_space<hbm>>
      tpu.wait_dma2 semaphore(%run_scoped3A : memref<!tpu.dma_semaphore, #tpu.memory_space<semaphore_mem>>) src(%dma_wait3A_20 : memref<64x128xf32, #tpu.memory_space<hbm>>) dst(%arg9 : memref<64x128xf32, #tpu.memory_space<vmem>>)
      tpu.yield
    }) : () -> ()
    %dma_start3A = arith.constant 0 : i32
    %dma_start3A_3 = arith.constant 0 : i32
    %dma_start3A_4 = tpu.memref_slice %arg5[%dma_start3A, %dma_start3A_3] : memref<10240x768xf32, #tpu.memory_space<hbm>> -> memref<10240x768xf32, #tpu.memory_space<hbm>>
    tpu.enqueue_indirect_dma source(%arg8 : memref<64x768xf32, #tpu.memory_space<vmem>>) target(%dma_start3A_4 : memref<10240x768xf32, #tpu.memory_space<hbm>>) offsets(%arg7 : memref<64xi32, #tpu.memory_space<vmem>>) semaphore(%arg10 : memref<!tpu.dma_semaphore, #tpu.memory_space<semaphore_mem>>)
    %dma_start3A_5 = arith.constant 0 : i32
    %dma_start3A_6 = arith.constant 0 : i32
    %dma_start3A_7 = tpu.memref_slice %arg6[%dma_start3A_5, %dma_start3A_6] : memref<10240x128xf32, #tpu.memory_space<hbm>> -> memref<10240x128xf32, #tpu.memory_space<hbm>>
    tpu.enqueue_indirect_dma source(%arg9 : memref<64x128xf32, #tpu.memory_space<vmem>>) target(%dma_start3A_7 : memref<10240x128xf32, #tpu.memory_space<hbm>>) offsets(%arg7 : memref<64xi32, #tpu.memory_space<vmem>>) semaphore(%arg10 : memref<!tpu.dma_semaphore, #tpu.memory_space<semaphore_mem>>)
    %dma_wait3A = arith.constant 0 : i32
    %dma_wait3A_8 = arith.constant 0 : i32
    %dma_wait3A_9 = tpu.memref_slice %arg5[%dma_wait3A, %dma_wait3A_8] : memref<10240x768xf32, #tpu.memory_space<hbm>> -> memref<10240x768xf32, #tpu.memory_space<hbm>>
    tpu.wait_indirect_dma semaphore(%arg10 : memref<!tpu.dma_semaphore, #tpu.memory_space<semaphore_mem>>) src(%arg8 : memref<64x768xf32, #tpu.memory_space<vmem>>) dst(%dma_wait3A_9 : memref<10240x768xf32, #tpu.memory_space<hbm>>)
    %dma_wait3A_10 = arith.constant 0 : i32
    %dma_wait3A_11 = arith.constant 0 : i32
    %dma_wait3A_12 = tpu.memref_slice %arg6[%dma_wait3A_10, %dma_wait3A_11] : memref<10240x128xf32, #tpu.memory_space<hbm>> -> memref<10240x128xf32, #tpu.memory_space<hbm>>
    tpu.wait_indirect_dma semaphore(%arg10 : memref<!tpu.dma_semaphore, #tpu.memory_space<semaphore_mem>>) src(%arg9 : memref<64x128xf32, #tpu.memory_space<vmem>>) dst(%dma_wait3A_12 : memref<10240x128xf32, #tpu.memory_space<hbm>>)
    return
  }
}

#map = affine_map<(d0, d1) -> (0)>
#map1 = affine_map<(d0, d1) -> (0, 0)>
module attributes {stable_mosaic.version = 14 : i64} {
  func.func @combine(%arg0: i32, %arg1: i32, %arg2: memref<2048xi32, #tpu.memory_space<hbm>>, %arg3: memref<10240x768xf32, #tpu.memory_space<hbm>>, %arg4: memref<2048x768xf32, #tpu.memory_space<hbm>>, %arg5: memref<2048x768xf32, #tpu.memory_space<hbm>>, %arg6: memref<64xi32, #tpu.memory_space<vmem>>, %arg7: memref<64x768xf32, #tpu.memory_space<vmem>>, %arg8: memref<64x768xf32, #tpu.memory_space<vmem>>, %arg9: memref<!tpu.dma_semaphore, #tpu.memory_space<semaphore_mem>>) attributes {dimension_semantics = [#tpu.dimension_semantics<core_parallel>, #tpu.dimension_semantics<subcore_parallel>], iteration_bounds = array<i64: 2, 16>, scalar_prefetch = 0 : i64, scratch_operands = 4 : i64, tpu.core_type = #tpu.core_type<sc_vector_subcore>, window_params = [{transform_indices = #map}, {transform_indices = #map1}, {transform_indices = #map1}, {transform_indices = #map1}]} {
    %mul3A = arith.constant 2 : i32
    %mul3A_0 = arith.muli %arg1, %mul3A : i32
    %add3A = arith.addi %mul3A_0, %arg0 : i32
    %mul3A_1 = arith.constant 64 : i32
    %mul3A_2 = arith.muli %add3A, %mul3A_1 : i32
    "tpu.region"() ({
      %run_scoped3A = tpu.sem_alloc : memref<!tpu.dma_semaphore, #tpu.memory_space<semaphore_mem>>
      %dma_start3A_13 = tpu.memref_slice %arg2[%mul3A_2] : memref<2048xi32, #tpu.memory_space<hbm>> -> memref<64xi32, #tpu.memory_space<hbm>>
      %dma_start3A_14 = tpu.memref_slice %arg2[%mul3A_2] : memref<2048xi32, #tpu.memory_space<hbm>> -> memref<64xi32, #tpu.memory_space<hbm>>
      tpu.enqueue_dma source(%dma_start3A_14 : memref<64xi32, #tpu.memory_space<hbm>>) target(%arg6 : memref<64xi32, #tpu.memory_space<vmem>>) target_semaphore(%run_scoped3A : memref<!tpu.dma_semaphore, #tpu.memory_space<semaphore_mem>>)
      %dma_wait3A_15 = tpu.memref_slice %arg2[%mul3A_2] : memref<2048xi32, #tpu.memory_space<hbm>> -> memref<64xi32, #tpu.memory_space<hbm>>
      %dma_wait3A_16 = tpu.memref_slice %arg2[%mul3A_2] : memref<2048xi32, #tpu.memory_space<hbm>> -> memref<64xi32, #tpu.memory_space<hbm>>
      tpu.wait_dma2 semaphore(%run_scoped3A : memref<!tpu.dma_semaphore, #tpu.memory_space<semaphore_mem>>) src(%dma_wait3A_16 : memref<64xi32, #tpu.memory_space<hbm>>) dst(%arg6 : memref<64xi32, #tpu.memory_space<vmem>>)
      tpu.yield
    }) : () -> ()
    %dma_start3A = arith.constant 0 : i32
    %dma_start3A_3 = arith.constant 0 : i32
    %dma_start3A_4 = tpu.memref_slice %arg3[%dma_start3A, %dma_start3A_3] : memref<10240x768xf32, #tpu.memory_space<hbm>> -> memref<10240x768xf32, #tpu.memory_space<hbm>>
    tpu.enqueue_indirect_dma source(%dma_start3A_4 : memref<10240x768xf32, #tpu.memory_space<hbm>>) target(%arg7 : memref<64x768xf32, #tpu.memory_space<vmem>>) offsets(%arg6 : memref<64xi32, #tpu.memory_space<vmem>>) semaphore(%arg9 : memref<!tpu.dma_semaphore, #tpu.memory_space<semaphore_mem>>)
    "tpu.region"() ({
      %run_scoped3A = tpu.sem_alloc : memref<!tpu.dma_semaphore, #tpu.memory_space<semaphore_mem>>
      %dma_start3A_13 = arith.constant 0 : i32
      %dma_start3A_14 = tpu.memref_slice %arg4[%mul3A_2, %dma_start3A_13] : memref<2048x768xf32, #tpu.memory_space<hbm>> -> memref<64x768xf32, #tpu.memory_space<hbm>>
      %dma_start3A_15 = arith.constant 0 : i32
      %dma_start3A_16 = tpu.memref_slice %arg4[%mul3A_2, %dma_start3A_15] : memref<2048x768xf32, #tpu.memory_space<hbm>> -> memref<64x768xf32, #tpu.memory_space<hbm>>
      tpu.enqueue_dma source(%dma_start3A_16 : memref<64x768xf32, #tpu.memory_space<hbm>>) target(%arg8 : memref<64x768xf32, #tpu.memory_space<vmem>>) target_semaphore(%run_scoped3A : memref<!tpu.dma_semaphore, #tpu.memory_space<semaphore_mem>>)
      %dma_wait3A_17 = arith.constant 0 : i32
      %dma_wait3A_18 = tpu.memref_slice %arg4[%mul3A_2, %dma_wait3A_17] : memref<2048x768xf32, #tpu.memory_space<hbm>> -> memref<64x768xf32, #tpu.memory_space<hbm>>
      %dma_wait3A_19 = arith.constant 0 : i32
      %dma_wait3A_20 = tpu.memref_slice %arg4[%mul3A_2, %dma_wait3A_19] : memref<2048x768xf32, #tpu.memory_space<hbm>> -> memref<64x768xf32, #tpu.memory_space<hbm>>
      tpu.wait_dma2 semaphore(%run_scoped3A : memref<!tpu.dma_semaphore, #tpu.memory_space<semaphore_mem>>) src(%dma_wait3A_20 : memref<64x768xf32, #tpu.memory_space<hbm>>) dst(%arg8 : memref<64x768xf32, #tpu.memory_space<vmem>>)
      tpu.yield
    }) : () -> ()
    %dma_wait3A = arith.constant 0 : i32
    %dma_wait3A_5 = arith.constant 0 : i32
    %dma_wait3A_6 = tpu.memref_slice %arg3[%dma_wait3A, %dma_wait3A_5] : memref<10240x768xf32, #tpu.memory_space<hbm>> -> memref<10240x768xf32, #tpu.memory_space<hbm>>
    tpu.wait_indirect_dma semaphore(%arg9 : memref<!tpu.dma_semaphore, #tpu.memory_space<semaphore_mem>>) src(%dma_wait3A_6 : memref<10240x768xf32, #tpu.memory_space<hbm>>) dst(%arg7 : memref<64x768xf32, #tpu.memory_space<vmem>>)
    %scan3A = arith.constant 0 : i32
    %scan3A_7 = arith.constant 0 : i32
    %scan3A_8 = arith.constant 64 : i32
    %scan3A_9 = arith.addi %scan3A_7, %scan3A_8 : i32
    %scan3A_10 = arith.constant 1 : i32
    %scan3A_11 = scf.for %scan3A_13 = %scan3A_7 to %scan3A_9 step %scan3A_10 iter_args(%scan3A_14 = %scan3A) -> (i32)  : i32 {
      %get3A = arith.index_cast %scan3A_13 : i32 to index
      %get3A_15 = arith.constant 0 : index
      %get3A_16 = tpu.vector_load %arg8[%get3A, %get3A_15] {strides = array<i32>} : memref<64x768xf32, #tpu.memory_space<vmem>>, vector<1x16xf32>,
      %get3A_17 = vector.shape_cast %get3A_16 : vector<1x16xf32> to vector<16xf32>
      %get3A_18 = arith.index_cast %scan3A_13 : i32 to index
      %get3A_19 = arith.constant 0 : index
      %get3A_20 = tpu.vector_load %arg7[%get3A_18, %get3A_19] {strides = array<i32>} : memref<64x768xf32, #tpu.memory_space<vmem>>, vector<1x16xf32>,
      %get3A_21 = vector.shape_cast %get3A_20 : vector<1x16xf32> to vector<16xf32>
      %add3A_22 = arith.addf %get3A_17, %get3A_21 : vector<16xf32>
      %swap3A = arith.index_cast %scan3A_13 : i32 to index
      %swap3A_23 = arith.constant 0 : index
      %swap3A_24 = tpu.vector_load %arg8[%swap3A, %swap3A_23] {strides = array<i32>} : memref<64x768xf32, #tpu.memory_space<vmem>>, vector<1x16xf32>,
      %swap3A_25 = vector.shape_cast %swap3A_24 : vector<1x16xf32> to vector<16xf32>
      %swap3A_26 = vector.shape_cast %add3A_22 : vector<16xf32> to vector<1x16xf32>
      tpu.vector_store %arg8[%swap3A, %swap3A_23], %swap3A_26 {strides = array<i32>} : memref<64x768xf32, #tpu.memory_space<vmem>>, vector<1x16xf32>,
      %get3A_27 = arith.index_cast %scan3A_13 : i32 to index
      %get3A_28 = arith.constant 16 : index
      %get3A_29 = tpu.vector_load %arg8[%get3A_27, %get3A_28] {strides = array<i32>} : memref<64x768xf32, #tpu.memory_space<vmem>>, vector<1x16xf32>,
      %get3A_30 = vector.shape_cast %get3A_29 : vector<1x16xf32> to vector<16xf32>
      %get3A_31 = arith.index_cast %scan3A_13 : i32 to index
      %get3A_32 = arith.constant 16 : index
      %get3A_33 = tpu.vector_load %arg7[%get3A_31, %get3A_32] {strides = array<i32>} : memref<64x768xf32, #tpu.memory_space<vmem>>, vector<1x16xf32>,
      %get3A_34 = vector.shape_cast %get3A_33 : vector<1x16xf32> to vector<16xf32>
      %add3A_35 = arith.addf %get3A_30, %get3A_34 : vector<16xf32>
      %swap3A_36 = arith.index_cast %scan3A_13 : i32 to index
      %swap3A_37 = arith.constant 16 : index
      %swap3A_38 = tpu.vector_load %arg8[%swap3A_36, %swap3A_37] {strides = array<i32>} : memref<64x768xf32, #tpu.memory_space<vmem>>, vector<1x16xf32>,
      %swap3A_39 = vector.shape_cast %swap3A_38 : vector<1x16xf32> to vector<16xf32>
      %swap3A_40 = vector.shape_cast %add3A_35 : vector<16xf32> to vector<1x16xf32>
      tpu.vector_store %arg8[%swap3A_36, %swap3A_37], %swap3A_40 {strides = array<i32>} : memref<64x768xf32, #tpu.memory_space<vmem>>, vector<1x16xf32>,
      %get3A_41 = arith.index_cast %scan3A_13 : i32 to index
      %get3A_42 = arith.constant 32 : index
      %get3A_43 = tpu.vector_load %arg8[%get3A_41, %get3A_42] {strides = array<i32>} : memref<64x768xf32, #tpu.memory_space<vmem>>, vector<1x16xf32>,
      %get3A_44 = vector.shape_cast %get3A_43 : vector<1x16xf32> to vector<16xf32>
      %get3A_45 = arith.index_cast %scan3A_13 : i32 to index
      %get3A_46 = arith.constant 32 : index
      %get3A_47 = tpu.vector_load %arg7[%get3A_45, %get3A_46] {strides = array<i32>} : memref<64x768xf32, #tpu.memory_space<vmem>>, vector<1x16xf32>,
      %get3A_48 = vector.shape_cast %get3A_47 : vector<1x16xf32> to vector<16xf32>
      %add3A_49 = arith.addf %get3A_44, %get3A_48 : vector<16xf32>
      %swap3A_50 = arith.index_cast %scan3A_13 : i32 to index
      %swap3A_51 = arith.constant 32 : index
      %swap3A_52 = tpu.vector_load %arg8[%swap3A_50, %swap3A_51] {strides = array<i32>} : memref<64x768xf32, #tpu.memory_space<vmem>>, vector<1x16xf32>,
      %swap3A_53 = vector.shape_cast %swap3A_52 : vector<1x16xf32> to vector<16xf32>
      %swap3A_54 = vector.shape_cast %add3A_49 : vector<16xf32> to vector<1x16xf32>
      tpu.vector_store %arg8[%swap3A_50, %swap3A_51], %swap3A_54 {strides = array<i32>} : memref<64x768xf32, #tpu.memory_space<vmem>>, vector<1x16xf32>,
      %get3A_55 = arith.index_cast %scan3A_13 : i32 to index
      %get3A_56 = arith.constant 48 : index
      %get3A_57 = tpu.vector_load %arg8[%get3A_55, %get3A_56] {strides = array<i32>} : memref<64x768xf32, #tpu.memory_space<vmem>>, vector<1x16xf32>,
      %get3A_58 = vector.shape_cast %get3A_57 : vector<1x16xf32> to vector<16xf32>
      %get3A_59 = arith.index_cast %scan3A_13 : i32 to index
      %get3A_60 = arith.constant 48 : index
      %get3A_61 = tpu.vector_load %arg7[%get3A_59, %get3A_60] {strides = array<i32>} : memref<64x768xf32, #tpu.memory_space<vmem>>, vector<1x16xf32>,
      %get3A_62 = vector.shape_cast %get3A_61 : vector<1x16xf32> to vector<16xf32>
      %add3A_63 = arith.addf %get3A_58, %get3A_62 : vector<16xf32>
      %swap3A_64 = arith.index_cast %scan3A_13 : i32 to index
      %swap3A_65 = arith.constant 48 : index
      %swap3A_66 = tpu.vector_load %arg8[%swap3A_64, %swap3A_65] {strides = array<i32>} : memref<64x768xf32, #tpu.memory_space<vmem>>, vector<1x16xf32>,
      %swap3A_67 = vector.shape_cast %swap3A_66 : vector<1x16xf32> to vector<16xf32>
      %swap3A_68 = vector.shape_cast %add3A_63 : vector<16xf32> to vector<1x16xf32>
      tpu.vector_store %arg8[%swap3A_64, %swap3A_65], %swap3A_68 {strides = array<i32>} : memref<64x768xf32, #tpu.memory_space<vmem>>, vector<1x16xf32>,
      %get3A_69 = arith.index_cast %scan3A_13 : i32 to index
      %get3A_70 = arith.constant 64 : index
      %get3A_71 = tpu.vector_load %arg8[%get3A_69, %get3A_70] {strides = array<i32>} : memref<64x768xf32, #tpu.memory_space<vmem>>, vector<1x16xf32>,
      %get3A_72 = vector.shape_cast %get3A_71 : vector<1x16xf32> to vector<16xf32>
      %get3A_73 = arith.index_cast %scan3A_13 : i32 to index
      %get3A_74 = arith.constant 64 : index
      %get3A_75 = tpu.vector_load %arg7[%get3A_73, %get3A_74] {strides = array<i32>} : memref<64x768xf32, #tpu.memory_space<vmem>>, vector<1x16xf32>,
      %get3A_76 = vector.shape_cast %get3A_75 : vector<1x16xf32> to vector<16xf32>
      %add3A_77 = arith.addf %get3A_72, %get3A_76 : vector<16xf32>
      %swap3A_78 = arith.index_cast %scan3A_13 : i32 to index
      %swap3A_79 = arith.constant 64 : index
      %swap3A_80 = tpu.vector_load %arg8[%swap3A_78, %swap3A_79] {strides = array<i32>} : memref<64x768xf32, #tpu.memory_space<vmem>>, vector<1x16xf32>,
      %swap3A_81 = vector.shape_cast %swap3A_80 : vector<1x16xf32> to vector<16xf32>
      %swap3A_82 = vector.shape_cast %add3A_77 : vector<16xf32> to vector<1x16xf32>
      tpu.vector_store %arg8[%swap3A_78, %swap3A_79], %swap3A_82 {strides = array<i32>} : memref<64x768xf32, #tpu.memory_space<vmem>>, vector<1x16xf32>,
      %get3A_83 = arith.index_cast %scan3A_13 : i32 to index
      %get3A_84 = arith.constant 80 : index
      %get3A_85 = tpu.vector_load %arg8[%get3A_83, %get3A_84] {strides = array<i32>} : memref<64x768xf32, #tpu.memory_space<vmem>>, vector<1x16xf32>,
      %get3A_86 = vector.shape_cast %get3A_85 : vector<1x16xf32> to vector<16xf32>
      %get3A_87 = arith.index_cast %scan3A_13 : i32 to index
      %get3A_88 = arith.constant 80 : index
      %get3A_89 = tpu.vector_load %arg7[%get3A_87, %get3A_88] {strides = array<i32>} : memref<64x768xf32, #tpu.memory_space<vmem>>, vector<1x16xf32>,
      %get3A_90 = vector.shape_cast %get3A_89 : vector<1x16xf32> to vector<16xf32>
      %add3A_91 = arith.addf %get3A_86, %get3A_90 : vector<16xf32>
      %swap3A_92 = arith.index_cast %scan3A_13 : i32 to index
      %swap3A_93 = arith.constant 80 : index
      %swap3A_94 = tpu.vector_load %arg8[%swap3A_92, %swap3A_93] {strides = array<i32>} : memref<64x768xf32, #tpu.memory_space<vmem>>, vector<1x16xf32>,
      %swap3A_95 = vector.shape_cast %swap3A_94 : vector<1x16xf32> to vector<16xf32>
      %swap3A_96 = vector.shape_cast %add3A_91 : vector<16xf32> to vector<1x16xf32>
      tpu.vector_store %arg8[%swap3A_92, %swap3A_93], %swap3A_96 {strides = array<i32>} : memref<64x768xf32, #tpu.memory_space<vmem>>, vector<1x16xf32>,
      %get3A_97 = arith.index_cast %scan3A_13 : i32 to index
      %get3A_98 = arith.constant 96 : index
      %get3A_99 = tpu.vector_load %arg8[%get3A_97, %get3A_98] {strides = array<i32>} : memref<64x768xf32, #tpu.memory_space<vmem>>, vector<1x16xf32>,
      %get3A_100 = vector.shape_cast %get3A_99 : vector<1x16xf32> to vector<16xf32>
      %get3A_101 = arith.index_cast %scan3A_13 : i32 to index
      %get3A_102 = arith.constant 96 : index
      %get3A_103 = tpu.vector_load %arg7[%get3A_101, %get3A_102] {strides = array<i32>} : memref<64x768xf32, #tpu.memory_space<vmem>>, vector<1x16xf32>,
      %get3A_104 = vector.shape_cast %get3A_103 : vector<1x16xf32> to vector<16xf32>
      %add3A_105 = arith.addf %get3A_100, %get3A_104 : vector<16xf32>
      %swap3A_106 = arith.index_cast %scan3A_13 : i32 to index
      %swap3A_107 = arith.constant 96 : index
      %swap3A_108 = tpu.vector_load %arg8[%swap3A_106, %swap3A_107] {strides = array<i32>} : memref<64x768xf32, #tpu.memory_space<vmem>>, vector<1x16xf32>,
      %swap3A_109 = vector.shape_cast %swap3A_108 : vector<1x16xf32> to vector<16xf32>
      %swap3A_110 = vector.shape_cast %add3A_105 : vector<16xf32> to vector<1x16xf32>
      tpu.vector_store %arg8[%swap3A_106, %swap3A_107], %swap3A_110 {strides = array<i32>} : memref<64x768xf32, #tpu.memory_space<vmem>>, vector<1x16xf32>,
      %get3A_111 = arith.index_cast %scan3A_13 : i32 to index
      %get3A_112 = arith.constant 112 : index
      %get3A_113 = tpu.vector_load %arg8[%get3A_111, %get3A_112] {strides = array<i32>} : memref<64x768xf32, #tpu.memory_space<vmem>>, vector<1x16xf32>,
      %get3A_114 = vector.shape_cast %get3A_113 : vector<1x16xf32> to vector<16xf32>
      %get3A_115 = arith.index_cast %scan3A_13 : i32 to index
      %get3A_116 = arith.constant 112 : index
      %get3A_117 = tpu.vector_load %arg7[%get3A_115, %get3A_116] {strides = array<i32>} : memref<64x768xf32, #tpu.memory_space<vmem>>, vector<1x16xf32>,
      %get3A_118 = vector.shape_cast %get3A_117 : vector<1x16xf32> to vector<16xf32>
      %add3A_119 = arith.addf %get3A_114, %get3A_118 : vector<16xf32>
      %swap3A_120 = arith.index_cast %scan3A_13 : i32 to index
      %swap3A_121 = arith.constant 112 : index
      %swap3A_122 = tpu.vector_load %arg8[%swap3A_120, %swap3A_121] {strides = array<i32>} : memref<64x768xf32, #tpu.memory_space<vmem>>, vector<1x16xf32>,
      %swap3A_123 = vector.shape_cast %swap3A_122 : vector<1x16xf32> to vector<16xf32>
      %swap3A_124 = vector.shape_cast %add3A_119 : vector<16xf32> to vector<1x16xf32>
      tpu.vector_store %arg8[%swap3A_120, %swap3A_121], %swap3A_124 {strides = array<i32>} : memref<64x768xf32, #tpu.memory_space<vmem>>, vector<1x16xf32>,
      %get3A_125 = arith.index_cast %scan3A_13 : i32 to index
      %get3A_126 = arith.constant 128 : index
      %get3A_127 = tpu.vector_load %arg8[%get3A_125, %get3A_126] {strides = array<i32>} : memref<64x768xf32, #tpu.memory_space<vmem>>, vector<1x16xf32>,
      %get3A_128 = vector.shape_cast %get3A_127 : vector<1x16xf32> to vector<16xf32>
      %get3A_129 = arith.index_cast %scan3A_13 : i32 to index
      %get3A_130 = arith.constant 128 : index
      %get3A_131 = tpu.vector_load %arg7[%get3A_129, %get3A_130] {strides = array<i32>} : memref<64x768xf32, #tpu.memory_space<vmem>>, vector<1x16xf32>,
      %get3A_132 = vector.shape_cast %get3A_131 : vector<1x16xf32> to vector<16xf32>
      %add3A_133 = arith.addf %get3A_128, %get3A_132 : vector<16xf32>
      %swap3A_134 = arith.index_cast %scan3A_13 : i32 to index
      %swap3A_135 = arith.constant 128 : index
      %swap3A_136 = tpu.vector_load %arg8[%swap3A_134, %swap3A_135] {strides = array<i32>} : memref<64x768xf32, #tpu.memory_space<vmem>>, vector<1x16xf32>,
      %swap3A_137 = vector.shape_cast %swap3A_136 : vector<1x16xf32> to vector<16xf32>
      %swap3A_138 = vector.shape_cast %add3A_133 : vector<16xf32> to vector<1x16xf32>
      tpu.vector_store %arg8[%swap3A_134, %swap3A_135], %swap3A_138 {strides = array<i32>} : memref<64x768xf32, #tpu.memory_space<vmem>>, vector<1x16xf32>,
      %get3A_139 = arith.index_cast %scan3A_13 : i32 to index
      %get3A_140 = arith.constant 144 : index
      %get3A_141 = tpu.vector_load %arg8[%get3A_139, %get3A_140] {strides = array<i32>} : memref<64x768xf32, #tpu.memory_space<vmem>>, vector<1x16xf32>,
      %get3A_142 = vector.shape_cast %get3A_141 : vector<1x16xf32> to vector<16xf32>
      %get3A_143 = arith.index_cast %scan3A_13 : i32 to index
      %get3A_144 = arith.constant 144 : index
      %get3A_145 = tpu.vector_load %arg7[%get3A_143, %get3A_144] {strides = array<i32>} : memref<64x768xf32, #tpu.memory_space<vmem>>, vector<1x16xf32>,
      %get3A_146 = vector.shape_cast %get3A_145 : vector<1x16xf32> to vector<16xf32>
      %add3A_147 = arith.addf %get3A_142, %get3A_146 : vector<16xf32>
      %swap3A_148 = arith.index_cast %scan3A_13 : i32 to index
      %swap3A_149 = arith.constant 144 : index
      %swap3A_150 = tpu.vector_load %arg8[%swap3A_148, %swap3A_149] {strides = array<i32>} : memref<64x768xf32, #tpu.memory_space<vmem>>, vector<1x16xf32>,
      %swap3A_151 = vector.shape_cast %swap3A_150 : vector<1x16xf32> to vector<16xf32>
      %swap3A_152 = vector.shape_cast %add3A_147 : vector<16xf32> to vector<1x16xf32>
      tpu.vector_store %arg8[%swap3A_148, %swap3A_149], %swap3A_152 {strides = array<i32>} : memref<64x768xf32, #tpu.memory_space<vmem>>, vector<1x16xf32>,
      %get3A_153 = arith.index_cast %scan3A_13 : i32 to index
      %get3A_154 = arith.constant 160 : index
      %get3A_155 = tpu.vector_load %arg8[%get3A_153, %get3A_154] {strides = array<i32>} : memref<64x768xf32, #tpu.memory_space<vmem>>, vector<1x16xf32>,
      %get3A_156 = vector.shape_cast %get3A_155 : vector<1x16xf32> to vector<16xf32>
      %get3A_157 = arith.index_cast %scan3A_13 : i32 to index
      %get3A_158 = arith.constant 160 : index
      %get3A_159 = tpu.vector_load %arg7[%get3A_157, %get3A_158] {strides = array<i32>} : memref<64x768xf32, #tpu.memory_space<vmem>>, vector<1x16xf32>,
      %get3A_160 = vector.shape_cast %get3A_159 : vector<1x16xf32> to vector<16xf32>
      %add3A_161 = arith.addf %get3A_156, %get3A_160 : vector<16xf32>
      %swap3A_162 = arith.index_cast %scan3A_13 : i32 to index
      %swap3A_163 = arith.constant 160 : index
      %swap3A_164 = tpu.vector_load %arg8[%swap3A_162, %swap3A_163] {strides = array<i32>} : memref<64x768xf32, #tpu.memory_space<vmem>>, vector<1x16xf32>,
      %swap3A_165 = vector.shape_cast %swap3A_164 : vector<1x16xf32> to vector<16xf32>
      %swap3A_166 = vector.shape_cast %add3A_161 : vector<16xf32> to vector<1x16xf32>
      tpu.vector_store %arg8[%swap3A_162, %swap3A_163], %swap3A_166 {strides = array<i32>} : memref<64x768xf32, #tpu.memory_space<vmem>>, vector<1x16xf32>,
      %get3A_167 = arith.index_cast %scan3A_13 : i32 to index
      %get3A_168 = arith.constant 176 : index
      %get3A_169 = tpu.vector_load %arg8[%get3A_167, %get3A_168] {strides = array<i32>} : memref<64x768xf32, #tpu.memory_space<vmem>>, vector<1x16xf32>,
      %get3A_170 = vector.shape_cast %get3A_169 : vector<1x16xf32> to vector<16xf32>
      %get3A_171 = arith.index_cast %scan3A_13 : i32 to index
      %get3A_172 = arith.constant 176 : index
      %get3A_173 = tpu.vector_load %arg7[%get3A_171, %get3A_172] {strides = array<i32>} : memref<64x768xf32, #tpu.memory_space<vmem>>, vector<1x16xf32>,
      %get3A_174 = vector.shape_cast %get3A_173 : vector<1x16xf32> to vector<16xf32>
      %add3A_175 = arith.addf %get3A_170, %get3A_174 : vector<16xf32>
      %swap3A_176 = arith.index_cast %scan3A_13 : i32 to index
      %swap3A_177 = arith.constant 176 : index
      %swap3A_178 = tpu.vector_load %arg8[%swap3A_176, %swap3A_177] {strides = array<i32>} : memref<64x768xf32, #tpu.memory_space<vmem>>, vector<1x16xf32>,
      %swap3A_179 = vector.shape_cast %swap3A_178 : vector<1x16xf32> to vector<16xf32>
      %swap3A_180 = vector.shape_cast %add3A_175 : vector<16xf32> to vector<1x16xf32>
      tpu.vector_store %arg8[%swap3A_176, %swap3A_177], %swap3A_180 {strides = array<i32>} : memref<64x768xf32, #tpu.memory_space<vmem>>, vector<1x16xf32>,
      %get3A_181 = arith.index_cast %scan3A_13 : i32 to index
      %get3A_182 = arith.constant 192 : index
      %get3A_183 = tpu.vector_load %arg8[%get3A_181, %get3A_182] {strides = array<i32>} : memref<64x768xf32, #tpu.memory_space<vmem>>, vector<1x16xf32>,
      %get3A_184 = vector.shape_cast %get3A_183 : vector<1x16xf32> to vector<16xf32>
      %get3A_185 = arith.index_cast %scan3A_13 : i32 to index
      %get3A_186 = arith.constant 192 : index
      %get3A_187 = tpu.vector_load %arg7[%get3A_185, %get3A_186] {strides = array<i32>} : memref<64x768xf32, #tpu.memory_space<vmem>>, vector<1x16xf32>,
      %get3A_188 = vector.shape_cast %get3A_187 : vector<1x16xf32> to vector<16xf32>
      %add3A_189 = arith.addf %get3A_184, %get3A_188 : vector<16xf32>
      %swap3A_190 = arith.index_cast %scan3A_13 : i32 to index
      %swap3A_191 = arith.constant 192 : index
      %swap3A_192 = tpu.vector_load %arg8[%swap3A_190, %swap3A_191] {strides = array<i32>} : memref<64x768xf32, #tpu.memory_space<vmem>>, vector<1x16xf32>,
      %swap3A_193 = vector.shape_cast %swap3A_192 : vector<1x16xf32> to vector<16xf32>
      %swap3A_194 = vector.shape_cast %add3A_189 : vector<16xf32> to vector<1x16xf32>
      tpu.vector_store %arg8[%swap3A_190, %swap3A_191], %swap3A_194 {strides = array<i32>} : memref<64x768xf32, #tpu.memory_space<vmem>>, vector<1x16xf32>,
      %get3A_195 = arith.index_cast %scan3A_13 : i32 to index
      %get3A_196 = arith.constant 208 : index
      %get3A_197 = tpu.vector_load %arg8[%get3A_195, %get3A_196] {strides = array<i32>} : memref<64x768xf32, #tpu.memory_space<vmem>>, vector<1x16xf32>,
      %get3A_198 = vector.shape_cast %get3A_197 : vector<1x16xf32> to vector<16xf32>
      %get3A_199 = arith.index_cast %scan3A_13 : i32 to index
      %get3A_200 = arith.constant 208 : index
      %get3A_201 = tpu.vector_load %arg7[%get3A_199, %get3A_200] {strides = array<i32>} : memref<64x768xf32, #tpu.memory_space<vmem>>, vector<1x16xf32>,
      %get3A_202 = vector.shape_cast %get3A_201 : vector<1x16xf32> to vector<16xf32>
      %add3A_203 = arith.addf %get3A_198, %get3A_202 : vector<16xf32>
      %swap3A_204 = arith.index_cast %scan3A_13 : i32 to index
      %swap3A_205 = arith.constant 208 : index
      %swap3A_206 = tpu.vector_load %arg8[%swap3A_204, %swap3A_205] {strides = array<i32>} : memref<64x768xf32, #tpu.memory_space<vmem>>, vector<1x16xf32>,
      %swap3A_207 = vector.shape_cast %swap3A_206 : vector<1x16xf32> to vector<16xf32>
      %swap3A_208 = vector.shape_cast %add3A_203 : vector<16xf32> to vector<1x16xf32>
      tpu.vector_store %arg8[%swap3A_204, %swap3A_205], %swap3A_208 {strides = array<i32>} : memref<64x768xf32, #tpu.memory_space<vmem>>, vector<1x16xf32>,
      %get3A_209 = arith.index_cast %scan3A_13 : i32 to index
      %get3A_210 = arith.constant 224 : index
      %get3A_211 = tpu.vector_load %arg8[%get3A_209, %get3A_210] {strides = array<i32>} : memref<64x768xf32, #tpu.memory_space<vmem>>, vector<1x16xf32>,
      %get3A_212 = vector.shape_cast %get3A_211 : vector<1x16xf32> to vector<16xf32>
      %get3A_213 = arith.index_cast %scan3A_13 : i32 to index
      %get3A_214 = arith.constant 224 : index
      %get3A_215 = tpu.vector_load %arg7[%get3A_213, %get3A_214] {strides = array<i32>} : memref<64x768xf32, #tpu.memory_space<vmem>>, vector<1x16xf32>,
      %get3A_216 = vector.shape_cast %get3A_215 : vector<1x16xf32> to vector<16xf32>
      %add3A_217 = arith.addf %get3A_212, %get3A_216 : vector<16xf32>
      %swap3A_218 = arith.index_cast %scan3A_13 : i32 to index
      %swap3A_219 = arith.constant 224 : index
      %swap3A_220 = tpu.vector_load %arg8[%swap3A_218, %swap3A_219] {strides = array<i32>} : memref<64x768xf32, #tpu.memory_space<vmem>>, vector<1x16xf32>,
      %swap3A_221 = vector.shape_cast %swap3A_220 : vector<1x16xf32> to vector<16xf32>
      %swap3A_222 = vector.shape_cast %add3A_217 : vector<16xf32> to vector<1x16xf32>
      tpu.vector_store %arg8[%swap3A_218, %swap3A_219], %swap3A_222 {strides = array<i32>} : memref<64x768xf32, #tpu.memory_space<vmem>>, vector<1x16xf32>,
      %get3A_223 = arith.index_cast %scan3A_13 : i32 to index
      %get3A_224 = arith.constant 240 : index
      %get3A_225 = tpu.vector_load %arg8[%get3A_223, %get3A_224] {strides = array<i32>} : memref<64x768xf32, #tpu.memory_space<vmem>>, vector<1x16xf32>,
      %get3A_226 = vector.shape_cast %get3A_225 : vector<1x16xf32> to vector<16xf32>
      %get3A_227 = arith.index_cast %scan3A_13 : i32 to index
      %get3A_228 = arith.constant 240 : index
      %get3A_229 = tpu.vector_load %arg7[%get3A_227, %get3A_228] {strides = array<i32>} : memref<64x768xf32, #tpu.memory_space<vmem>>, vector<1x16xf32>,
      %get3A_230 = vector.shape_cast %get3A_229 : vector<1x16xf32> to vector<16xf32>
      %add3A_231 = arith.addf %get3A_226, %get3A_230 : vector<16xf32>
      %swap3A_232 = arith.index_cast %scan3A_13 : i32 to index
      %swap3A_233 = arith.constant 240 : index
      %swap3A_234 = tpu.vector_load %arg8[%swap3A_232, %swap3A_233] {strides = array<i32>} : memref<64x768xf32, #tpu.memory_space<vmem>>, vector<1x16xf32>,
      %swap3A_235 = vector.shape_cast %swap3A_234 : vector<1x16xf32> to vector<16xf32>
      %swap3A_236 = vector.shape_cast %add3A_231 : vector<16xf32> to vector<1x16xf32>
      tpu.vector_store %arg8[%swap3A_232, %swap3A_233], %swap3A_236 {strides = array<i32>} : memref<64x768xf32, #tpu.memory_space<vmem>>, vector<1x16xf32>,
      %get3A_237 = arith.index_cast %scan3A_13 : i32 to index
      %get3A_238 = arith.constant 256 : index
      %get3A_239 = tpu.vector_load %arg8[%get3A_237, %get3A_238] {strides = array<i32>} : memref<64x768xf32, #tpu.memory_space<vmem>>, vector<1x16xf32>,
      %get3A_240 = vector.shape_cast %get3A_239 : vector<1x16xf32> to vector<16xf32>
      %get3A_241 = arith.index_cast %scan3A_13 : i32 to index
      %get3A_242 = arith.constant 256 : index
      %get3A_243 = tpu.vector_load %arg7[%get3A_241, %get3A_242] {strides = array<i32>} : memref<64x768xf32, #tpu.memory_space<vmem>>, vector<1x16xf32>,
      %get3A_244 = vector.shape_cast %get3A_243 : vector<1x16xf32> to vector<16xf32>
      %add3A_245 = arith.addf %get3A_240, %get3A_244 : vector<16xf32>
      %swap3A_246 = arith.index_cast %scan3A_13 : i32 to index
      %swap3A_247 = arith.constant 256 : index
      %swap3A_248 = tpu.vector_load %arg8[%swap3A_246, %swap3A_247] {strides = array<i32>} : memref<64x768xf32, #tpu.memory_space<vmem>>, vector<1x16xf32>,
      %swap3A_249 = vector.shape_cast %swap3A_248 : vector<1x16xf32> to vector<16xf32>
      %swap3A_250 = vector.shape_cast %add3A_245 : vector<16xf32> to vector<1x16xf32>
      tpu.vector_store %arg8[%swap3A_246, %swap3A_247], %swap3A_250 {strides = array<i32>} : memref<64x768xf32, #tpu.memory_space<vmem>>, vector<1x16xf32>,
      %get3A_251 = arith.index_cast %scan3A_13 : i32 to index
      %get3A_252 = arith.constant 272 : index
      %get3A_253 = tpu.vector_load %arg8[%get3A_251, %get3A_252] {strides = array<i32>} : memref<64x768xf32, #tpu.memory_space<vmem>>, vector<1x16xf32>,
      %get3A_254 = vector.shape_cast %get3A_253 : vector<1x16xf32> to vector<16xf32>
      %get3A_255 = arith.index_cast %scan3A_13 : i32 to index
      %get3A_256 = arith.constant 272 : index
      %get3A_257 = tpu.vector_load %arg7[%get3A_255, %get3A_256] {strides = array<i32>} : memref<64x768xf32, #tpu.memory_space<vmem>>, vector<1x16xf32>,
      %get3A_258 = vector.shape_cast %get3A_257 : vector<1x16xf32> to vector<16xf32>
      %add3A_259 = arith.addf %get3A_254, %get3A_258 : vector<16xf32>
      %swap3A_260 = arith.index_cast %scan3A_13 : i32 to index
      %swap3A_261 = arith.constant 272 : index
      %swap3A_262 = tpu.vector_load %arg8[%swap3A_260, %swap3A_261] {strides = array<i32>} : memref<64x768xf32, #tpu.memory_space<vmem>>, vector<1x16xf32>,
      %swap3A_263 = vector.shape_cast %swap3A_262 : vector<1x16xf32> to vector<16xf32>
      %swap3A_264 = vector.shape_cast %add3A_259 : vector<16xf32> to vector<1x16xf32>
      tpu.vector_store %arg8[%swap3A_260, %swap3A_261], %swap3A_264 {strides = array<i32>} : memref<64x768xf32, #tpu.memory_space<vmem>>, vector<1x16xf32>,
      %get3A_265 = arith.index_cast %scan3A_13 : i32 to index
      %get3A_266 = arith.constant 288 : index
      %get3A_267 = tpu.vector_load %arg8[%get3A_265, %get3A_266] {strides = array<i32>} : memref<64x768xf32, #tpu.memory_space<vmem>>, vector<1x16xf32>,
      %get3A_268 = vector.shape_cast %get3A_267 : vector<1x16xf32> to vector<16xf32>
      %get3A_269 = arith.index_cast %scan3A_13 : i32 to index
      %get3A_270 = arith.constant 288 : index
      %get3A_271 = tpu.vector_load %arg7[%get3A_269, %get3A_270] {strides = array<i32>} : memref<64x768xf32, #tpu.memory_space<vmem>>, vector<1x16xf32>,
      %get3A_272 = vector.shape_cast %get3A_271 : vector<1x16xf32> to vector<16xf32>
      %add3A_273 = arith.addf %get3A_268, %get3A_272 : vector<16xf32>
      %swap3A_274 = arith.index_cast %scan3A_13 : i32 to index
      %swap3A_275 = arith.constant 288 : index
      %swap3A_276 = tpu.vector_load %arg8[%swap3A_274, %swap3A_275] {strides = array<i32>} : memref<64x768xf32, #tpu.memory_space<vmem>>, vector<1x16xf32>,
      %swap3A_277 = vector.shape_cast %swap3A_276 : vector<1x16xf32> to vector<16xf32>
      %swap3A_278 = vector.shape_cast %add3A_273 : vector<16xf32> to vector<1x16xf32>
      tpu.vector_store %arg8[%swap3A_274, %swap3A_275], %swap3A_278 {strides = array<i32>} : memref<64x768xf32, #tpu.memory_space<vmem>>, vector<1x16xf32>,
      %get3A_279 = arith.index_cast %scan3A_13 : i32 to index
      %get3A_280 = arith.constant 304 : index
      %get3A_281 = tpu.vector_load %arg8[%get3A_279, %get3A_280] {strides = array<i32>} : memref<64x768xf32, #tpu.memory_space<vmem>>, vector<1x16xf32>,
      %get3A_282 = vector.shape_cast %get3A_281 : vector<1x16xf32> to vector<16xf32>
      %get3A_283 = arith.index_cast %scan3A_13 : i32 to index
      %get3A_284 = arith.constant 304 : index
      %get3A_285 = tpu.vector_load %arg7[%get3A_283, %get3A_284] {strides = array<i32>} : memref<64x768xf32, #tpu.memory_space<vmem>>, vector<1x16xf32>,
      %get3A_286 = vector.shape_cast %get3A_285 : vector<1x16xf32> to vector<16xf32>
      %add3A_287 = arith.addf %get3A_282, %get3A_286 : vector<16xf32>
      %swap3A_288 = arith.index_cast %scan3A_13 : i32 to index
      %swap3A_289 = arith.constant 304 : index
      %swap3A_290 = tpu.vector_load %arg8[%swap3A_288, %swap3A_289] {strides = array<i32>} : memref<64x768xf32, #tpu.memory_space<vmem>>, vector<1x16xf32>,
      %swap3A_291 = vector.shape_cast %swap3A_290 : vector<1x16xf32> to vector<16xf32>
      %swap3A_292 = vector.shape_cast %add3A_287 : vector<16xf32> to vector<1x16xf32>
      tpu.vector_store %arg8[%swap3A_288, %swap3A_289], %swap3A_292 {strides = array<i32>} : memref<64x768xf32, #tpu.memory_space<vmem>>, vector<1x16xf32>,
      %get3A_293 = arith.index_cast %scan3A_13 : i32 to index
      %get3A_294 = arith.constant 320 : index
      %get3A_295 = tpu.vector_load %arg8[%get3A_293, %get3A_294] {strides = array<i32>} : memref<64x768xf32, #tpu.memory_space<vmem>>, vector<1x16xf32>,
      %get3A_296 = vector.shape_cast %get3A_295 : vector<1x16xf32> to vector<16xf32>
      %get3A_297 = arith.index_cast %scan3A_13 : i32 to index
      %get3A_298 = arith.constant 320 : index
      %get3A_299 = tpu.vector_load %arg7[%get3A_297, %get3A_298] {strides = array<i32>} : memref<64x768xf32, #tpu.memory_space<vmem>>, vector<1x16xf32>,
      %get3A_300 = vector.shape_cast %get3A_299 : vector<1x16xf32> to vector<16xf32>
      %add3A_301 = arith.addf %get3A_296, %get3A_300 : vector<16xf32>
      %swap3A_302 = arith.index_cast %scan3A_13 : i32 to index
      %swap3A_303 = arith.constant 320 : index
      %swap3A_304 = tpu.vector_load %arg8[%swap3A_302, %swap3A_303] {strides = array<i32>} : memref<64x768xf32, #tpu.memory_space<vmem>>, vector<1x16xf32>,
      %swap3A_305 = vector.shape_cast %swap3A_304 : vector<1x16xf32> to vector<16xf32>
      %swap3A_306 = vector.shape_cast %add3A_301 : vector<16xf32> to vector<1x16xf32>
      tpu.vector_store %arg8[%swap3A_302, %swap3A_303], %swap3A_306 {strides = array<i32>} : memref<64x768xf32, #tpu.memory_space<vmem>>, vector<1x16xf32>,
      %get3A_307 = arith.index_cast %scan3A_13 : i32 to index
      %get3A_308 = arith.constant 336 : index
      %get3A_309 = tpu.vector_load %arg8[%get3A_307, %get3A_308] {strides = array<i32>} : memref<64x768xf32, #tpu.memory_space<vmem>>, vector<1x16xf32>,
      %get3A_310 = vector.shape_cast %get3A_309 : vector<1x16xf32> to vector<16xf32>
      %get3A_311 = arith.index_cast %scan3A_13 : i32 to index
      %get3A_312 = arith.constant 336 : index
      %get3A_313 = tpu.vector_load %arg7[%get3A_311, %get3A_312] {strides = array<i32>} : memref<64x768xf32, #tpu.memory_space<vmem>>, vector<1x16xf32>,
      %get3A_314 = vector.shape_cast %get3A_313 : vector<1x16xf32> to vector<16xf32>
      %add3A_315 = arith.addf %get3A_310, %get3A_314 : vector<16xf32>
      %swap3A_316 = arith.index_cast %scan3A_13 : i32 to index
      %swap3A_317 = arith.constant 336 : index
      %swap3A_318 = tpu.vector_load %arg8[%swap3A_316, %swap3A_317] {strides = array<i32>} : memref<64x768xf32, #tpu.memory_space<vmem>>, vector<1x16xf32>,
      %swap3A_319 = vector.shape_cast %swap3A_318 : vector<1x16xf32> to vector<16xf32>
      %swap3A_320 = vector.shape_cast %add3A_315 : vector<16xf32> to vector<1x16xf32>
      tpu.vector_store %arg8[%swap3A_316, %swap3A_317], %swap3A_320 {strides = array<i32>} : memref<64x768xf32, #tpu.memory_space<vmem>>, vector<1x16xf32>,
      %get3A_321 = arith.index_cast %scan3A_13 : i32 to index
      %get3A_322 = arith.constant 352 : index
      %get3A_323 = tpu.vector_load %arg8[%get3A_321, %get3A_322] {strides = array<i32>} : memref<64x768xf32, #tpu.memory_space<vmem>>, vector<1x16xf32>,
      %get3A_324 = vector.shape_cast %get3A_323 : vector<1x16xf32> to vector<16xf32>
      %get3A_325 = arith.index_cast %scan3A_13 : i32 to index
      %get3A_326 = arith.constant 352 : index
      %get3A_327 = tpu.vector_load %arg7[%get3A_325, %get3A_326] {strides = array<i32>} : memref<64x768xf32, #tpu.memory_space<vmem>>, vector<1x16xf32>,
      %get3A_328 = vector.shape_cast %get3A_327 : vector<1x16xf32> to vector<16xf32>
      %add3A_329 = arith.addf %get3A_324, %get3A_328 : vector<16xf32>
      %swap3A_330 = arith.index_cast %scan3A_13 : i32 to index
      %swap3A_331 = arith.constant 352 : index
      %swap3A_332 = tpu.vector_load %arg8[%swap3A_330, %swap3A_331] {strides = array<i32>} : memref<64x768xf32, #tpu.memory_space<vmem>>, vector<1x16xf32>,
      %swap3A_333 = vector.shape_cast %swap3A_332 : vector<1x16xf32> to vector<16xf32>
      %swap3A_334 = vector.shape_cast %add3A_329 : vector<16xf32> to vector<1x16xf32>
      tpu.vector_store %arg8[%swap3A_330, %swap3A_331], %swap3A_334 {strides = array<i32>} : memref<64x768xf32, #tpu.memory_space<vmem>>, vector<1x16xf32>,
      %get3A_335 = arith.index_cast %scan3A_13 : i32 to index
      %get3A_336 = arith.constant 368 : index
      %get3A_337 = tpu.vector_load %arg8[%get3A_335, %get3A_336] {strides = array<i32>} : memref<64x768xf32, #tpu.memory_space<vmem>>, vector<1x16xf32>,
      %get3A_338 = vector.shape_cast %get3A_337 : vector<1x16xf32> to vector<16xf32>
      %get3A_339 = arith.index_cast %scan3A_13 : i32 to index
      %get3A_340 = arith.constant 368 : index
      %get3A_341 = tpu.vector_load %arg7[%get3A_339, %get3A_340] {strides = array<i32>} : memref<64x768xf32, #tpu.memory_space<vmem>>, vector<1x16xf32>,
      %get3A_342 = vector.shape_cast %get3A_341 : vector<1x16xf32> to vector<16xf32>
      %add3A_343 = arith.addf %get3A_338, %get3A_342 : vector<16xf32>
      %swap3A_344 = arith.index_cast %scan3A_13 : i32 to index
      %swap3A_345 = arith.constant 368 : index
      %swap3A_346 = tpu.vector_load %arg8[%swap3A_344, %swap3A_345] {strides = array<i32>} : memref<64x768xf32, #tpu.memory_space<vmem>>, vector<1x16xf32>,
      %swap3A_347 = vector.shape_cast %swap3A_346 : vector<1x16xf32> to vector<16xf32>
      %swap3A_348 = vector.shape_cast %add3A_343 : vector<16xf32> to vector<1x16xf32>
      tpu.vector_store %arg8[%swap3A_344, %swap3A_345], %swap3A_348 {strides = array<i32>} : memref<64x768xf32, #tpu.memory_space<vmem>>, vector<1x16xf32>,
      %get3A_349 = arith.index_cast %scan3A_13 : i32 to index
      %get3A_350 = arith.constant 384 : index
      %get3A_351 = tpu.vector_load %arg8[%get3A_349, %get3A_350] {strides = array<i32>} : memref<64x768xf32, #tpu.memory_space<vmem>>, vector<1x16xf32>,
      %get3A_352 = vector.shape_cast %get3A_351 : vector<1x16xf32> to vector<16xf32>
      %get3A_353 = arith.index_cast %scan3A_13 : i32 to index
      %get3A_354 = arith.constant 384 : index
      %get3A_355 = tpu.vector_load %arg7[%get3A_353, %get3A_354] {strides = array<i32>} : memref<64x768xf32, #tpu.memory_space<vmem>>, vector<1x16xf32>,
      %get3A_356 = vector.shape_cast %get3A_355 : vector<1x16xf32> to vector<16xf32>
      %add3A_357 = arith.addf %get3A_352, %get3A_356 : vector<16xf32>
      %swap3A_358 = arith.index_cast %scan3A_13 : i32 to index
      %swap3A_359 = arith.constant 384 : index
      %swap3A_360 = tpu.vector_load %arg8[%swap3A_358, %swap3A_359] {strides = array<i32>} : memref<64x768xf32, #tpu.memory_space<vmem>>, vector<1x16xf32>,
      %swap3A_361 = vector.shape_cast %swap3A_360 : vector<1x16xf32> to vector<16xf32>
      %swap3A_362 = vector.shape_cast %add3A_357 : vector<16xf32> to vector<1x16xf32>
      tpu.vector_store %arg8[%swap3A_358, %swap3A_359], %swap3A_362 {strides = array<i32>} : memref<64x768xf32, #tpu.memory_space<vmem>>, vector<1x16xf32>,
      %get3A_363 = arith.index_cast %scan3A_13 : i32 to index
      %get3A_364 = arith.constant 400 : index
      %get3A_365 = tpu.vector_load %arg8[%get3A_363, %get3A_364] {strides = array<i32>} : memref<64x768xf32, #tpu.memory_space<vmem>>, vector<1x16xf32>,
      %get3A_366 = vector.shape_cast %get3A_365 : vector<1x16xf32> to vector<16xf32>
      %get3A_367 = arith.index_cast %scan3A_13 : i32 to index
      %get3A_368 = arith.constant 400 : index
      %get3A_369 = tpu.vector_load %arg7[%get3A_367, %get3A_368] {strides = array<i32>} : memref<64x768xf32, #tpu.memory_space<vmem>>, vector<1x16xf32>,
      %get3A_370 = vector.shape_cast %get3A_369 : vector<1x16xf32> to vector<16xf32>
      %add3A_371 = arith.addf %get3A_366, %get3A_370 : vector<16xf32>
      %swap3A_372 = arith.index_cast %scan3A_13 : i32 to index
      %swap3A_373 = arith.constant 400 : index
      %swap3A_374 = tpu.vector_load %arg8[%swap3A_372, %swap3A_373] {strides = array<i32>} : memref<64x768xf32, #tpu.memory_space<vmem>>, vector<1x16xf32>,
      %swap3A_375 = vector.shape_cast %swap3A_374 : vector<1x16xf32> to vector<16xf32>
      %swap3A_376 = vector.shape_cast %add3A_371 : vector<16xf32> to vector<1x16xf32>
      tpu.vector_store %arg8[%swap3A_372, %swap3A_373], %swap3A_376 {strides = array<i32>} : memref<64x768xf32, #tpu.memory_space<vmem>>, vector<1x16xf32>,
      %get3A_377 = arith.index_cast %scan3A_13 : i32 to index
      %get3A_378 = arith.constant 416 : index
      %get3A_379 = tpu.vector_load %arg8[%get3A_377, %get3A_378] {strides = array<i32>} : memref<64x768xf32, #tpu.memory_space<vmem>>, vector<1x16xf32>,
      %get3A_380 = vector.shape_cast %get3A_379 : vector<1x16xf32> to vector<16xf32>
      %get3A_381 = arith.index_cast %scan3A_13 : i32 to index
      %get3A_382 = arith.constant 416 : index
      %get3A_383 = tpu.vector_load %arg7[%get3A_381, %get3A_382] {strides = array<i32>} : memref<64x768xf32, #tpu.memory_space<vmem>>, vector<1x16xf32>,
      %get3A_384 = vector.shape_cast %get3A_383 : vector<1x16xf32> to vector<16xf32>
      %add3A_385 = arith.addf %get3A_380, %get3A_384 : vector<16xf32>
      %swap3A_386 = arith.index_cast %scan3A_13 : i32 to index
      %swap3A_387 = arith.constant 416 : index
      %swap3A_388 = tpu.vector_load %arg8[%swap3A_386, %swap3A_387] {strides = array<i32>} : memref<64x768xf32, #tpu.memory_space<vmem>>, vector<1x16xf32>,
      %swap3A_389 = vector.shape_cast %swap3A_388 : vector<1x16xf32> to vector<16xf32>
      %swap3A_390 = vector.shape_cast %add3A_385 : vector<16xf32> to vector<1x16xf32>
      tpu.vector_store %arg8[%swap3A_386, %swap3A_387], %swap3A_390 {strides = array<i32>} : memref<64x768xf32, #tpu.memory_space<vmem>>, vector<1x16xf32>,
      %get3A_391 = arith.index_cast %scan3A_13 : i32 to index
      %get3A_392 = arith.constant 432 : index
      %get3A_393 = tpu.vector_load %arg8[%get3A_391, %get3A_392] {strides = array<i32>} : memref<64x768xf32, #tpu.memory_space<vmem>>, vector<1x16xf32>,
      %get3A_394 = vector.shape_cast %get3A_393 : vector<1x16xf32> to vector<16xf32>
      %get3A_395 = arith.index_cast %scan3A_13 : i32 to index
      %get3A_396 = arith.constant 432 : index
      %get3A_397 = tpu.vector_load %arg7[%get3A_395, %get3A_396] {strides = array<i32>} : memref<64x768xf32, #tpu.memory_space<vmem>>, vector<1x16xf32>,
      %get3A_398 = vector.shape_cast %get3A_397 : vector<1x16xf32> to vector<16xf32>
      %add3A_399 = arith.addf %get3A_394, %get3A_398 : vector<16xf32>
      %swap3A_400 = arith.index_cast %scan3A_13 : i32 to index
      %swap3A_401 = arith.constant 432 : index
      %swap3A_402 = tpu.vector_load %arg8[%swap3A_400, %swap3A_401] {strides = array<i32>} : memref<64x768xf32, #tpu.memory_space<vmem>>, vector<1x16xf32>,
      %swap3A_403 = vector.shape_cast %swap3A_402 : vector<1x16xf32> to vector<16xf32>
      %swap3A_404 = vector.shape_cast %add3A_399 : vector<16xf32> to vector<1x16xf32>
      tpu.vector_store %arg8[%swap3A_400, %swap3A_401], %swap3A_404 {strides = array<i32>} : memref<64x768xf32, #tpu.memory_space<vmem>>, vector<1x16xf32>,
      %get3A_405 = arith.index_cast %scan3A_13 : i32 to index
      %get3A_406 = arith.constant 448 : index
      %get3A_407 = tpu.vector_load %arg8[%get3A_405, %get3A_406] {strides = array<i32>} : memref<64x768xf32, #tpu.memory_space<vmem>>, vector<1x16xf32>,
      %get3A_408 = vector.shape_cast %get3A_407 : vector<1x16xf32> to vector<16xf32>
      %get3A_409 = arith.index_cast %scan3A_13 : i32 to index
      %get3A_410 = arith.constant 448 : index
      %get3A_411 = tpu.vector_load %arg7[%get3A_409, %get3A_410] {strides = array<i32>} : memref<64x768xf32, #tpu.memory_space<vmem>>, vector<1x16xf32>,
      %get3A_412 = vector.shape_cast %get3A_411 : vector<1x16xf32> to vector<16xf32>
      %add3A_413 = arith.addf %get3A_408, %get3A_412 : vector<16xf32>
      %swap3A_414 = arith.index_cast %scan3A_13 : i32 to index
      %swap3A_415 = arith.constant 448 : index
      %swap3A_416 = tpu.vector_load %arg8[%swap3A_414, %swap3A_415] {strides = array<i32>} : memref<64x768xf32, #tpu.memory_space<vmem>>, vector<1x16xf32>,
      %swap3A_417 = vector.shape_cast %swap3A_416 : vector<1x16xf32> to vector<16xf32>
      %swap3A_418 = vector.shape_cast %add3A_413 : vector<16xf32> to vector<1x16xf32>
      tpu.vector_store %arg8[%swap3A_414, %swap3A_415], %swap3A_418 {strides = array<i32>} : memref<64x768xf32, #tpu.memory_space<vmem>>, vector<1x16xf32>,
      %get3A_419 = arith.index_cast %scan3A_13 : i32 to index
      %get3A_420 = arith.constant 464 : index
      %get3A_421 = tpu.vector_load %arg8[%get3A_419, %get3A_420] {strides = array<i32>} : memref<64x768xf32, #tpu.memory_space<vmem>>, vector<1x16xf32>,
      %get3A_422 = vector.shape_cast %get3A_421 : vector<1x16xf32> to vector<16xf32>
      %get3A_423 = arith.index_cast %scan3A_13 : i32 to index
      %get3A_424 = arith.constant 464 : index
      %get3A_425 = tpu.vector_load %arg7[%get3A_423, %get3A_424] {strides = array<i32>} : memref<64x768xf32, #tpu.memory_space<vmem>>, vector<1x16xf32>,
      %get3A_426 = vector.shape_cast %get3A_425 : vector<1x16xf32> to vector<16xf32>
      %add3A_427 = arith.addf %get3A_422, %get3A_426 : vector<16xf32>
      %swap3A_428 = arith.index_cast %scan3A_13 : i32 to index
      %swap3A_429 = arith.constant 464 : index
      %swap3A_430 = tpu.vector_load %arg8[%swap3A_428, %swap3A_429] {strides = array<i32>} : memref<64x768xf32, #tpu.memory_space<vmem>>, vector<1x16xf32>,
      %swap3A_431 = vector.shape_cast %swap3A_430 : vector<1x16xf32> to vector<16xf32>
      %swap3A_432 = vector.shape_cast %add3A_427 : vector<16xf32> to vector<1x16xf32>
      tpu.vector_store %arg8[%swap3A_428, %swap3A_429], %swap3A_432 {strides = array<i32>} : memref<64x768xf32, #tpu.memory_space<vmem>>, vector<1x16xf32>,
      %get3A_433 = arith.index_cast %scan3A_13 : i32 to index
      %get3A_434 = arith.constant 480 : index
      %get3A_435 = tpu.vector_load %arg8[%get3A_433, %get3A_434] {strides = array<i32>} : memref<64x768xf32, #tpu.memory_space<vmem>>, vector<1x16xf32>,
      %get3A_436 = vector.shape_cast %get3A_435 : vector<1x16xf32> to vector<16xf32>
      %get3A_437 = arith.index_cast %scan3A_13 : i32 to index
      %get3A_438 = arith.constant 480 : index
      %get3A_439 = tpu.vector_load %arg7[%get3A_437, %get3A_438] {strides = array<i32>} : memref<64x768xf32, #tpu.memory_space<vmem>>, vector<1x16xf32>,
      %get3A_440 = vector.shape_cast %get3A_439 : vector<1x16xf32> to vector<16xf32>
      %add3A_441 = arith.addf %get3A_436, %get3A_440 : vector<16xf32>
      %swap3A_442 = arith.index_cast %scan3A_13 : i32 to index
      %swap3A_443 = arith.constant 480 : index
      %swap3A_444 = tpu.vector_load %arg8[%swap3A_442, %swap3A_443] {strides = array<i32>} : memref<64x768xf32, #tpu.memory_space<vmem>>, vector<1x16xf32>,
      %swap3A_445 = vector.shape_cast %swap3A_444 : vector<1x16xf32> to vector<16xf32>
      %swap3A_446 = vector.shape_cast %add3A_441 : vector<16xf32> to vector<1x16xf32>
      tpu.vector_store %arg8[%swap3A_442, %swap3A_443], %swap3A_446 {strides = array<i32>} : memref<64x768xf32, #tpu.memory_space<vmem>>, vector<1x16xf32>,
      %get3A_447 = arith.index_cast %scan3A_13 : i32 to index
      %get3A_448 = arith.constant 496 : index
      %get3A_449 = tpu.vector_load %arg8[%get3A_447, %get3A_448] {strides = array<i32>} : memref<64x768xf32, #tpu.memory_space<vmem>>, vector<1x16xf32>,
      %get3A_450 = vector.shape_cast %get3A_449 : vector<1x16xf32> to vector<16xf32>
      %get3A_451 = arith.index_cast %scan3A_13 : i32 to index
      %get3A_452 = arith.constant 496 : index
      %get3A_453 = tpu.vector_load %arg7[%get3A_451, %get3A_452] {strides = array<i32>} : memref<64x768xf32, #tpu.memory_space<vmem>>, vector<1x16xf32>,
      %get3A_454 = vector.shape_cast %get3A_453 : vector<1x16xf32> to vector<16xf32>
      %add3A_455 = arith.addf %get3A_450, %get3A_454 : vector<16xf32>
      %swap3A_456 = arith.index_cast %scan3A_13 : i32 to index
      %swap3A_457 = arith.constant 496 : index
      %swap3A_458 = tpu.vector_load %arg8[%swap3A_456, %swap3A_457] {strides = array<i32>} : memref<64x768xf32, #tpu.memory_space<vmem>>, vector<1x16xf32>,
      %swap3A_459 = vector.shape_cast %swap3A_458 : vector<1x16xf32> to vector<16xf32>
      %swap3A_460 = vector.shape_cast %add3A_455 : vector<16xf32> to vector<1x16xf32>
      tpu.vector_store %arg8[%swap3A_456, %swap3A_457], %swap3A_460 {strides = array<i32>} : memref<64x768xf32, #tpu.memory_space<vmem>>, vector<1x16xf32>,
      %get3A_461 = arith.index_cast %scan3A_13 : i32 to index
      %get3A_462 = arith.constant 512 : index
      %get3A_463 = tpu.vector_load %arg8[%get3A_461, %get3A_462] {strides = array<i32>} : memref<64x768xf32, #tpu.memory_space<vmem>>, vector<1x16xf32>,
      %get3A_464 = vector.shape_cast %get3A_463 : vector<1x16xf32> to vector<16xf32>
      %get3A_465 = arith.index_cast %scan3A_13 : i32 to index
      %get3A_466 = arith.constant 512 : index
      %get3A_467 = tpu.vector_load %arg7[%get3A_465, %get3A_466] {strides = array<i32>} : memref<64x768xf32, #tpu.memory_space<vmem>>, vector<1x16xf32>,
      %get3A_468 = vector.shape_cast %get3A_467 : vector<1x16xf32> to vector<16xf32>
      %add3A_469 = arith.addf %get3A_464, %get3A_468 : vector<16xf32>
      %swap3A_470 = arith.index_cast %scan3A_13 : i32 to index
      %swap3A_471 = arith.constant 512 : index
      %swap3A_472 = tpu.vector_load %arg8[%swap3A_470, %swap3A_471] {strides = array<i32>} : memref<64x768xf32, #tpu.memory_space<vmem>>, vector<1x16xf32>,
      %swap3A_473 = vector.shape_cast %swap3A_472 : vector<1x16xf32> to vector<16xf32>
      %swap3A_474 = vector.shape_cast %add3A_469 : vector<16xf32> to vector<1x16xf32>
      tpu.vector_store %arg8[%swap3A_470, %swap3A_471], %swap3A_474 {strides = array<i32>} : memref<64x768xf32, #tpu.memory_space<vmem>>, vector<1x16xf32>,
      %get3A_475 = arith.index_cast %scan3A_13 : i32 to index
      %get3A_476 = arith.constant 528 : index
      %get3A_477 = tpu.vector_load %arg8[%get3A_475, %get3A_476] {strides = array<i32>} : memref<64x768xf32, #tpu.memory_space<vmem>>, vector<1x16xf32>,
      %get3A_478 = vector.shape_cast %get3A_477 : vector<1x16xf32> to vector<16xf32>
      %get3A_479 = arith.index_cast %scan3A_13 : i32 to index
      %get3A_480 = arith.constant 528 : index
      %get3A_481 = tpu.vector_load %arg7[%get3A_479, %get3A_480] {strides = array<i32>} : memref<64x768xf32, #tpu.memory_space<vmem>>, vector<1x16xf32>,
      %get3A_482 = vector.shape_cast %get3A_481 : vector<1x16xf32> to vector<16xf32>
      %add3A_483 = arith.addf %get3A_478, %get3A_482 : vector<16xf32>
      %swap3A_484 = arith.index_cast %scan3A_13 : i32 to index
      %swap3A_485 = arith.constant 528 : index
      %swap3A_486 = tpu.vector_load %arg8[%swap3A_484, %swap3A_485] {strides = array<i32>} : memref<64x768xf32, #tpu.memory_space<vmem>>, vector<1x16xf32>,
      %swap3A_487 = vector.shape_cast %swap3A_486 : vector<1x16xf32> to vector<16xf32>
      %swap3A_488 = vector.shape_cast %add3A_483 : vector<16xf32> to vector<1x16xf32>
      tpu.vector_store %arg8[%swap3A_484, %swap3A_485], %swap3A_488 {strides = array<i32>} : memref<64x768xf32, #tpu.memory_space<vmem>>, vector<1x16xf32>,
      %get3A_489 = arith.index_cast %scan3A_13 : i32 to index
      %get3A_490 = arith.constant 544 : index
      %get3A_491 = tpu.vector_load %arg8[%get3A_489, %get3A_490] {strides = array<i32>} : memref<64x768xf32, #tpu.memory_space<vmem>>, vector<1x16xf32>,
      %get3A_492 = vector.shape_cast %get3A_491 : vector<1x16xf32> to vector<16xf32>
      %get3A_493 = arith.index_cast %scan3A_13 : i32 to index
      %get3A_494 = arith.constant 544 : index
      %get3A_495 = tpu.vector_load %arg7[%get3A_493, %get3A_494] {strides = array<i32>} : memref<64x768xf32, #tpu.memory_space<vmem>>, vector<1x16xf32>,
      %get3A_496 = vector.shape_cast %get3A_495 : vector<1x16xf32> to vector<16xf32>
      %add3A_497 = arith.addf %get3A_492, %get3A_496 : vector<16xf32>
      %swap3A_498 = arith.index_cast %scan3A_13 : i32 to index
      %swap3A_499 = arith.constant 544 : index
      %swap3A_500 = tpu.vector_load %arg8[%swap3A_498, %swap3A_499] {strides = array<i32>} : memref<64x768xf32, #tpu.memory_space<vmem>>, vector<1x16xf32>,
      %swap3A_501 = vector.shape_cast %swap3A_500 : vector<1x16xf32> to vector<16xf32>
      %swap3A_502 = vector.shape_cast %add3A_497 : vector<16xf32> to vector<1x16xf32>
      tpu.vector_store %arg8[%swap3A_498, %swap3A_499], %swap3A_502 {strides = array<i32>} : memref<64x768xf32, #tpu.memory_space<vmem>>, vector<1x16xf32>,
      %get3A_503 = arith.index_cast %scan3A_13 : i32 to index
      %get3A_504 = arith.constant 560 : index
      %get3A_505 = tpu.vector_load %arg8[%get3A_503, %get3A_504] {strides = array<i32>} : memref<64x768xf32, #tpu.memory_space<vmem>>, vector<1x16xf32>,
      %get3A_506 = vector.shape_cast %get3A_505 : vector<1x16xf32> to vector<16xf32>
      %get3A_507 = arith.index_cast %scan3A_13 : i32 to index
      %get3A_508 = arith.constant 560 : index
      %get3A_509 = tpu.vector_load %arg7[%get3A_507, %get3A_508] {strides = array<i32>} : memref<64x768xf32, #tpu.memory_space<vmem>>, vector<1x16xf32>,
      %get3A_510 = vector.shape_cast %get3A_509 : vector<1x16xf32> to vector<16xf32>
      %add3A_511 = arith.addf %get3A_506, %get3A_510 : vector<16xf32>
      %swap3A_512 = arith.index_cast %scan3A_13 : i32 to index
      %swap3A_513 = arith.constant 560 : index
      %swap3A_514 = tpu.vector_load %arg8[%swap3A_512, %swap3A_513] {strides = array<i32>} : memref<64x768xf32, #tpu.memory_space<vmem>>, vector<1x16xf32>,
      %swap3A_515 = vector.shape_cast %swap3A_514 : vector<1x16xf32> to vector<16xf32>
      %swap3A_516 = vector.shape_cast %add3A_511 : vector<16xf32> to vector<1x16xf32>
      tpu.vector_store %arg8[%swap3A_512, %swap3A_513], %swap3A_516 {strides = array<i32>} : memref<64x768xf32, #tpu.memory_space<vmem>>, vector<1x16xf32>,
      %get3A_517 = arith.index_cast %scan3A_13 : i32 to index
      %get3A_518 = arith.constant 576 : index
      %get3A_519 = tpu.vector_load %arg8[%get3A_517, %get3A_518] {strides = array<i32>} : memref<64x768xf32, #tpu.memory_space<vmem>>, vector<1x16xf32>,
      %get3A_520 = vector.shape_cast %get3A_519 : vector<1x16xf32> to vector<16xf32>
      %get3A_521 = arith.index_cast %scan3A_13 : i32 to index
      %get3A_522 = arith.constant 576 : index
      %get3A_523 = tpu.vector_load %arg7[%get3A_521, %get3A_522] {strides = array<i32>} : memref<64x768xf32, #tpu.memory_space<vmem>>, vector<1x16xf32>,
      %get3A_524 = vector.shape_cast %get3A_523 : vector<1x16xf32> to vector<16xf32>
      %add3A_525 = arith.addf %get3A_520, %get3A_524 : vector<16xf32>
      %swap3A_526 = arith.index_cast %scan3A_13 : i32 to index
      %swap3A_527 = arith.constant 576 : index
      %swap3A_528 = tpu.vector_load %arg8[%swap3A_526, %swap3A_527] {strides = array<i32>} : memref<64x768xf32, #tpu.memory_space<vmem>>, vector<1x16xf32>,
      %swap3A_529 = vector.shape_cast %swap3A_528 : vector<1x16xf32> to vector<16xf32>
      %swap3A_530 = vector.shape_cast %add3A_525 : vector<16xf32> to vector<1x16xf32>
      tpu.vector_store %arg8[%swap3A_526, %swap3A_527], %swap3A_530 {strides = array<i32>} : memref<64x768xf32, #tpu.memory_space<vmem>>, vector<1x16xf32>,
      %get3A_531 = arith.index_cast %scan3A_13 : i32 to index
      %get3A_532 = arith.constant 592 : index
      %get3A_533 = tpu.vector_load %arg8[%get3A_531, %get3A_532] {strides = array<i32>} : memref<64x768xf32, #tpu.memory_space<vmem>>, vector<1x16xf32>,
      %get3A_534 = vector.shape_cast %get3A_533 : vector<1x16xf32> to vector<16xf32>
      %get3A_535 = arith.index_cast %scan3A_13 : i32 to index
      %get3A_536 = arith.constant 592 : index
      %get3A_537 = tpu.vector_load %arg7[%get3A_535, %get3A_536] {strides = array<i32>} : memref<64x768xf32, #tpu.memory_space<vmem>>, vector<1x16xf32>,
      %get3A_538 = vector.shape_cast %get3A_537 : vector<1x16xf32> to vector<16xf32>
      %add3A_539 = arith.addf %get3A_534, %get3A_538 : vector<16xf32>
      %swap3A_540 = arith.index_cast %scan3A_13 : i32 to index
      %swap3A_541 = arith.constant 592 : index
      %swap3A_542 = tpu.vector_load %arg8[%swap3A_540, %swap3A_541] {strides = array<i32>} : memref<64x768xf32, #tpu.memory_space<vmem>>, vector<1x16xf32>,
      %swap3A_543 = vector.shape_cast %swap3A_542 : vector<1x16xf32> to vector<16xf32>
      %swap3A_544 = vector.shape_cast %add3A_539 : vector<16xf32> to vector<1x16xf32>
      tpu.vector_store %arg8[%swap3A_540, %swap3A_541], %swap3A_544 {strides = array<i32>} : memref<64x768xf32, #tpu.memory_space<vmem>>, vector<1x16xf32>,
      %get3A_545 = arith.index_cast %scan3A_13 : i32 to index
      %get3A_546 = arith.constant 608 : index
      %get3A_547 = tpu.vector_load %arg8[%get3A_545, %get3A_546] {strides = array<i32>} : memref<64x768xf32, #tpu.memory_space<vmem>>, vector<1x16xf32>,
      %get3A_548 = vector.shape_cast %get3A_547 : vector<1x16xf32> to vector<16xf32>
      %get3A_549 = arith.index_cast %scan3A_13 : i32 to index
      %get3A_550 = arith.constant 608 : index
      %get3A_551 = tpu.vector_load %arg7[%get3A_549, %get3A_550] {strides = array<i32>} : memref<64x768xf32, #tpu.memory_space<vmem>>, vector<1x16xf32>,
      %get3A_552 = vector.shape_cast %get3A_551 : vector<1x16xf32> to vector<16xf32>
      %add3A_553 = arith.addf %get3A_548, %get3A_552 : vector<16xf32>
      %swap3A_554 = arith.index_cast %scan3A_13 : i32 to index
      %swap3A_555 = arith.constant 608 : index
      %swap3A_556 = tpu.vector_load %arg8[%swap3A_554, %swap3A_555] {strides = array<i32>} : memref<64x768xf32, #tpu.memory_space<vmem>>, vector<1x16xf32>,
      %swap3A_557 = vector.shape_cast %swap3A_556 : vector<1x16xf32> to vector<16xf32>
      %swap3A_558 = vector.shape_cast %add3A_553 : vector<16xf32> to vector<1x16xf32>
      tpu.vector_store %arg8[%swap3A_554, %swap3A_555], %swap3A_558 {strides = array<i32>} : memref<64x768xf32, #tpu.memory_space<vmem>>, vector<1x16xf32>,
      %get3A_559 = arith.index_cast %scan3A_13 : i32 to index
      %get3A_560 = arith.constant 624 : index
      %get3A_561 = tpu.vector_load %arg8[%get3A_559, %get3A_560] {strides = array<i32>} : memref<64x768xf32, #tpu.memory_space<vmem>>, vector<1x16xf32>,
      %get3A_562 = vector.shape_cast %get3A_561 : vector<1x16xf32> to vector<16xf32>
      %get3A_563 = arith.index_cast %scan3A_13 : i32 to index
      %get3A_564 = arith.constant 624 : index
      %get3A_565 = tpu.vector_load %arg7[%get3A_563, %get3A_564] {strides = array<i32>} : memref<64x768xf32, #tpu.memory_space<vmem>>, vector<1x16xf32>,
      %get3A_566 = vector.shape_cast %get3A_565 : vector<1x16xf32> to vector<16xf32>
      %add3A_567 = arith.addf %get3A_562, %get3A_566 : vector<16xf32>
      %swap3A_568 = arith.index_cast %scan3A_13 : i32 to index
      %swap3A_569 = arith.constant 624 : index
      %swap3A_570 = tpu.vector_load %arg8[%swap3A_568, %swap3A_569] {strides = array<i32>} : memref<64x768xf32, #tpu.memory_space<vmem>>, vector<1x16xf32>,
      %swap3A_571 = vector.shape_cast %swap3A_570 : vector<1x16xf32> to vector<16xf32>
      %swap3A_572 = vector.shape_cast %add3A_567 : vector<16xf32> to vector<1x16xf32>
      tpu.vector_store %arg8[%swap3A_568, %swap3A_569], %swap3A_572 {strides = array<i32>} : memref<64x768xf32, #tpu.memory_space<vmem>>, vector<1x16xf32>,
      %get3A_573 = arith.index_cast %scan3A_13 : i32 to index
      %get3A_574 = arith.constant 640 : index
      %get3A_575 = tpu.vector_load %arg8[%get3A_573, %get3A_574] {strides = array<i32>} : memref<64x768xf32, #tpu.memory_space<vmem>>, vector<1x16xf32>,
      %get3A_576 = vector.shape_cast %get3A_575 : vector<1x16xf32> to vector<16xf32>
      %get3A_577 = arith.index_cast %scan3A_13 : i32 to index
      %get3A_578 = arith.constant 640 : index
      %get3A_579 = tpu.vector_load %arg7[%get3A_577, %get3A_578] {strides = array<i32>} : memref<64x768xf32, #tpu.memory_space<vmem>>, vector<1x16xf32>,
      %get3A_580 = vector.shape_cast %get3A_579 : vector<1x16xf32> to vector<16xf32>
      %add3A_581 = arith.addf %get3A_576, %get3A_580 : vector<16xf32>
      %swap3A_582 = arith.index_cast %scan3A_13 : i32 to index
      %swap3A_583 = arith.constant 640 : index
      %swap3A_584 = tpu.vector_load %arg8[%swap3A_582, %swap3A_583] {strides = array<i32>} : memref<64x768xf32, #tpu.memory_space<vmem>>, vector<1x16xf32>,
      %swap3A_585 = vector.shape_cast %swap3A_584 : vector<1x16xf32> to vector<16xf32>
      %swap3A_586 = vector.shape_cast %add3A_581 : vector<16xf32> to vector<1x16xf32>
      tpu.vector_store %arg8[%swap3A_582, %swap3A_583], %swap3A_586 {strides = array<i32>} : memref<64x768xf32, #tpu.memory_space<vmem>>, vector<1x16xf32>,
      %get3A_587 = arith.index_cast %scan3A_13 : i32 to index
      %get3A_588 = arith.constant 656 : index
      %get3A_589 = tpu.vector_load %arg8[%get3A_587, %get3A_588] {strides = array<i32>} : memref<64x768xf32, #tpu.memory_space<vmem>>, vector<1x16xf32>,
      %get3A_590 = vector.shape_cast %get3A_589 : vector<1x16xf32> to vector<16xf32>
      %get3A_591 = arith.index_cast %scan3A_13 : i32 to index
      %get3A_592 = arith.constant 656 : index
      %get3A_593 = tpu.vector_load %arg7[%get3A_591, %get3A_592] {strides = array<i32>} : memref<64x768xf32, #tpu.memory_space<vmem>>, vector<1x16xf32>,
      %get3A_594 = vector.shape_cast %get3A_593 : vector<1x16xf32> to vector<16xf32>
      %add3A_595 = arith.addf %get3A_590, %get3A_594 : vector<16xf32>
      %swap3A_596 = arith.index_cast %scan3A_13 : i32 to index
      %swap3A_597 = arith.constant 656 : index
      %swap3A_598 = tpu.vector_load %arg8[%swap3A_596, %swap3A_597] {strides = array<i32>} : memref<64x768xf32, #tpu.memory_space<vmem>>, vector<1x16xf32>,
      %swap3A_599 = vector.shape_cast %swap3A_598 : vector<1x16xf32> to vector<16xf32>
      %swap3A_600 = vector.shape_cast %add3A_595 : vector<16xf32> to vector<1x16xf32>
      tpu.vector_store %arg8[%swap3A_596, %swap3A_597], %swap3A_600 {strides = array<i32>} : memref<64x768xf32, #tpu.memory_space<vmem>>, vector<1x16xf32>,
      %get3A_601 = arith.index_cast %scan3A_13 : i32 to index
      %get3A_602 = arith.constant 672 : index
      %get3A_603 = tpu.vector_load %arg8[%get3A_601, %get3A_602] {strides = array<i32>} : memref<64x768xf32, #tpu.memory_space<vmem>>, vector<1x16xf32>,
      %get3A_604 = vector.shape_cast %get3A_603 : vector<1x16xf32> to vector<16xf32>
      %get3A_605 = arith.index_cast %scan3A_13 : i32 to index
      %get3A_606 = arith.constant 672 : index
      %get3A_607 = tpu.vector_load %arg7[%get3A_605, %get3A_606] {strides = array<i32>} : memref<64x768xf32, #tpu.memory_space<vmem>>, vector<1x16xf32>,
      %get3A_608 = vector.shape_cast %get3A_607 : vector<1x16xf32> to vector<16xf32>
      %add3A_609 = arith.addf %get3A_604, %get3A_608 : vector<16xf32>
      %swap3A_610 = arith.index_cast %scan3A_13 : i32 to index
      %swap3A_611 = arith.constant 672 : index
      %swap3A_612 = tpu.vector_load %arg8[%swap3A_610, %swap3A_611] {strides = array<i32>} : memref<64x768xf32, #tpu.memory_space<vmem>>, vector<1x16xf32>,
      %swap3A_613 = vector.shape_cast %swap3A_612 : vector<1x16xf32> to vector<16xf32>
      %swap3A_614 = vector.shape_cast %add3A_609 : vector<16xf32> to vector<1x16xf32>
      tpu.vector_store %arg8[%swap3A_610, %swap3A_611], %swap3A_614 {strides = array<i32>} : memref<64x768xf32, #tpu.memory_space<vmem>>, vector<1x16xf32>,
      %get3A_615 = arith.index_cast %scan3A_13 : i32 to index
      %get3A_616 = arith.constant 688 : index
      %get3A_617 = tpu.vector_load %arg8[%get3A_615, %get3A_616] {strides = array<i32>} : memref<64x768xf32, #tpu.memory_space<vmem>>, vector<1x16xf32>,
      %get3A_618 = vector.shape_cast %get3A_617 : vector<1x16xf32> to vector<16xf32>
      %get3A_619 = arith.index_cast %scan3A_13 : i32 to index
      %get3A_620 = arith.constant 688 : index
      %get3A_621 = tpu.vector_load %arg7[%get3A_619, %get3A_620] {strides = array<i32>} : memref<64x768xf32, #tpu.memory_space<vmem>>, vector<1x16xf32>,
      %get3A_622 = vector.shape_cast %get3A_621 : vector<1x16xf32> to vector<16xf32>
      %add3A_623 = arith.addf %get3A_618, %get3A_622 : vector<16xf32>
      %swap3A_624 = arith.index_cast %scan3A_13 : i32 to index
      %swap3A_625 = arith.constant 688 : index
      %swap3A_626 = tpu.vector_load %arg8[%swap3A_624, %swap3A_625] {strides = array<i32>} : memref<64x768xf32, #tpu.memory_space<vmem>>, vector<1x16xf32>,
      %swap3A_627 = vector.shape_cast %swap3A_626 : vector<1x16xf32> to vector<16xf32>
      %swap3A_628 = vector.shape_cast %add3A_623 : vector<16xf32> to vector<1x16xf32>
      tpu.vector_store %arg8[%swap3A_624, %swap3A_625], %swap3A_628 {strides = array<i32>} : memref<64x768xf32, #tpu.memory_space<vmem>>, vector<1x16xf32>,
      %get3A_629 = arith.index_cast %scan3A_13 : i32 to index
      %get3A_630 = arith.constant 704 : index
      %get3A_631 = tpu.vector_load %arg8[%get3A_629, %get3A_630] {strides = array<i32>} : memref<64x768xf32, #tpu.memory_space<vmem>>, vector<1x16xf32>,
      %get3A_632 = vector.shape_cast %get3A_631 : vector<1x16xf32> to vector<16xf32>
      %get3A_633 = arith.index_cast %scan3A_13 : i32 to index
      %get3A_634 = arith.constant 704 : index
      %get3A_635 = tpu.vector_load %arg7[%get3A_633, %get3A_634] {strides = array<i32>} : memref<64x768xf32, #tpu.memory_space<vmem>>, vector<1x16xf32>,
      %get3A_636 = vector.shape_cast %get3A_635 : vector<1x16xf32> to vector<16xf32>
      %add3A_637 = arith.addf %get3A_632, %get3A_636 : vector<16xf32>
      %swap3A_638 = arith.index_cast %scan3A_13 : i32 to index
      %swap3A_639 = arith.constant 704 : index
      %swap3A_640 = tpu.vector_load %arg8[%swap3A_638, %swap3A_639] {strides = array<i32>} : memref<64x768xf32, #tpu.memory_space<vmem>>, vector<1x16xf32>,
      %swap3A_641 = vector.shape_cast %swap3A_640 : vector<1x16xf32> to vector<16xf32>
      %swap3A_642 = vector.shape_cast %add3A_637 : vector<16xf32> to vector<1x16xf32>
      tpu.vector_store %arg8[%swap3A_638, %swap3A_639], %swap3A_642 {strides = array<i32>} : memref<64x768xf32, #tpu.memory_space<vmem>>, vector<1x16xf32>,
      %get3A_643 = arith.index_cast %scan3A_13 : i32 to index
      %get3A_644 = arith.constant 720 : index
      %get3A_645 = tpu.vector_load %arg8[%get3A_643, %get3A_644] {strides = array<i32>} : memref<64x768xf32, #tpu.memory_space<vmem>>, vector<1x16xf32>,
      %get3A_646 = vector.shape_cast %get3A_645 : vector<1x16xf32> to vector<16xf32>
      %get3A_647 = arith.index_cast %scan3A_13 : i32 to index
      %get3A_648 = arith.constant 720 : index
      %get3A_649 = tpu.vector_load %arg7[%get3A_647, %get3A_648] {strides = array<i32>} : memref<64x768xf32, #tpu.memory_space<vmem>>, vector<1x16xf32>,
      %get3A_650 = vector.shape_cast %get3A_649 : vector<1x16xf32> to vector<16xf32>
      %add3A_651 = arith.addf %get3A_646, %get3A_650 : vector<16xf32>
      %swap3A_652 = arith.index_cast %scan3A_13 : i32 to index
      %swap3A_653 = arith.constant 720 : index
      %swap3A_654 = tpu.vector_load %arg8[%swap3A_652, %swap3A_653] {strides = array<i32>} : memref<64x768xf32, #tpu.memory_space<vmem>>, vector<1x16xf32>,
      %swap3A_655 = vector.shape_cast %swap3A_654 : vector<1x16xf32> to vector<16xf32>
      %swap3A_656 = vector.shape_cast %add3A_651 : vector<16xf32> to vector<1x16xf32>
      tpu.vector_store %arg8[%swap3A_652, %swap3A_653], %swap3A_656 {strides = array<i32>} : memref<64x768xf32, #tpu.memory_space<vmem>>, vector<1x16xf32>,
      %get3A_657 = arith.index_cast %scan3A_13 : i32 to index
      %get3A_658 = arith.constant 736 : index
      %get3A_659 = tpu.vector_load %arg8[%get3A_657, %get3A_658] {strides = array<i32>} : memref<64x768xf32, #tpu.memory_space<vmem>>, vector<1x16xf32>,
      %get3A_660 = vector.shape_cast %get3A_659 : vector<1x16xf32> to vector<16xf32>
      %get3A_661 = arith.index_cast %scan3A_13 : i32 to index
      %get3A_662 = arith.constant 736 : index
      %get3A_663 = tpu.vector_load %arg7[%get3A_661, %get3A_662] {strides = array<i32>} : memref<64x768xf32, #tpu.memory_space<vmem>>, vector<1x16xf32>,
      %get3A_664 = vector.shape_cast %get3A_663 : vector<1x16xf32> to vector<16xf32>
      %add3A_665 = arith.addf %get3A_660, %get3A_664 : vector<16xf32>
      %swap3A_666 = arith.index_cast %scan3A_13 : i32 to index
      %swap3A_667 = arith.constant 736 : index
      %swap3A_668 = tpu.vector_load %arg8[%swap3A_666, %swap3A_667] {strides = array<i32>} : memref<64x768xf32, #tpu.memory_space<vmem>>, vector<1x16xf32>,
      %swap3A_669 = vector.shape_cast %swap3A_668 : vector<1x16xf32> to vector<16xf32>
      %swap3A_670 = vector.shape_cast %add3A_665 : vector<16xf32> to vector<1x16xf32>
      tpu.vector_store %arg8[%swap3A_666, %swap3A_667], %swap3A_670 {strides = array<i32>} : memref<64x768xf32, #tpu.memory_space<vmem>>, vector<1x16xf32>,
      %get3A_671 = arith.index_cast %scan3A_13 : i32 to index
      %get3A_672 = arith.constant 752 : index
      %get3A_673 = tpu.vector_load %arg8[%get3A_671, %get3A_672] {strides = array<i32>} : memref<64x768xf32, #tpu.memory_space<vmem>>, vector<1x16xf32>,
      %get3A_674 = vector.shape_cast %get3A_673 : vector<1x16xf32> to vector<16xf32>
      %get3A_675 = arith.index_cast %scan3A_13 : i32 to index
      %get3A_676 = arith.constant 752 : index
      %get3A_677 = tpu.vector_load %arg7[%get3A_675, %get3A_676] {strides = array<i32>} : memref<64x768xf32, #tpu.memory_space<vmem>>, vector<1x16xf32>,
      %get3A_678 = vector.shape_cast %get3A_677 : vector<1x16xf32> to vector<16xf32>
      %add3A_679 = arith.addf %get3A_674, %get3A_678 : vector<16xf32>
      %swap3A_680 = arith.index_cast %scan3A_13 : i32 to index
      %swap3A_681 = arith.constant 752 : index
      %swap3A_682 = tpu.vector_load %arg8[%swap3A_680, %swap3A_681] {strides = array<i32>} : memref<64x768xf32, #tpu.memory_space<vmem>>, vector<1x16xf32>,
      %swap3A_683 = vector.shape_cast %swap3A_682 : vector<1x16xf32> to vector<16xf32>
      %swap3A_684 = vector.shape_cast %add3A_679 : vector<16xf32> to vector<1x16xf32>
      tpu.vector_store %arg8[%swap3A_680, %swap3A_681], %swap3A_684 {strides = array<i32>} : memref<64x768xf32, #tpu.memory_space<vmem>>, vector<1x16xf32>,
      %scan3A_685 = arith.constant 0 : i32
      scf.yield %scan3A_685 : i32
    }
    %scan3A_12 = arith.constant 64 : i32
    "tpu.region"() ({
      %run_scoped3A = tpu.sem_alloc : memref<!tpu.dma_semaphore, #tpu.memory_space<semaphore_mem>>
      %dma_start3A_13 = arith.constant 0 : i32
      %dma_start3A_14 = tpu.memref_slice %arg5[%mul3A_2, %dma_start3A_13] : memref<2048x768xf32, #tpu.memory_space<hbm>> -> memref<64x768xf32, #tpu.memory_space<hbm>>
      %dma_start3A_15 = arith.constant 0 : i32
      %dma_start3A_16 = tpu.memref_slice %arg5[%mul3A_2, %dma_start3A_15] : memref<2048x768xf32, #tpu.memory_space<hbm>> -> memref<64x768xf32, #tpu.memory_space<hbm>>
      tpu.enqueue_dma source(%arg8 : memref<64x768xf32, #tpu.memory_space<vmem>>) target(%dma_start3A_16 : memref<64x768xf32, #tpu.memory_space<hbm>>) target_semaphore(%run_scoped3A : memref<!tpu.dma_semaphore, #tpu.memory_space<semaphore_mem>>)
      %dma_wait3A_17 = arith.constant 0 : i32
      %dma_wait3A_18 = tpu.memref_slice %arg5[%mul3A_2, %dma_wait3A_17] : memref<2048x768xf32, #tpu.memory_space<hbm>> -> memref<64x768xf32, #tpu.memory_space<hbm>>
      %dma_wait3A_19 = arith.constant 0 : i32
      %dma_wait3A_20 = tpu.memref_slice %arg5[%mul3A_2, %dma_wait3A_19] : memref<2048x768xf32, #tpu.memory_space<hbm>> -> memref<64x768xf32, #tpu.memory_space<hbm>>
      tpu.wait_dma2 semaphore(%run_scoped3A : memref<!tpu.dma_semaphore, #tpu.memory_space<semaphore_mem>>) src(%arg8 : memref<64x768xf32, #tpu.memory_space<vmem>>) dst(%dma_wait3A_20 : memref<64x768xf32, #tpu.memory_space<hbm>>)
      tpu.yield
    }) : () -> ()
    return
  }
}

module attributes {stable_mosaic.version = 14 : i64} {
  func.func @_expert_body(%arg0: memref<1x80xi32, #tpu.memory_space<smem>>, %arg1: memref<10240x768xf32, #tpu.memory_space<any>>, %arg2: memref<10240x128xf32, #tpu.memory_space<any>>, %arg3: memref<64x256xf32, #tpu.memory_space<vmem>>, %arg4: memref<64x768xf32, #tpu.memory_space<vmem>>, %arg5: memref<64x768x256xf32, #tpu.memory_space<any>>, %arg6: memref<64x256x768xf32, #tpu.memory_space<any>>, %arg7: memref<10240x768xf32, #tpu.memory_space<any>>, %arg8: memref<2x768x256xf32, #tpu.memory_space<vmem>>, %arg9: memref<2x256x768xf32, #tpu.memory_space<vmem>>, %arg10: memref<2x128x768xf32, #tpu.memory_space<vmem>>, %arg11: memref<2x128x128xf32, #tpu.memory_space<vmem>>, %arg12: memref<2x128x768xf32, #tpu.memory_space<vmem>>, %arg13: memref<2x!tpu.dma_semaphore, #tpu.memory_space<semaphore_mem>>, %arg14: memref<2x!tpu.dma_semaphore, #tpu.memory_space<semaphore_mem>>, %arg15: memref<2x!tpu.dma_semaphore, #tpu.memory_space<semaphore_mem>>, %arg16: memref<2x!tpu.dma_semaphore, #tpu.memory_space<semaphore_mem>>, %arg17: memref<2x!tpu.dma_semaphore, #tpu.memory_space<semaphore_mem>>) attributes {dimension_semantics = [], scalar_prefetch = 0 : i64, scratch_operands = 10 : i64, tpu.core_type = #tpu.core_type<tc>} {
    %get3A = arith.constant 0 : index
    %get3A_0 = arith.constant 0 : index
    %get3A_1 = memref.load %arg0[%get3A, %get3A_0] : memref<1x80xi32, #tpu.memory_space<smem>>
    %dma_start3A = arith.constant 0 : i32
    %dma_start3A_2 = arith.constant 0 : i32
    %dma_start3A_3 = tpu.memref_slice %arg13[%dma_start3A_2] : memref<2x!tpu.dma_semaphore, #tpu.memory_space<semaphore_mem>> -> memref<1x!tpu.dma_semaphore, #tpu.memory_space<semaphore_mem>>
    %dma_start3A_4 = tpu.memref_squeeze %dma_start3A_3 : memref<1x!tpu.dma_semaphore, #tpu.memory_space<semaphore_mem>> -> memref<!tpu.dma_semaphore, #tpu.memory_space<semaphore_mem>>
    %dma_start3A_5 = arith.constant 0 : i32
    %dma_start3A_6 = arith.constant 0 : i32
    %dma_start3A_7 = tpu.memref_slice %arg8[%dma_start3A, %dma_start3A_5, %dma_start3A_6] : memref<2x768x256xf32, #tpu.memory_space<vmem>> -> memref<1x768x256xf32, #tpu.memory_space<vmem>>
    %dma_start3A_8 = tpu.memref_squeeze %dma_start3A_7 : memref<1x768x256xf32, #tpu.memory_space<vmem>> -> memref<768x256xf32, #tpu.memory_space<vmem>>
    %dma_start3A_9 = arith.constant 0 : i32
    %dma_start3A_10 = arith.constant 0 : i32
    %dma_start3A_11 = tpu.memref_slice %arg5[%get3A_1, %dma_start3A_9, %dma_start3A_10] : memref<64x768x256xf32, #tpu.memory_space<any>> -> memref<1x768x256xf32, #tpu.memory_space<any>>
    %dma_start3A_12 = tpu.memref_squeeze %dma_start3A_11 : memref<1x768x256xf32, #tpu.memory_space<any>> -> memref<768x256xf32, #tpu.memory_space<any>>
    tpu.enqueue_dma source(%dma_start3A_12 : memref<768x256xf32, #tpu.memory_space<any>>) target(%dma_start3A_8 : memref<768x256xf32, #tpu.memory_space<vmem>>) target_semaphore(%dma_start3A_4 : memref<!tpu.dma_semaphore, #tpu.memory_space<semaphore_mem>>)
    %dma_start3A_13 = arith.constant 0 : i32
    %dma_start3A_14 = arith.constant 0 : i32
    %dma_start3A_15 = tpu.memref_slice %arg14[%dma_start3A_14] : memref<2x!tpu.dma_semaphore, #tpu.memory_space<semaphore_mem>> -> memref<1x!tpu.dma_semaphore, #tpu.memory_space<semaphore_mem>>
    %dma_start3A_16 = tpu.memref_squeeze %dma_start3A_15 : memref<1x!tpu.dma_semaphore, #tpu.memory_space<semaphore_mem>> -> memref<!tpu.dma_semaphore, #tpu.memory_space<semaphore_mem>>
    %dma_start3A_17 = arith.constant 0 : i32
    %dma_start3A_18 = arith.constant 0 : i32
    %dma_start3A_19 = tpu.memref_slice %arg9[%dma_start3A_13, %dma_start3A_17, %dma_start3A_18] : memref<2x256x768xf32, #tpu.memory_space<vmem>> -> memref<1x256x768xf32, #tpu.memory_space<vmem>>
    %dma_start3A_20 = tpu.memref_squeeze %dma_start3A_19 : memref<1x256x768xf32, #tpu.memory_space<vmem>> -> memref<256x768xf32, #tpu.memory_space<vmem>>
    %dma_start3A_21 = arith.constant 0 : i32
    %dma_start3A_22 = arith.constant 0 : i32
    %dma_start3A_23 = tpu.memref_slice %arg6[%get3A_1, %dma_start3A_21, %dma_start3A_22] : memref<64x256x768xf32, #tpu.memory_space<any>> -> memref<1x256x768xf32, #tpu.memory_space<any>>
    %dma_start3A_24 = tpu.memref_squeeze %dma_start3A_23 : memref<1x256x768xf32, #tpu.memory_space<any>> -> memref<256x768xf32, #tpu.memory_space<any>>
    tpu.enqueue_dma source(%dma_start3A_24 : memref<256x768xf32, #tpu.memory_space<any>>) target(%dma_start3A_20 : memref<256x768xf32, #tpu.memory_space<vmem>>) target_semaphore(%dma_start3A_16 : memref<!tpu.dma_semaphore, #tpu.memory_space<semaphore_mem>>)
    %dma_start3A_25 = arith.constant 0 : i32
    %dma_start3A_26 = arith.constant 0 : i32
    %dma_start3A_27 = tpu.memref_slice %arg15[%dma_start3A_26] : memref<2x!tpu.dma_semaphore, #tpu.memory_space<semaphore_mem>> -> memref<1x!tpu.dma_semaphore, #tpu.memory_space<semaphore_mem>>
    %dma_start3A_28 = tpu.memref_squeeze %dma_start3A_27 : memref<1x!tpu.dma_semaphore, #tpu.memory_space<semaphore_mem>> -> memref<!tpu.dma_semaphore, #tpu.memory_space<semaphore_mem>>
    %dma_start3A_29 = arith.constant 0 : i32
    %dma_start3A_30 = arith.constant 0 : i32
    %dma_start3A_31 = tpu.memref_slice %arg10[%dma_start3A_25, %dma_start3A_29, %dma_start3A_30] : memref<2x128x768xf32, #tpu.memory_space<vmem>> -> memref<1x128x768xf32, #tpu.memory_space<vmem>>
    %dma_start3A_32 = tpu.memref_squeeze %dma_start3A_31 : memref<1x128x768xf32, #tpu.memory_space<vmem>> -> memref<128x768xf32, #tpu.memory_space<vmem>>
    %dma_start3A_33 = arith.constant 0 : i32
    %dma_start3A_34 = arith.constant 0 : i32
    %dma_start3A_35 = tpu.memref_slice %arg1[%dma_start3A_33, %dma_start3A_34] : memref<10240x768xf32, #tpu.memory_space<any>> -> memref<128x768xf32, #tpu.memory_space<any>>
    tpu.enqueue_dma source(%dma_start3A_35 : memref<128x768xf32, #tpu.memory_space<any>>) target(%dma_start3A_32 : memref<128x768xf32, #tpu.memory_space<vmem>>) target_semaphore(%dma_start3A_28 : memref<!tpu.dma_semaphore, #tpu.memory_space<semaphore_mem>>)
    %dma_start3A_36 = arith.constant 0 : i32
    %dma_start3A_37 = arith.constant 0 : i32
    %dma_start3A_38 = tpu.memref_slice %arg16[%dma_start3A_37] : memref<2x!tpu.dma_semaphore, #tpu.memory_space<semaphore_mem>> -> memref<1x!tpu.dma_semaphore, #tpu.memory_space<semaphore_mem>>
    %dma_start3A_39 = tpu.memref_squeeze %dma_start3A_38 : memref<1x!tpu.dma_semaphore, #tpu.memory_space<semaphore_mem>> -> memref<!tpu.dma_semaphore, #tpu.memory_space<semaphore_mem>>
    %dma_start3A_40 = arith.constant 0 : i32
    %dma_start3A_41 = arith.constant 0 : i32
    %dma_start3A_42 = tpu.memref_slice %arg11[%dma_start3A_36, %dma_start3A_40, %dma_start3A_41] : memref<2x128x128xf32, #tpu.memory_space<vmem>> -> memref<1x128x128xf32, #tpu.memory_space<vmem>>
    %dma_start3A_43 = tpu.memref_squeeze %dma_start3A_42 : memref<1x128x128xf32, #tpu.memory_space<vmem>> -> memref<128x128xf32, #tpu.memory_space<vmem>>
    %dma_start3A_44 = arith.constant 0 : i32
    %dma_start3A_45 = arith.constant 0 : i32
    %dma_start3A_46 = tpu.memref_slice %arg2[%dma_start3A_44, %dma_start3A_45] : memref<10240x128xf32, #tpu.memory_space<any>> -> memref<128x128xf32, #tpu.memory_space<any>>
    tpu.enqueue_dma source(%dma_start3A_46 : memref<128x128xf32, #tpu.memory_space<any>>) target(%dma_start3A_43 : memref<128x128xf32, #tpu.memory_space<vmem>>) target_semaphore(%dma_start3A_39 : memref<!tpu.dma_semaphore, #tpu.memory_space<semaphore_mem>>)
    %get3A_47 = arith.constant 0 : index
    %get3A_48 = arith.constant 1 : index
    %get3A_49 = memref.load %arg0[%get3A_47, %get3A_48] : memref<1x80xi32, #tpu.memory_space<smem>>
    %dma_start3A_50 = arith.constant 1 : i32
    %dma_start3A_51 = arith.constant 1 : i32
    %dma_start3A_52 = tpu.memref_slice %arg13[%dma_start3A_51] : memref<2x!tpu.dma_semaphore, #tpu.memory_space<semaphore_mem>> -> memref<1x!tpu.dma_semaphore, #tpu.memory_space<semaphore_mem>>
    %dma_start3A_53 = tpu.memref_squeeze %dma_start3A_52 : memref<1x!tpu.dma_semaphore, #tpu.memory_space<semaphore_mem>> -> memref<!tpu.dma_semaphore, #tpu.memory_space<semaphore_mem>>
    %dma_start3A_54 = arith.constant 0 : i32
    %dma_start3A_55 = arith.constant 0 : i32
    %dma_start3A_56 = tpu.memref_slice %arg8[%dma_start3A_50, %dma_start3A_54, %dma_start3A_55] : memref<2x768x256xf32, #tpu.memory_space<vmem>> -> memref<1x768x256xf32, #tpu.memory_space<vmem>>
    %dma_start3A_57 = tpu.memref_squeeze %dma_start3A_56 : memref<1x768x256xf32, #tpu.memory_space<vmem>> -> memref<768x256xf32, #tpu.memory_space<vmem>>
    %dma_start3A_58 = arith.constant 0 : i32
    %dma_start3A_59 = arith.constant 0 : i32
    %dma_start3A_60 = tpu.memref_slice %arg5[%get3A_49, %dma_start3A_58, %dma_start3A_59] : memref<64x768x256xf32, #tpu.memory_space<any>> -> memref<1x768x256xf32, #tpu.memory_space<any>>
    %dma_start3A_61 = tpu.memref_squeeze %dma_start3A_60 : memref<1x768x256xf32, #tpu.memory_space<any>> -> memref<768x256xf32, #tpu.memory_space<any>>
    tpu.enqueue_dma source(%dma_start3A_61 : memref<768x256xf32, #tpu.memory_space<any>>) target(%dma_start3A_57 : memref<768x256xf32, #tpu.memory_space<vmem>>) target_semaphore(%dma_start3A_53 : memref<!tpu.dma_semaphore, #tpu.memory_space<semaphore_mem>>)
    %dma_start3A_62 = arith.constant 1 : i32
    %dma_start3A_63 = arith.constant 1 : i32
    %dma_start3A_64 = tpu.memref_slice %arg14[%dma_start3A_63] : memref<2x!tpu.dma_semaphore, #tpu.memory_space<semaphore_mem>> -> memref<1x!tpu.dma_semaphore, #tpu.memory_space<semaphore_mem>>
    %dma_start3A_65 = tpu.memref_squeeze %dma_start3A_64 : memref<1x!tpu.dma_semaphore, #tpu.memory_space<semaphore_mem>> -> memref<!tpu.dma_semaphore, #tpu.memory_space<semaphore_mem>>
    %dma_start3A_66 = arith.constant 0 : i32
    %dma_start3A_67 = arith.constant 0 : i32
    %dma_start3A_68 = tpu.memref_slice %arg9[%dma_start3A_62, %dma_start3A_66, %dma_start3A_67] : memref<2x256x768xf32, #tpu.memory_space<vmem>> -> memref<1x256x768xf32, #tpu.memory_space<vmem>>
    %dma_start3A_69 = tpu.memref_squeeze %dma_start3A_68 : memref<1x256x768xf32, #tpu.memory_space<vmem>> -> memref<256x768xf32, #tpu.memory_space<vmem>>
    %dma_start3A_70 = arith.constant 0 : i32
    %dma_start3A_71 = arith.constant 0 : i32
    %dma_start3A_72 = tpu.memref_slice %arg6[%get3A_49, %dma_start3A_70, %dma_start3A_71] : memref<64x256x768xf32, #tpu.memory_space<any>> -> memref<1x256x768xf32, #tpu.memory_space<any>>
    %dma_start3A_73 = tpu.memref_squeeze %dma_start3A_72 : memref<1x256x768xf32, #tpu.memory_space<any>> -> memref<256x768xf32, #tpu.memory_space<any>>
    tpu.enqueue_dma source(%dma_start3A_73 : memref<256x768xf32, #tpu.memory_space<any>>) target(%dma_start3A_69 : memref<256x768xf32, #tpu.memory_space<vmem>>) target_semaphore(%dma_start3A_65 : memref<!tpu.dma_semaphore, #tpu.memory_space<semaphore_mem>>)
    %dma_start3A_74 = arith.constant 1 : i32
    %dma_start3A_75 = arith.constant 1 : i32
    %dma_start3A_76 = tpu.memref_slice %arg15[%dma_start3A_75] : memref<2x!tpu.dma_semaphore, #tpu.memory_space<semaphore_mem>> -> memref<1x!tpu.dma_semaphore, #tpu.memory_space<semaphore_mem>>
    %dma_start3A_77 = tpu.memref_squeeze %dma_start3A_76 : memref<1x!tpu.dma_semaphore, #tpu.memory_space<semaphore_mem>> -> memref<!tpu.dma_semaphore, #tpu.memory_space<semaphore_mem>>
    %dma_start3A_78 = arith.constant 0 : i32
    %dma_start3A_79 = arith.constant 0 : i32
    %dma_start3A_80 = tpu.memref_slice %arg10[%dma_start3A_74, %dma_start3A_78, %dma_start3A_79] : memref<2x128x768xf32, #tpu.memory_space<vmem>> -> memref<1x128x768xf32, #tpu.memory_space<vmem>>
    %dma_start3A_81 = tpu.memref_squeeze %dma_start3A_80 : memref<1x128x768xf32, #tpu.memory_space<vmem>> -> memref<128x768xf32, #tpu.memory_space<vmem>>
    %dma_start3A_82 = arith.constant 128 : i32
    %dma_start3A_83 = arith.constant 0 : i32
    %dma_start3A_84 = tpu.memref_slice %arg1[%dma_start3A_82, %dma_start3A_83] : memref<10240x768xf32, #tpu.memory_space<any>> -> memref<128x768xf32, #tpu.memory_space<any>>
    tpu.enqueue_dma source(%dma_start3A_84 : memref<128x768xf32, #tpu.memory_space<any>>) target(%dma_start3A_81 : memref<128x768xf32, #tpu.memory_space<vmem>>) target_semaphore(%dma_start3A_77 : memref<!tpu.dma_semaphore, #tpu.memory_space<semaphore_mem>>)
    %dma_start3A_85 = arith.constant 1 : i32
    %dma_start3A_86 = arith.constant 1 : i32
    %dma_start3A_87 = tpu.memref_slice %arg16[%dma_start3A_86] : memref<2x!tpu.dma_semaphore, #tpu.memory_space<semaphore_mem>> -> memref<1x!tpu.dma_semaphore, #tpu.memory_space<semaphore_mem>>
    %dma_start3A_88 = tpu.memref_squeeze %dma_start3A_87 : memref<1x!tpu.dma_semaphore, #tpu.memory_space<semaphore_mem>> -> memref<!tpu.dma_semaphore, #tpu.memory_space<semaphore_mem>>
    %dma_start3A_89 = arith.constant 0 : i32
    %dma_start3A_90 = arith.constant 0 : i32
    %dma_start3A_91 = tpu.memref_slice %arg11[%dma_start3A_85, %dma_start3A_89, %dma_start3A_90] : memref<2x128x128xf32, #tpu.memory_space<vmem>> -> memref<1x128x128xf32, #tpu.memory_space<vmem>>
    %dma_start3A_92 = tpu.memref_squeeze %dma_start3A_91 : memref<1x128x128xf32, #tpu.memory_space<vmem>> -> memref<128x128xf32, #tpu.memory_space<vmem>>
    %dma_start3A_93 = arith.constant 128 : i32
    %dma_start3A_94 = arith.constant 0 : i32
    %dma_start3A_95 = tpu.memref_slice %arg2[%dma_start3A_93, %dma_start3A_94] : memref<10240x128xf32, #tpu.memory_space<any>> -> memref<128x128xf32, #tpu.memory_space<any>>
    tpu.enqueue_dma source(%dma_start3A_95 : memref<128x128xf32, #tpu.memory_space<any>>) target(%dma_start3A_92 : memref<128x128xf32, #tpu.memory_space<vmem>>) target_semaphore(%dma_start3A_88 : memref<!tpu.dma_semaphore, #tpu.memory_space<semaphore_mem>>)
    %scan3A = arith.constant 0 : i32
    %scan3A_96 = arith.constant 40 : i32
    %scan3A_97 = arith.addi %scan3A, %scan3A_96 : i32
    %scan3A_98 = arith.constant 1 : i32
    scf.for %scan3A_121 = %scan3A to %scan3A_97 step %scan3A_98  : i32 {
      %mul3A = arith.constant 2 : i32
      %mul3A_122 = arith.muli %mul3A, %scan3A_121 : i32
      %get3A_123 = arith.constant 0 : index
      %get3A_124 = arith.index_cast %mul3A_122 : i32 to index
      %get3A_125 = memref.load %arg0[%get3A_123, %get3A_124] : memref<1x80xi32, #tpu.memory_space<smem>>
      %dma_wait3A_126 = arith.constant 0 : i32
      %dma_wait3A_127 = arith.constant 0 : i32
      %dma_wait3A_128 = tpu.memref_slice %arg13[%dma_wait3A_127] : memref<2x!tpu.dma_semaphore, #tpu.memory_space<semaphore_mem>> -> memref<1x!tpu.dma_semaphore, #tpu.memory_space<semaphore_mem>>
      %dma_wait3A_129 = tpu.memref_squeeze %dma_wait3A_128 : memref<1x!tpu.dma_semaphore, #tpu.memory_space<semaphore_mem>> -> memref<!tpu.dma_semaphore, #tpu.memory_space<semaphore_mem>>
      %dma_wait3A_130 = arith.constant 0 : i32
      %dma_wait3A_131 = arith.constant 0 : i32
      %dma_wait3A_132 = tpu.memref_slice %arg8[%dma_wait3A_126, %dma_wait3A_130, %dma_wait3A_131] : memref<2x768x256xf32, #tpu.memory_space<vmem>> -> memref<1x768x256xf32, #tpu.memory_space<vmem>>
      %dma_wait3A_133 = tpu.memref_squeeze %dma_wait3A_132 : memref<1x768x256xf32, #tpu.memory_space<vmem>> -> memref<768x256xf32, #tpu.memory_space<vmem>>
      %dma_wait3A_134 = arith.constant 0 : i32
      %dma_wait3A_135 = arith.constant 0 : i32
      %dma_wait3A_136 = tpu.memref_slice %arg5[%get3A_125, %dma_wait3A_134, %dma_wait3A_135] : memref<64x768x256xf32, #tpu.memory_space<any>> -> memref<1x768x256xf32, #tpu.memory_space<any>>
      %dma_wait3A_137 = tpu.memref_squeeze %dma_wait3A_136 : memref<1x768x256xf32, #tpu.memory_space<any>> -> memref<768x256xf32, #tpu.memory_space<any>>
      tpu.wait_dma2 semaphore(%dma_wait3A_129 : memref<!tpu.dma_semaphore, #tpu.memory_space<semaphore_mem>>) src(%dma_wait3A_137 : memref<768x256xf32, #tpu.memory_space<any>>) dst(%dma_wait3A_133 : memref<768x256xf32, #tpu.memory_space<vmem>>)
      %dma_wait3A_138 = arith.constant 0 : i32
      %dma_wait3A_139 = arith.constant 0 : i32
      %dma_wait3A_140 = tpu.memref_slice %arg14[%dma_wait3A_139] : memref<2x!tpu.dma_semaphore, #tpu.memory_space<semaphore_mem>> -> memref<1x!tpu.dma_semaphore, #tpu.memory_space<semaphore_mem>>
      %dma_wait3A_141 = tpu.memref_squeeze %dma_wait3A_140 : memref<1x!tpu.dma_semaphore, #tpu.memory_space<semaphore_mem>> -> memref<!tpu.dma_semaphore, #tpu.memory_space<semaphore_mem>>
      %dma_wait3A_142 = arith.constant 0 : i32
      %dma_wait3A_143 = arith.constant 0 : i32
      %dma_wait3A_144 = tpu.memref_slice %arg9[%dma_wait3A_138, %dma_wait3A_142, %dma_wait3A_143] : memref<2x256x768xf32, #tpu.memory_space<vmem>> -> memref<1x256x768xf32, #tpu.memory_space<vmem>>
      %dma_wait3A_145 = tpu.memref_squeeze %dma_wait3A_144 : memref<1x256x768xf32, #tpu.memory_space<vmem>> -> memref<256x768xf32, #tpu.memory_space<vmem>>
      %dma_wait3A_146 = arith.constant 0 : i32
      %dma_wait3A_147 = arith.constant 0 : i32
      %dma_wait3A_148 = tpu.memref_slice %arg6[%get3A_125, %dma_wait3A_146, %dma_wait3A_147] : memref<64x256x768xf32, #tpu.memory_space<any>> -> memref<1x256x768xf32, #tpu.memory_space<any>>
      %dma_wait3A_149 = tpu.memref_squeeze %dma_wait3A_148 : memref<1x256x768xf32, #tpu.memory_space<any>> -> memref<256x768xf32, #tpu.memory_space<any>>
      tpu.wait_dma2 semaphore(%dma_wait3A_141 : memref<!tpu.dma_semaphore, #tpu.memory_space<semaphore_mem>>) src(%dma_wait3A_149 : memref<256x768xf32, #tpu.memory_space<any>>) dst(%dma_wait3A_145 : memref<256x768xf32, #tpu.memory_space<vmem>>)
      %mul3A_150 = arith.constant 128 : i32
      %mul3A_151 = arith.muli %mul3A_122, %mul3A_150 : i32
      %dma_wait3A_152 = arith.constant 0 : i32
      %dma_wait3A_153 = arith.constant 0 : i32
      %dma_wait3A_154 = tpu.memref_slice %arg15[%dma_wait3A_153] : memref<2x!tpu.dma_semaphore, #tpu.memory_space<semaphore_mem>> -> memref<1x!tpu.dma_semaphore, #tpu.memory_space<semaphore_mem>>
      %dma_wait3A_155 = tpu.memref_squeeze %dma_wait3A_154 : memref<1x!tpu.dma_semaphore, #tpu.memory_space<semaphore_mem>> -> memref<!tpu.dma_semaphore, #tpu.memory_space<semaphore_mem>>
      %dma_wait3A_156 = arith.constant 0 : i32
      %dma_wait3A_157 = arith.constant 0 : i32
      %dma_wait3A_158 = tpu.memref_slice %arg10[%dma_wait3A_152, %dma_wait3A_156, %dma_wait3A_157] : memref<2x128x768xf32, #tpu.memory_space<vmem>> -> memref<1x128x768xf32, #tpu.memory_space<vmem>>
      %dma_wait3A_159 = tpu.memref_squeeze %dma_wait3A_158 : memref<1x128x768xf32, #tpu.memory_space<vmem>> -> memref<128x768xf32, #tpu.memory_space<vmem>>
      %dma_wait3A_160 = arith.constant 0 : i32
      %dma_wait3A_161 = tpu.memref_slice %arg1[%mul3A_151, %dma_wait3A_160] : memref<10240x768xf32, #tpu.memory_space<any>> -> memref<128x768xf32, #tpu.memory_space<any>>
      tpu.wait_dma2 semaphore(%dma_wait3A_155 : memref<!tpu.dma_semaphore, #tpu.memory_space<semaphore_mem>>) src(%dma_wait3A_161 : memref<128x768xf32, #tpu.memory_space<any>>) dst(%dma_wait3A_159 : memref<128x768xf32, #tpu.memory_space<vmem>>)
      %mul3A_162 = arith.constant 128 : i32
      %mul3A_163 = arith.muli %mul3A_122, %mul3A_162 : i32
      %dma_wait3A_164 = arith.constant 0 : i32
      %dma_wait3A_165 = arith.constant 0 : i32
      %dma_wait3A_166 = tpu.memref_slice %arg16[%dma_wait3A_165] : memref<2x!tpu.dma_semaphore, #tpu.memory_space<semaphore_mem>> -> memref<1x!tpu.dma_semaphore, #tpu.memory_space<semaphore_mem>>
      %dma_wait3A_167 = tpu.memref_squeeze %dma_wait3A_166 : memref<1x!tpu.dma_semaphore, #tpu.memory_space<semaphore_mem>> -> memref<!tpu.dma_semaphore, #tpu.memory_space<semaphore_mem>>
      %dma_wait3A_168 = arith.constant 0 : i32
      %dma_wait3A_169 = arith.constant 0 : i32
      %dma_wait3A_170 = tpu.memref_slice %arg11[%dma_wait3A_164, %dma_wait3A_168, %dma_wait3A_169] : memref<2x128x128xf32, #tpu.memory_space<vmem>> -> memref<1x128x128xf32, #tpu.memory_space<vmem>>
      %dma_wait3A_171 = tpu.memref_squeeze %dma_wait3A_170 : memref<1x128x128xf32, #tpu.memory_space<vmem>> -> memref<128x128xf32, #tpu.memory_space<vmem>>
      %dma_wait3A_172 = arith.constant 0 : i32
      %dma_wait3A_173 = tpu.memref_slice %arg2[%mul3A_163, %dma_wait3A_172] : memref<10240x128xf32, #tpu.memory_space<any>> -> memref<128x128xf32, #tpu.memory_space<any>>
      tpu.wait_dma2 semaphore(%dma_wait3A_167 : memref<!tpu.dma_semaphore, #tpu.memory_space<semaphore_mem>>) src(%dma_wait3A_173 : memref<128x128xf32, #tpu.memory_space<any>>) dst(%dma_wait3A_171 : memref<128x128xf32, #tpu.memory_space<vmem>>)
      %ge3A = arith.constant 1 : i32
      %ge3A_174 = arith.cmpi sge, %scan3A_121, %ge3A : i32
      %convert_element_type3A = arith.extui %ge3A_174 : i1 to i32
      %cond3A = arith.constant 0 : i32
      %cond3A_175 = arith.cmpi ne, %convert_element_type3A, %cond3A : i32
      scf.if %cond3A_175 {
        %sub3A = arith.constant 2 : i32
        %sub3A_376 = arith.subi %mul3A_122, %sub3A : i32
        %mul3A_377 = arith.constant 128 : i32
        %mul3A_378 = arith.muli %sub3A_376, %mul3A_377 : i32
        %dma_wait3A_379 = arith.constant 0 : i32
        %dma_wait3A_380 = arith.constant 0 : i32
        %dma_wait3A_381 = tpu.memref_slice %arg17[%dma_wait3A_380] : memref<2x!tpu.dma_semaphore, #tpu.memory_space<semaphore_mem>> -> memref<1x!tpu.dma_semaphore, #tpu.memory_space<semaphore_mem>>
        %dma_wait3A_382 = tpu.memref_squeeze %dma_wait3A_381 : memref<1x!tpu.dma_semaphore, #tpu.memory_space<semaphore_mem>> -> memref<!tpu.dma_semaphore, #tpu.memory_space<semaphore_mem>>
        %dma_wait3A_383 = arith.constant 0 : i32
        %dma_wait3A_384 = tpu.memref_slice %arg7[%mul3A_378, %dma_wait3A_383] : memref<10240x768xf32, #tpu.memory_space<any>> -> memref<128x768xf32, #tpu.memory_space<any>>
        %dma_wait3A_385 = arith.constant 0 : i32
        %dma_wait3A_386 = arith.constant 0 : i32
        %dma_wait3A_387 = tpu.memref_slice %arg12[%dma_wait3A_379, %dma_wait3A_385, %dma_wait3A_386] : memref<2x128x768xf32, #tpu.memory_space<vmem>> -> memref<1x128x768xf32, #tpu.memory_space<vmem>>
        %dma_wait3A_388 = tpu.memref_squeeze %dma_wait3A_387 : memref<1x128x768xf32, #tpu.memory_space<vmem>> -> memref<128x768xf32, #tpu.memory_space<vmem>>
        tpu.wait_dma2 semaphore(%dma_wait3A_382 : memref<!tpu.dma_semaphore, #tpu.memory_space<semaphore_mem>>) src(%dma_wait3A_388 : memref<128x768xf32, #tpu.memory_space<vmem>>) dst(%dma_wait3A_384 : memref<128x768xf32, #tpu.memory_space<any>>)
      } else {
      }
      %get3A_176 = arith.index_cast %get3A_125 : i32 to index
      %get3A_177 = arith.constant 0 : index
      %get3A_178 = vector.load %arg3[%get3A_176, %get3A_177] : memref<64x256xf32, #tpu.memory_space<vmem>>, vector<1x256xf32>
      %get3A_179 = arith.index_cast %get3A_125 : i32 to index
      %get3A_180 = arith.constant 0 : index
      %get3A_181 = vector.load %arg4[%get3A_179, %get3A_180] : memref<64x768xf32, #tpu.memory_space<vmem>>, vector<1x768xf32>
      %get3A_182 = arith.constant 0 : index
      %get3A_183 = arith.constant 0 : index
      %get3A_184 = arith.constant 0 : index
      %get3A_185 = vector.load %arg10[%get3A_182, %get3A_183, %get3A_184] : memref<2x128x768xf32, #tpu.memory_space<vmem>>, vector<1x128x768xf32>
      %get3A_186 = vector.shape_cast %get3A_185 : vector<1x128x768xf32> to vector<128x768xf32>
      %get3A_187 = arith.constant 0 : index
      %get3A_188 = arith.constant 0 : index
      %get3A_189 = arith.constant 0 : index
      %get3A_190 = vector.load %arg8[%get3A_187, %get3A_188, %get3A_189] : memref<2x768x256xf32, #tpu.memory_space<vmem>>, vector<1x768x256xf32>
      %get3A_191 = vector.shape_cast %get3A_190 : vector<1x768x256xf32> to vector<768x256xf32>
      %dot_general3A = arith.constant dense<0.000000e+00> : vector<128x256xf32>
      %dot_general3A_192 = tpu.matmul %get3A_186, %get3A_191, %dot_general3A {dimension_numbers = #tpu.dot_dimension_numbers<[1], [0], [0], [1], [0, 0, 1, 1], [], []>, transpose_lhs_hint = false} : vector<128x768xf32>, vector<768x256xf32>, vector<128x256xf32> -> vector<128x256xf32>
      %add3A = vector.broadcast %get3A_178 : vector<1x256xf32> to vector<128x256xf32>
      %add3A_193 = arith.addf %dot_general3A_192, %add3A : vector<128x256xf32>
      %mul3A_194 = arith.constant 5.000000e-01 : f32
      %mul3A_195 = vector.broadcast %mul3A_194 : f32 to vector<128x256xf32>
      %mul3A_196 = arith.mulf %add3A_193, %mul3A_195 : vector<128x256xf32>
      %mul3A_197 = arith.constant 0.707106769 : f32
      %mul3A_198 = vector.broadcast %mul3A_197 : f32 to vector<128x256xf32>
      %mul3A_199 = arith.mulf %add3A_193, %mul3A_198 : vector<128x256xf32>
      %erf3A = math.erf %mul3A_199 : vector<128x256xf32>
      %add3A_200 = arith.constant 1.000000e+00 : f32
      %add3A_201 = vector.broadcast %add3A_200 : f32 to vector<128x256xf32>
      %add3A_202 = arith.addf %add3A_201, %erf3A : vector<128x256xf32>
      %mul3A_203 = arith.mulf %mul3A_196, %add3A_202 : vector<128x256xf32>
      %get3A_204 = arith.constant 0 : index
      %get3A_205 = arith.constant 0 : index
      %get3A_206 = arith.constant 0 : index
      %get3A_207 = vector.load %arg9[%get3A_204, %get3A_205, %get3A_206] : memref<2x256x768xf32, #tpu.memory_space<vmem>>, vector<1x256x768xf32>
      %get3A_208 = vector.shape_cast %get3A_207 : vector<1x256x768xf32> to vector<256x768xf32>
      %dot_general3A_209 = arith.constant dense<0.000000e+00> : vector<128x768xf32>
      %dot_general3A_210 = tpu.matmul %mul3A_203, %get3A_208, %dot_general3A_209 {dimension_numbers = #tpu.dot_dimension_numbers<[1], [0], [0], [1], [0, 0, 1, 1], [], []>, transpose_lhs_hint = false} : vector<128x256xf32>, vector<256x768xf32>, vector<128x768xf32> -> vector<128x768xf32>
      %add3A_211 = vector.broadcast %get3A_181 : vector<1x768xf32> to vector<128x768xf32>
      %add3A_212 = arith.addf %dot_general3A_210, %add3A_211 : vector<128x768xf32>
      %get3A_213 = arith.constant 0 : index
      %get3A_214 = arith.constant 0 : index
      %get3A_215 = arith.constant 0 : index
      %get3A_216 = vector.load %arg11[%get3A_213, %get3A_214, %get3A_215] : memref<2x128x128xf32, #tpu.memory_space<vmem>>, vector<1x128x128xf32>
      %get3A_217 = vector.shape_cast %get3A_216 : vector<1x128x128xf32> to vector<128x128xf32>
      %slice3A = vector.extract_strided_slice %get3A_217 {offsets = [0, 0], sizes = [128, 1], strides = [1, 1]} : vector<128x128xf32> to vector<128x1xf32>
      %mul3A_218 = vector.broadcast %slice3A : vector<128x1xf32> to vector<128x768xf32>
      %mul3A_219 = arith.mulf %add3A_212, %mul3A_218 : vector<128x768xf32>
      %swap3A = arith.constant 0 : index
      %swap3A_220 = arith.constant 0 : index
      %swap3A_221 = arith.constant 0 : index
      %swap3A_222 = vector.load %arg12[%swap3A, %swap3A_220, %swap3A_221] : memref<2x128x768xf32, #tpu.memory_space<vmem>>, vector<1x128x768xf32>
      %swap3A_223 = vector.shape_cast %swap3A_222 : vector<1x128x768xf32> to vector<128x768xf32>
      %swap3A_224 = vector.shape_cast %mul3A_219 : vector<128x768xf32> to vector<1x128x768xf32>
      tpu.vector_store %arg12[%swap3A, %swap3A_220, %swap3A_221], %swap3A_224 {strides = array<i32>} : memref<2x128x768xf32, #tpu.memory_space<vmem>>, vector<1x128x768xf32>,
      %mul3A_225 = arith.constant 128 : i32
      %mul3A_226 = arith.muli %mul3A_122, %mul3A_225 : i32
      %dma_start3A_227 = arith.constant 0 : i32
      %dma_start3A_228 = arith.constant 0 : i32
      %dma_start3A_229 = tpu.memref_slice %arg17[%dma_start3A_228] : memref<2x!tpu.dma_semaphore, #tpu.memory_space<semaphore_mem>> -> memref<1x!tpu.dma_semaphore, #tpu.memory_space<semaphore_mem>>
      %dma_start3A_230 = tpu.memref_squeeze %dma_start3A_229 : memref<1x!tpu.dma_semaphore, #tpu.memory_space<semaphore_mem>> -> memref<!tpu.dma_semaphore, #tpu.memory_space<semaphore_mem>>
      %dma_start3A_231 = arith.constant 0 : i32
      %dma_start3A_232 = tpu.memref_slice %arg7[%mul3A_226, %dma_start3A_231] : memref<10240x768xf32, #tpu.memory_space<any>> -> memref<128x768xf32, #tpu.memory_space<any>>
      %dma_start3A_233 = arith.constant 0 : i32
      %dma_start3A_234 = arith.constant 0 : i32
      %dma_start3A_235 = tpu.memref_slice %arg12[%dma_start3A_227, %dma_start3A_233, %dma_start3A_234] : memref<2x128x768xf32, #tpu.memory_space<vmem>> -> memref<1x128x768xf32, #tpu.memory_space<vmem>>
      %dma_start3A_236 = tpu.memref_squeeze %dma_start3A_235 : memref<1x128x768xf32, #tpu.memory_space<vmem>> -> memref<128x768xf32, #tpu.memory_space<vmem>>
      tpu.enqueue_dma source(%dma_start3A_236 : memref<128x768xf32, #tpu.memory_space<vmem>>) target(%dma_start3A_232 : memref<128x768xf32, #tpu.memory_space<any>>) target_semaphore(%dma_start3A_230 : memref<!tpu.dma_semaphore, #tpu.memory_space<semaphore_mem>>)
      %add3A_237 = arith.constant 2 : i32
      %add3A_238 = arith.addi %mul3A_122, %add3A_237 : i32
      %lt3A = arith.constant 80 : i32
      %lt3A_239 = arith.cmpi slt, %add3A_238, %lt3A : i32
      %convert_element_type3A_240 = arith.extui %lt3A_239 : i1 to i32
      %cond3A_241 = arith.constant 0 : i32
      %cond3A_242 = arith.cmpi ne, %convert_element_type3A_240, %cond3A_241 : i32
      scf.if %cond3A_242 {
        %add3A_376 = arith.constant 2 : i32
        %add3A_377 = arith.addi %mul3A_122, %add3A_376 : i32
        %get3A_378 = arith.constant 0 : index
        %get3A_379 = arith.index_cast %add3A_377 : i32 to index
        %get3A_380 = memref.load %arg0[%get3A_378, %get3A_379] : memref<1x80xi32, #tpu.memory_space<smem>>
        %dma_start3A_381 = arith.constant 0 : i32
        %dma_start3A_382 = arith.constant 0 : i32
        %dma_start3A_383 = tpu.memref_slice %arg13[%dma_start3A_382] : memref<2x!tpu.dma_semaphore, #tpu.memory_space<semaphore_mem>> -> memref<1x!tpu.dma_semaphore, #tpu.memory_space<semaphore_mem>>
        %dma_start3A_384 = tpu.memref_squeeze %dma_start3A_383 : memref<1x!tpu.dma_semaphore, #tpu.memory_space<semaphore_mem>> -> memref<!tpu.dma_semaphore, #tpu.memory_space<semaphore_mem>>
        %dma_start3A_385 = arith.constant 0 : i32
        %dma_start3A_386 = arith.constant 0 : i32
        %dma_start3A_387 = tpu.memref_slice %arg8[%dma_start3A_381, %dma_start3A_385, %dma_start3A_386] : memref<2x768x256xf32, #tpu.memory_space<vmem>> -> memref<1x768x256xf32, #tpu.memory_space<vmem>>
        %dma_start3A_388 = tpu.memref_squeeze %dma_start3A_387 : memref<1x768x256xf32, #tpu.memory_space<vmem>> -> memref<768x256xf32, #tpu.memory_space<vmem>>
        %dma_start3A_389 = arith.constant 0 : i32
        %dma_start3A_390 = arith.constant 0 : i32
        %dma_start3A_391 = tpu.memref_slice %arg5[%get3A_380, %dma_start3A_389, %dma_start3A_390] : memref<64x768x256xf32, #tpu.memory_space<any>> -> memref<1x768x256xf32, #tpu.memory_space<any>>
        %dma_start3A_392 = tpu.memref_squeeze %dma_start3A_391 : memref<1x768x256xf32, #tpu.memory_space<any>> -> memref<768x256xf32, #tpu.memory_space<any>>
        tpu.enqueue_dma source(%dma_start3A_392 : memref<768x256xf32, #tpu.memory_space<any>>) target(%dma_start3A_388 : memref<768x256xf32, #tpu.memory_space<vmem>>) target_semaphore(%dma_start3A_384 : memref<!tpu.dma_semaphore, #tpu.memory_space<semaphore_mem>>)
        %dma_start3A_393 = arith.constant 0 : i32
        %dma_start3A_394 = arith.constant 0 : i32
        %dma_start3A_395 = tpu.memref_slice %arg14[%dma_start3A_394] : memref<2x!tpu.dma_semaphore, #tpu.memory_space<semaphore_mem>> -> memref<1x!tpu.dma_semaphore, #tpu.memory_space<semaphore_mem>>
        %dma_start3A_396 = tpu.memref_squeeze %dma_start3A_395 : memref<1x!tpu.dma_semaphore, #tpu.memory_space<semaphore_mem>> -> memref<!tpu.dma_semaphore, #tpu.memory_space<semaphore_mem>>
        %dma_start3A_397 = arith.constant 0 : i32
        %dma_start3A_398 = arith.constant 0 : i32
        %dma_start3A_399 = tpu.memref_slice %arg9[%dma_start3A_393, %dma_start3A_397, %dma_start3A_398] : memref<2x256x768xf32, #tpu.memory_space<vmem>> -> memref<1x256x768xf32, #tpu.memory_space<vmem>>
        %dma_start3A_400 = tpu.memref_squeeze %dma_start3A_399 : memref<1x256x768xf32, #tpu.memory_space<vmem>> -> memref<256x768xf32, #tpu.memory_space<vmem>>
        %dma_start3A_401 = arith.constant 0 : i32
        %dma_start3A_402 = arith.constant 0 : i32
        %dma_start3A_403 = tpu.memref_slice %arg6[%get3A_380, %dma_start3A_401, %dma_start3A_402] : memref<64x256x768xf32, #tpu.memory_space<any>> -> memref<1x256x768xf32, #tpu.memory_space<any>>
        %dma_start3A_404 = tpu.memref_squeeze %dma_start3A_403 : memref<1x256x768xf32, #tpu.memory_space<any>> -> memref<256x768xf32, #tpu.memory_space<any>>
        tpu.enqueue_dma source(%dma_start3A_404 : memref<256x768xf32, #tpu.memory_space<any>>) target(%dma_start3A_400 : memref<256x768xf32, #tpu.memory_space<vmem>>) target_semaphore(%dma_start3A_396 : memref<!tpu.dma_semaphore, #tpu.memory_space<semaphore_mem>>)
        %mul3A_405 = arith.constant 128 : i32
        %mul3A_406 = arith.muli %add3A_377, %mul3A_405 : i32
        %dma_start3A_407 = arith.constant 0 : i32
        %dma_start3A_408 = arith.constant 0 : i32
        %dma_start3A_409 = tpu.memref_slice %arg15[%dma_start3A_408] : memref<2x!tpu.dma_semaphore, #tpu.memory_space<semaphore_mem>> -> memref<1x!tpu.dma_semaphore, #tpu.memory_space<semaphore_mem>>
        %dma_start3A_410 = tpu.memref_squeeze %dma_start3A_409 : memref<1x!tpu.dma_semaphore, #tpu.memory_space<semaphore_mem>> -> memref<!tpu.dma_semaphore, #tpu.memory_space<semaphore_mem>>
        %dma_start3A_411 = arith.constant 0 : i32
        %dma_start3A_412 = arith.constant 0 : i32
        %dma_start3A_413 = tpu.memref_slice %arg10[%dma_start3A_407, %dma_start3A_411, %dma_start3A_412] : memref<2x128x768xf32, #tpu.memory_space<vmem>> -> memref<1x128x768xf32, #tpu.memory_space<vmem>>
        %dma_start3A_414 = tpu.memref_squeeze %dma_start3A_413 : memref<1x128x768xf32, #tpu.memory_space<vmem>> -> memref<128x768xf32, #tpu.memory_space<vmem>>
        %dma_start3A_415 = arith.constant 0 : i32
        %dma_start3A_416 = tpu.memref_slice %arg1[%mul3A_406, %dma_start3A_415] : memref<10240x768xf32, #tpu.memory_space<any>> -> memref<128x768xf32, #tpu.memory_space<any>>
        tpu.enqueue_dma source(%dma_start3A_416 : memref<128x768xf32, #tpu.memory_space<any>>) target(%dma_start3A_414 : memref<128x768xf32, #tpu.memory_space<vmem>>) target_semaphore(%dma_start3A_410 : memref<!tpu.dma_semaphore, #tpu.memory_space<semaphore_mem>>)
        %mul3A_417 = arith.constant 128 : i32
        %mul3A_418 = arith.muli %add3A_377, %mul3A_417 : i32
        %dma_start3A_419 = arith.constant 0 : i32
        %dma_start3A_420 = arith.constant 0 : i32
        %dma_start3A_421 = tpu.memref_slice %arg16[%dma_start3A_420] : memref<2x!tpu.dma_semaphore, #tpu.memory_space<semaphore_mem>> -> memref<1x!tpu.dma_semaphore, #tpu.memory_space<semaphore_mem>>
        %dma_start3A_422 = tpu.memref_squeeze %dma_start3A_421 : memref<1x!tpu.dma_semaphore, #tpu.memory_space<semaphore_mem>> -> memref<!tpu.dma_semaphore, #tpu.memory_space<semaphore_mem>>
        %dma_start3A_423 = arith.constant 0 : i32
        %dma_start3A_424 = arith.constant 0 : i32
        %dma_start3A_425 = tpu.memref_slice %arg11[%dma_start3A_419, %dma_start3A_423, %dma_start3A_424] : memref<2x128x128xf32, #tpu.memory_space<vmem>> -> memref<1x128x128xf32, #tpu.memory_space<vmem>>
        %dma_start3A_426 = tpu.memref_squeeze %dma_start3A_425 : memref<1x128x128xf32, #tpu.memory_space<vmem>> -> memref<128x128xf32, #tpu.memory_space<vmem>>
        %dma_start3A_427 = arith.constant 0 : i32
        %dma_start3A_428 = tpu.memref_slice %arg2[%mul3A_418, %dma_start3A_427] : memref<10240x128xf32, #tpu.memory_space<any>> -> memref<128x128xf32, #tpu.memory_space<any>>
        tpu.enqueue_dma source(%dma_start3A_428 : memref<128x128xf32, #tpu.memory_space<any>>) target(%dma_start3A_426 : memref<128x128xf32, #tpu.memory_space<vmem>>) target_semaphore(%dma_start3A_422 : memref<!tpu.dma_semaphore, #tpu.memory_space<semaphore_mem>>)
      } else {
      }
      %mul3A_243 = arith.constant 2 : i32
      %mul3A_244 = arith.muli %mul3A_243, %scan3A_121 : i32
      %add3A_245 = arith.constant 1 : i32
      %add3A_246 = arith.addi %mul3A_244, %add3A_245 : i32
      %get3A_247 = arith.constant 0 : index
      %get3A_248 = arith.index_cast %add3A_246 : i32 to index
      %get3A_249 = memref.load %arg0[%get3A_247, %get3A_248] : memref<1x80xi32, #tpu.memory_space<smem>>
      %dma_wait3A_250 = arith.constant 1 : i32
      %dma_wait3A_251 = arith.constant 1 : i32
      %dma_wait3A_252 = tpu.memref_slice %arg13[%dma_wait3A_251] : memref<2x!tpu.dma_semaphore, #tpu.memory_space<semaphore_mem>> -> memref<1x!tpu.dma_semaphore, #tpu.memory_space<semaphore_mem>>
      %dma_wait3A_253 = tpu.memref_squeeze %dma_wait3A_252 : memref<1x!tpu.dma_semaphore, #tpu.memory_space<semaphore_mem>> -> memref<!tpu.dma_semaphore, #tpu.memory_space<semaphore_mem>>
      %dma_wait3A_254 = arith.constant 0 : i32
      %dma_wait3A_255 = arith.constant 0 : i32
      %dma_wait3A_256 = tpu.memref_slice %arg8[%dma_wait3A_250, %dma_wait3A_254, %dma_wait3A_255] : memref<2x768x256xf32, #tpu.memory_space<vmem>> -> memref<1x768x256xf32, #tpu.memory_space<vmem>>
      %dma_wait3A_257 = tpu.memref_squeeze %dma_wait3A_256 : memref<1x768x256xf32, #tpu.memory_space<vmem>> -> memref<768x256xf32, #tpu.memory_space<vmem>>
      %dma_wait3A_258 = arith.constant 0 : i32
      %dma_wait3A_259 = arith.constant 0 : i32
      %dma_wait3A_260 = tpu.memref_slice %arg5[%get3A_249, %dma_wait3A_258, %dma_wait3A_259] : memref<64x768x256xf32, #tpu.memory_space<any>> -> memref<1x768x256xf32, #tpu.memory_space<any>>
      %dma_wait3A_261 = tpu.memref_squeeze %dma_wait3A_260 : memref<1x768x256xf32, #tpu.memory_space<any>> -> memref<768x256xf32, #tpu.memory_space<any>>
      tpu.wait_dma2 semaphore(%dma_wait3A_253 : memref<!tpu.dma_semaphore, #tpu.memory_space<semaphore_mem>>) src(%dma_wait3A_261 : memref<768x256xf32, #tpu.memory_space<any>>) dst(%dma_wait3A_257 : memref<768x256xf32, #tpu.memory_space<vmem>>)
      %dma_wait3A_262 = arith.constant 1 : i32
      %dma_wait3A_263 = arith.constant 1 : i32
      %dma_wait3A_264 = tpu.memref_slice %arg14[%dma_wait3A_263] : memref<2x!tpu.dma_semaphore, #tpu.memory_space<semaphore_mem>> -> memref<1x!tpu.dma_semaphore, #tpu.memory_space<semaphore_mem>>
      %dma_wait3A_265 = tpu.memref_squeeze %dma_wait3A_264 : memref<1x!tpu.dma_semaphore, #tpu.memory_space<semaphore_mem>> -> memref<!tpu.dma_semaphore, #tpu.memory_space<semaphore_mem>>
      %dma_wait3A_266 = arith.constant 0 : i32
      %dma_wait3A_267 = arith.constant 0 : i32
      %dma_wait3A_268 = tpu.memref_slice %arg9[%dma_wait3A_262, %dma_wait3A_266, %dma_wait3A_267] : memref<2x256x768xf32, #tpu.memory_space<vmem>> -> memref<1x256x768xf32, #tpu.memory_space<vmem>>
      %dma_wait3A_269 = tpu.memref_squeeze %dma_wait3A_268 : memref<1x256x768xf32, #tpu.memory_space<vmem>> -> memref<256x768xf32, #tpu.memory_space<vmem>>
      %dma_wait3A_270 = arith.constant 0 : i32
      %dma_wait3A_271 = arith.constant 0 : i32
      %dma_wait3A_272 = tpu.memref_slice %arg6[%get3A_249, %dma_wait3A_270, %dma_wait3A_271] : memref<64x256x768xf32, #tpu.memory_space<any>> -> memref<1x256x768xf32, #tpu.memory_space<any>>
      %dma_wait3A_273 = tpu.memref_squeeze %dma_wait3A_272 : memref<1x256x768xf32, #tpu.memory_space<any>> -> memref<256x768xf32, #tpu.memory_space<any>>
      tpu.wait_dma2 semaphore(%dma_wait3A_265 : memref<!tpu.dma_semaphore, #tpu.memory_space<semaphore_mem>>) src(%dma_wait3A_273 : memref<256x768xf32, #tpu.memory_space<any>>) dst(%dma_wait3A_269 : memref<256x768xf32, #tpu.memory_space<vmem>>)
      %mul3A_274 = arith.constant 128 : i32
      %mul3A_275 = arith.muli %add3A_246, %mul3A_274 : i32
      %dma_wait3A_276 = arith.constant 1 : i32
      %dma_wait3A_277 = arith.constant 1 : i32
      %dma_wait3A_278 = tpu.memref_slice %arg15[%dma_wait3A_277] : memref<2x!tpu.dma_semaphore, #tpu.memory_space<semaphore_mem>> -> memref<1x!tpu.dma_semaphore, #tpu.memory_space<semaphore_mem>>
      %dma_wait3A_279 = tpu.memref_squeeze %dma_wait3A_278 : memref<1x!tpu.dma_semaphore, #tpu.memory_space<semaphore_mem>> -> memref<!tpu.dma_semaphore, #tpu.memory_space<semaphore_mem>>
      %dma_wait3A_280 = arith.constant 0 : i32
      %dma_wait3A_281 = arith.constant 0 : i32
      %dma_wait3A_282 = tpu.memref_slice %arg10[%dma_wait3A_276, %dma_wait3A_280, %dma_wait3A_281] : memref<2x128x768xf32, #tpu.memory_space<vmem>> -> memref<1x128x768xf32, #tpu.memory_space<vmem>>
      %dma_wait3A_283 = tpu.memref_squeeze %dma_wait3A_282 : memref<1x128x768xf32, #tpu.memory_space<vmem>> -> memref<128x768xf32, #tpu.memory_space<vmem>>
      %dma_wait3A_284 = arith.constant 0 : i32
      %dma_wait3A_285 = tpu.memref_slice %arg1[%mul3A_275, %dma_wait3A_284] : memref<10240x768xf32, #tpu.memory_space<any>> -> memref<128x768xf32, #tpu.memory_space<any>>
      tpu.wait_dma2 semaphore(%dma_wait3A_279 : memref<!tpu.dma_semaphore, #tpu.memory_space<semaphore_mem>>) src(%dma_wait3A_285 : memref<128x768xf32, #tpu.memory_space<any>>) dst(%dma_wait3A_283 : memref<128x768xf32, #tpu.memory_space<vmem>>)
      %mul3A_286 = arith.constant 128 : i32
      %mul3A_287 = arith.muli %add3A_246, %mul3A_286 : i32
      %dma_wait3A_288 = arith.constant 1 : i32
      %dma_wait3A_289 = arith.constant 1 : i32
      %dma_wait3A_290 = tpu.memref_slice %arg16[%dma_wait3A_289] : memref<2x!tpu.dma_semaphore, #tpu.memory_space<semaphore_mem>> -> memref<1x!tpu.dma_semaphore, #tpu.memory_space<semaphore_mem>>
      %dma_wait3A_291 = tpu.memref_squeeze %dma_wait3A_290 : memref<1x!tpu.dma_semaphore, #tpu.memory_space<semaphore_mem>> -> memref<!tpu.dma_semaphore, #tpu.memory_space<semaphore_mem>>
      %dma_wait3A_292 = arith.constant 0 : i32
      %dma_wait3A_293 = arith.constant 0 : i32
      %dma_wait3A_294 = tpu.memref_slice %arg11[%dma_wait3A_288, %dma_wait3A_292, %dma_wait3A_293] : memref<2x128x128xf32, #tpu.memory_space<vmem>> -> memref<1x128x128xf32, #tpu.memory_space<vmem>>
      %dma_wait3A_295 = tpu.memref_squeeze %dma_wait3A_294 : memref<1x128x128xf32, #tpu.memory_space<vmem>> -> memref<128x128xf32, #tpu.memory_space<vmem>>
      %dma_wait3A_296 = arith.constant 0 : i32
      %dma_wait3A_297 = tpu.memref_slice %arg2[%mul3A_287, %dma_wait3A_296] : memref<10240x128xf32, #tpu.memory_space<any>> -> memref<128x128xf32, #tpu.memory_space<any>>
      tpu.wait_dma2 semaphore(%dma_wait3A_291 : memref<!tpu.dma_semaphore, #tpu.memory_space<semaphore_mem>>) src(%dma_wait3A_297 : memref<128x128xf32, #tpu.memory_space<any>>) dst(%dma_wait3A_295 : memref<128x128xf32, #tpu.memory_space<vmem>>)
      %ge3A_298 = arith.constant 1 : i32
      %ge3A_299 = arith.cmpi sge, %scan3A_121, %ge3A_298 : i32
      %convert_element_type3A_300 = arith.extui %ge3A_299 : i1 to i32
      %cond3A_301 = arith.constant 0 : i32
      %cond3A_302 = arith.cmpi ne, %convert_element_type3A_300, %cond3A_301 : i32
      scf.if %cond3A_302 {
        %sub3A = arith.constant 2 : i32
        %sub3A_376 = arith.subi %add3A_246, %sub3A : i32
        %mul3A_377 = arith.constant 128 : i32
        %mul3A_378 = arith.muli %sub3A_376, %mul3A_377 : i32
        %dma_wait3A_379 = arith.constant 1 : i32
        %dma_wait3A_380 = arith.constant 1 : i32
        %dma_wait3A_381 = tpu.memref_slice %arg17[%dma_wait3A_380] : memref<2x!tpu.dma_semaphore, #tpu.memory_space<semaphore_mem>> -> memref<1x!tpu.dma_semaphore, #tpu.memory_space<semaphore_mem>>
        %dma_wait3A_382 = tpu.memref_squeeze %dma_wait3A_381 : memref<1x!tpu.dma_semaphore, #tpu.memory_space<semaphore_mem>> -> memref<!tpu.dma_semaphore, #tpu.memory_space<semaphore_mem>>
        %dma_wait3A_383 = arith.constant 0 : i32
        %dma_wait3A_384 = tpu.memref_slice %arg7[%mul3A_378, %dma_wait3A_383] : memref<10240x768xf32, #tpu.memory_space<any>> -> memref<128x768xf32, #tpu.memory_space<any>>
        %dma_wait3A_385 = arith.constant 0 : i32
        %dma_wait3A_386 = arith.constant 0 : i32
        %dma_wait3A_387 = tpu.memref_slice %arg12[%dma_wait3A_379, %dma_wait3A_385, %dma_wait3A_386] : memref<2x128x768xf32, #tpu.memory_space<vmem>> -> memref<1x128x768xf32, #tpu.memory_space<vmem>>
        %dma_wait3A_388 = tpu.memref_squeeze %dma_wait3A_387 : memref<1x128x768xf32, #tpu.memory_space<vmem>> -> memref<128x768xf32, #tpu.memory_space<vmem>>
        tpu.wait_dma2 semaphore(%dma_wait3A_382 : memref<!tpu.dma_semaphore, #tpu.memory_space<semaphore_mem>>) src(%dma_wait3A_388 : memref<128x768xf32, #tpu.memory_space<vmem>>) dst(%dma_wait3A_384 : memref<128x768xf32, #tpu.memory_space<any>>)
      } else {
      }
      %get3A_303 = arith.index_cast %get3A_249 : i32 to index
      %get3A_304 = arith.constant 0 : index
      %get3A_305 = vector.load %arg3[%get3A_303, %get3A_304] : memref<64x256xf32, #tpu.memory_space<vmem>>, vector<1x256xf32>
      %get3A_306 = arith.index_cast %get3A_249 : i32 to index
      %get3A_307 = arith.constant 0 : index
      %get3A_308 = vector.load %arg4[%get3A_306, %get3A_307] : memref<64x768xf32, #tpu.memory_space<vmem>>, vector<1x768xf32>
      %get3A_309 = arith.constant 1 : index
      %get3A_310 = arith.constant 0 : index
      %get3A_311 = arith.constant 0 : index
      %get3A_312 = vector.load %arg10[%get3A_309, %get3A_310, %get3A_311] : memref<2x128x768xf32, #tpu.memory_space<vmem>>, vector<1x128x768xf32>
      %get3A_313 = vector.shape_cast %get3A_312 : vector<1x128x768xf32> to vector<128x768xf32>
      %get3A_314 = arith.constant 1 : index
      %get3A_315 = arith.constant 0 : index
      %get3A_316 = arith.constant 0 : index
      %get3A_317 = vector.load %arg8[%get3A_314, %get3A_315, %get3A_316] : memref<2x768x256xf32, #tpu.memory_space<vmem>>, vector<1x768x256xf32>
      %get3A_318 = vector.shape_cast %get3A_317 : vector<1x768x256xf32> to vector<768x256xf32>
      %dot_general3A_319 = arith.constant dense<0.000000e+00> : vector<128x256xf32>
      %dot_general3A_320 = tpu.matmul %get3A_313, %get3A_318, %dot_general3A_319 {dimension_numbers = #tpu.dot_dimension_numbers<[1], [0], [0], [1], [0, 0, 1, 1], [], []>, transpose_lhs_hint = false} : vector<128x768xf32>, vector<768x256xf32>, vector<128x256xf32> -> vector<128x256xf32>
      %add3A_321 = vector.broadcast %get3A_305 : vector<1x256xf32> to vector<128x256xf32>
      %add3A_322 = arith.addf %dot_general3A_320, %add3A_321 : vector<128x256xf32>
      %mul3A_323 = arith.constant 5.000000e-01 : f32
      %mul3A_324 = vector.broadcast %mul3A_323 : f32 to vector<128x256xf32>
      %mul3A_325 = arith.mulf %add3A_322, %mul3A_324 : vector<128x256xf32>
      %mul3A_326 = arith.constant 0.707106769 : f32
      %mul3A_327 = vector.broadcast %mul3A_326 : f32 to vector<128x256xf32>
      %mul3A_328 = arith.mulf %add3A_322, %mul3A_327 : vector<128x256xf32>
      %erf3A_329 = math.erf %mul3A_328 : vector<128x256xf32>
      %add3A_330 = arith.constant 1.000000e+00 : f32
      %add3A_331 = vector.broadcast %add3A_330 : f32 to vector<128x256xf32>
      %add3A_332 = arith.addf %add3A_331, %erf3A_329 : vector<128x256xf32>
      %mul3A_333 = arith.mulf %mul3A_325, %add3A_332 : vector<128x256xf32>
      %get3A_334 = arith.constant 1 : index
      %get3A_335 = arith.constant 0 : index
      %get3A_336 = arith.constant 0 : index
      %get3A_337 = vector.load %arg9[%get3A_334, %get3A_335, %get3A_336] : memref<2x256x768xf32, #tpu.memory_space<vmem>>, vector<1x256x768xf32>
      %get3A_338 = vector.shape_cast %get3A_337 : vector<1x256x768xf32> to vector<256x768xf32>
      %dot_general3A_339 = arith.constant dense<0.000000e+00> : vector<128x768xf32>
      %dot_general3A_340 = tpu.matmul %mul3A_333, %get3A_338, %dot_general3A_339 {dimension_numbers = #tpu.dot_dimension_numbers<[1], [0], [0], [1], [0, 0, 1, 1], [], []>, transpose_lhs_hint = false} : vector<128x256xf32>, vector<256x768xf32>, vector<128x768xf32> -> vector<128x768xf32>
      %add3A_341 = vector.broadcast %get3A_308 : vector<1x768xf32> to vector<128x768xf32>
      %add3A_342 = arith.addf %dot_general3A_340, %add3A_341 : vector<128x768xf32>
      %get3A_343 = arith.constant 1 : index
      %get3A_344 = arith.constant 0 : index
      %get3A_345 = arith.constant 0 : index
      %get3A_346 = vector.load %arg11[%get3A_343, %get3A_344, %get3A_345] : memref<2x128x128xf32, #tpu.memory_space<vmem>>, vector<1x128x128xf32>
      %get3A_347 = vector.shape_cast %get3A_346 : vector<1x128x128xf32> to vector<128x128xf32>
      %slice3A_348 = vector.extract_strided_slice %get3A_347 {offsets = [0, 0], sizes = [128, 1], strides = [1, 1]} : vector<128x128xf32> to vector<128x1xf32>
      %mul3A_349 = vector.broadcast %slice3A_348 : vector<128x1xf32> to vector<128x768xf32>
      %mul3A_350 = arith.mulf %add3A_342, %mul3A_349 : vector<128x768xf32>
      %swap3A_351 = arith.constant 1 : index
      %swap3A_352 = arith.constant 0 : index
      %swap3A_353 = arith.constant 0 : index
      %swap3A_354 = vector.load %arg12[%swap3A_351, %swap3A_352, %swap3A_353] : memref<2x128x768xf32, #tpu.memory_space<vmem>>, vector<1x128x768xf32>
      %swap3A_355 = vector.shape_cast %swap3A_354 : vector<1x128x768xf32> to vector<128x768xf32>
      %swap3A_356 = vector.shape_cast %mul3A_350 : vector<128x768xf32> to vector<1x128x768xf32>
      tpu.vector_store %arg12[%swap3A_351, %swap3A_352, %swap3A_353], %swap3A_356 {strides = array<i32>} : memref<2x128x768xf32, #tpu.memory_space<vmem>>, vector<1x128x768xf32>,
      %mul3A_357 = arith.constant 128 : i32
      %mul3A_358 = arith.muli %add3A_246, %mul3A_357 : i32
      %dma_start3A_359 = arith.constant 1 : i32
      %dma_start3A_360 = arith.constant 1 : i32
      %dma_start3A_361 = tpu.memref_slice %arg17[%dma_start3A_360] : memref<2x!tpu.dma_semaphore, #tpu.memory_space<semaphore_mem>> -> memref<1x!tpu.dma_semaphore, #tpu.memory_space<semaphore_mem>>
      %dma_start3A_362 = tpu.memref_squeeze %dma_start3A_361 : memref<1x!tpu.dma_semaphore, #tpu.memory_space<semaphore_mem>> -> memref<!tpu.dma_semaphore, #tpu.memory_space<semaphore_mem>>
      %dma_start3A_363 = arith.constant 0 : i32
      %dma_start3A_364 = tpu.memref_slice %arg7[%mul3A_358, %dma_start3A_363] : memref<10240x768xf32, #tpu.memory_space<any>> -> memref<128x768xf32, #tpu.memory_space<any>>
      %dma_start3A_365 = arith.constant 0 : i32
      %dma_start3A_366 = arith.constant 0 : i32
      %dma_start3A_367 = tpu.memref_slice %arg12[%dma_start3A_359, %dma_start3A_365, %dma_start3A_366] : memref<2x128x768xf32, #tpu.memory_space<vmem>> -> memref<1x128x768xf32, #tpu.memory_space<vmem>>
      %dma_start3A_368 = tpu.memref_squeeze %dma_start3A_367 : memref<1x128x768xf32, #tpu.memory_space<vmem>> -> memref<128x768xf32, #tpu.memory_space<vmem>>
      tpu.enqueue_dma source(%dma_start3A_368 : memref<128x768xf32, #tpu.memory_space<vmem>>) target(%dma_start3A_364 : memref<128x768xf32, #tpu.memory_space<any>>) target_semaphore(%dma_start3A_362 : memref<!tpu.dma_semaphore, #tpu.memory_space<semaphore_mem>>)
      %add3A_369 = arith.constant 2 : i32
      %add3A_370 = arith.addi %add3A_246, %add3A_369 : i32
      %lt3A_371 = arith.constant 80 : i32
      %lt3A_372 = arith.cmpi slt, %add3A_370, %lt3A_371 : i32
      %convert_element_type3A_373 = arith.extui %lt3A_372 : i1 to i32
      %cond3A_374 = arith.constant 0 : i32
      %cond3A_375 = arith.cmpi ne, %convert_element_type3A_373, %cond3A_374 : i32
      scf.if %cond3A_375 {
        %add3A_376 = arith.constant 2 : i32
        %add3A_377 = arith.addi %add3A_246, %add3A_376 : i32
        %get3A_378 = arith.constant 0 : index
        %get3A_379 = arith.index_cast %add3A_377 : i32 to index
        %get3A_380 = memref.load %arg0[%get3A_378, %get3A_379] : memref<1x80xi32, #tpu.memory_space<smem>>
        %dma_start3A_381 = arith.constant 1 : i32
        %dma_start3A_382 = arith.constant 1 : i32
        %dma_start3A_383 = tpu.memref_slice %arg13[%dma_start3A_382] : memref<2x!tpu.dma_semaphore, #tpu.memory_space<semaphore_mem>> -> memref<1x!tpu.dma_semaphore, #tpu.memory_space<semaphore_mem>>
        %dma_start3A_384 = tpu.memref_squeeze %dma_start3A_383 : memref<1x!tpu.dma_semaphore, #tpu.memory_space<semaphore_mem>> -> memref<!tpu.dma_semaphore, #tpu.memory_space<semaphore_mem>>
        %dma_start3A_385 = arith.constant 0 : i32
        %dma_start3A_386 = arith.constant 0 : i32
        %dma_start3A_387 = tpu.memref_slice %arg8[%dma_start3A_381, %dma_start3A_385, %dma_start3A_386] : memref<2x768x256xf32, #tpu.memory_space<vmem>> -> memref<1x768x256xf32, #tpu.memory_space<vmem>>
        %dma_start3A_388 = tpu.memref_squeeze %dma_start3A_387 : memref<1x768x256xf32, #tpu.memory_space<vmem>> -> memref<768x256xf32, #tpu.memory_space<vmem>>
        %dma_start3A_389 = arith.constant 0 : i32
        %dma_start3A_390 = arith.constant 0 : i32
        %dma_start3A_391 = tpu.memref_slice %arg5[%get3A_380, %dma_start3A_389, %dma_start3A_390] : memref<64x768x256xf32, #tpu.memory_space<any>> -> memref<1x768x256xf32, #tpu.memory_space<any>>
        %dma_start3A_392 = tpu.memref_squeeze %dma_start3A_391 : memref<1x768x256xf32, #tpu.memory_space<any>> -> memref<768x256xf32, #tpu.memory_space<any>>
        tpu.enqueue_dma source(%dma_start3A_392 : memref<768x256xf32, #tpu.memory_space<any>>) target(%dma_start3A_388 : memref<768x256xf32, #tpu.memory_space<vmem>>) target_semaphore(%dma_start3A_384 : memref<!tpu.dma_semaphore, #tpu.memory_space<semaphore_mem>>)
        %dma_start3A_393 = arith.constant 1 : i32
        %dma_start3A_394 = arith.constant 1 : i32
        %dma_start3A_395 = tpu.memref_slice %arg14[%dma_start3A_394] : memref<2x!tpu.dma_semaphore, #tpu.memory_space<semaphore_mem>> -> memref<1x!tpu.dma_semaphore, #tpu.memory_space<semaphore_mem>>
        %dma_start3A_396 = tpu.memref_squeeze %dma_start3A_395 : memref<1x!tpu.dma_semaphore, #tpu.memory_space<semaphore_mem>> -> memref<!tpu.dma_semaphore, #tpu.memory_space<semaphore_mem>>
        %dma_start3A_397 = arith.constant 0 : i32
        %dma_start3A_398 = arith.constant 0 : i32
        %dma_start3A_399 = tpu.memref_slice %arg9[%dma_start3A_393, %dma_start3A_397, %dma_start3A_398] : memref<2x256x768xf32, #tpu.memory_space<vmem>> -> memref<1x256x768xf32, #tpu.memory_space<vmem>>
        %dma_start3A_400 = tpu.memref_squeeze %dma_start3A_399 : memref<1x256x768xf32, #tpu.memory_space<vmem>> -> memref<256x768xf32, #tpu.memory_space<vmem>>
        %dma_start3A_401 = arith.constant 0 : i32
        %dma_start3A_402 = arith.constant 0 : i32
        %dma_start3A_403 = tpu.memref_slice %arg6[%get3A_380, %dma_start3A_401, %dma_start3A_402] : memref<64x256x768xf32, #tpu.memory_space<any>> -> memref<1x256x768xf32, #tpu.memory_space<any>>
        %dma_start3A_404 = tpu.memref_squeeze %dma_start3A_403 : memref<1x256x768xf32, #tpu.memory_space<any>> -> memref<256x768xf32, #tpu.memory_space<any>>
        tpu.enqueue_dma source(%dma_start3A_404 : memref<256x768xf32, #tpu.memory_space<any>>) target(%dma_start3A_400 : memref<256x768xf32, #tpu.memory_space<vmem>>) target_semaphore(%dma_start3A_396 : memref<!tpu.dma_semaphore, #tpu.memory_space<semaphore_mem>>)
        %mul3A_405 = arith.constant 128 : i32
        %mul3A_406 = arith.muli %add3A_377, %mul3A_405 : i32
        %dma_start3A_407 = arith.constant 1 : i32
        %dma_start3A_408 = arith.constant 1 : i32
        %dma_start3A_409 = tpu.memref_slice %arg15[%dma_start3A_408] : memref<2x!tpu.dma_semaphore, #tpu.memory_space<semaphore_mem>> -> memref<1x!tpu.dma_semaphore, #tpu.memory_space<semaphore_mem>>
        %dma_start3A_410 = tpu.memref_squeeze %dma_start3A_409 : memref<1x!tpu.dma_semaphore, #tpu.memory_space<semaphore_mem>> -> memref<!tpu.dma_semaphore, #tpu.memory_space<semaphore_mem>>
        %dma_start3A_411 = arith.constant 0 : i32
        %dma_start3A_412 = arith.constant 0 : i32
        %dma_start3A_413 = tpu.memref_slice %arg10[%dma_start3A_407, %dma_start3A_411, %dma_start3A_412] : memref<2x128x768xf32, #tpu.memory_space<vmem>> -> memref<1x128x768xf32, #tpu.memory_space<vmem>>
        %dma_start3A_414 = tpu.memref_squeeze %dma_start3A_413 : memref<1x128x768xf32, #tpu.memory_space<vmem>> -> memref<128x768xf32, #tpu.memory_space<vmem>>
        %dma_start3A_415 = arith.constant 0 : i32
        %dma_start3A_416 = tpu.memref_slice %arg1[%mul3A_406, %dma_start3A_415] : memref<10240x768xf32, #tpu.memory_space<any>> -> memref<128x768xf32, #tpu.memory_space<any>>
        tpu.enqueue_dma source(%dma_start3A_416 : memref<128x768xf32, #tpu.memory_space<any>>) target(%dma_start3A_414 : memref<128x768xf32, #tpu.memory_space<vmem>>) target_semaphore(%dma_start3A_410 : memref<!tpu.dma_semaphore, #tpu.memory_space<semaphore_mem>>)
        %mul3A_417 = arith.constant 128 : i32
        %mul3A_418 = arith.muli %add3A_377, %mul3A_417 : i32
        %dma_start3A_419 = arith.constant 1 : i32
        %dma_start3A_420 = arith.constant 1 : i32
        %dma_start3A_421 = tpu.memref_slice %arg16[%dma_start3A_420] : memref<2x!tpu.dma_semaphore, #tpu.memory_space<semaphore_mem>> -> memref<1x!tpu.dma_semaphore, #tpu.memory_space<semaphore_mem>>
        %dma_start3A_422 = tpu.memref_squeeze %dma_start3A_421 : memref<1x!tpu.dma_semaphore, #tpu.memory_space<semaphore_mem>> -> memref<!tpu.dma_semaphore, #tpu.memory_space<semaphore_mem>>
        %dma_start3A_423 = arith.constant 0 : i32
        %dma_start3A_424 = arith.constant 0 : i32
        %dma_start3A_425 = tpu.memref_slice %arg11[%dma_start3A_419, %dma_start3A_423, %dma_start3A_424] : memref<2x128x128xf32, #tpu.memory_space<vmem>> -> memref<1x128x128xf32, #tpu.memory_space<vmem>>
        %dma_start3A_426 = tpu.memref_squeeze %dma_start3A_425 : memref<1x128x128xf32, #tpu.memory_space<vmem>> -> memref<128x128xf32, #tpu.memory_space<vmem>>
        %dma_start3A_427 = arith.constant 0 : i32
        %dma_start3A_428 = tpu.memref_slice %arg2[%mul3A_418, %dma_start3A_427] : memref<10240x128xf32, #tpu.memory_space<any>> -> memref<128x128xf32, #tpu.memory_space<any>>
        tpu.enqueue_dma source(%dma_start3A_428 : memref<128x128xf32, #tpu.memory_space<any>>) target(%dma_start3A_426 : memref<128x128xf32, #tpu.memory_space<vmem>>) target_semaphore(%dma_start3A_422 : memref<!tpu.dma_semaphore, #tpu.memory_space<semaphore_mem>>)
      } else {
      }
    }
    %scan3A_99 = arith.constant 40 : i32
    %dma_wait3A = arith.constant 0 : i32
    %dma_wait3A_100 = arith.constant 0 : i32
    %dma_wait3A_101 = tpu.memref_slice %arg17[%dma_wait3A_100] : memref<2x!tpu.dma_semaphore, #tpu.memory_space<semaphore_mem>> -> memref<1x!tpu.dma_semaphore, #tpu.memory_space<semaphore_mem>>
    %dma_wait3A_102 = tpu.memref_squeeze %dma_wait3A_101 : memref<1x!tpu.dma_semaphore, #tpu.memory_space<semaphore_mem>> -> memref<!tpu.dma_semaphore, #tpu.memory_space<semaphore_mem>>
    %dma_wait3A_103 = arith.constant 9984 : i32
    %dma_wait3A_104 = arith.constant 0 : i32
    %dma_wait3A_105 = tpu.memref_slice %arg7[%dma_wait3A_103, %dma_wait3A_104] : memref<10240x768xf32, #tpu.memory_space<any>> -> memref<128x768xf32, #tpu.memory_space<any>>
    %dma_wait3A_106 = arith.constant 0 : i32
    %dma_wait3A_107 = arith.constant 0 : i32
    %dma_wait3A_108 = tpu.memref_slice %arg12[%dma_wait3A, %dma_wait3A_106, %dma_wait3A_107] : memref<2x128x768xf32, #tpu.memory_space<vmem>> -> memref<1x128x768xf32, #tpu.memory_space<vmem>>
    %dma_wait3A_109 = tpu.memref_squeeze %dma_wait3A_108 : memref<1x128x768xf32, #tpu.memory_space<vmem>> -> memref<128x768xf32, #tpu.memory_space<vmem>>
    tpu.wait_dma2 semaphore(%dma_wait3A_102 : memref<!tpu.dma_semaphore, #tpu.memory_space<semaphore_mem>>) src(%dma_wait3A_109 : memref<128x768xf32, #tpu.memory_space<vmem>>) dst(%dma_wait3A_105 : memref<128x768xf32, #tpu.memory_space<any>>)
    %dma_wait3A_110 = arith.constant 1 : i32
    %dma_wait3A_111 = arith.constant 1 : i32
    %dma_wait3A_112 = tpu.memref_slice %arg17[%dma_wait3A_111] : memref<2x!tpu.dma_semaphore, #tpu.memory_space<semaphore_mem>> -> memref<1x!tpu.dma_semaphore, #tpu.memory_space<semaphore_mem>>
    %dma_wait3A_113 = tpu.memref_squeeze %dma_wait3A_112 : memref<1x!tpu.dma_semaphore, #tpu.memory_space<semaphore_mem>> -> memref<!tpu.dma_semaphore, #tpu.memory_space<semaphore_mem>>
    %dma_wait3A_114 = arith.constant 10112 : i32
    %dma_wait3A_115 = arith.constant 0 : i32
    %dma_wait3A_116 = tpu.memref_slice %arg7[%dma_wait3A_114, %dma_wait3A_115] : memref<10240x768xf32, #tpu.memory_space<any>> -> memref<128x768xf32, #tpu.memory_space<any>>
    %dma_wait3A_117 = arith.constant 0 : i32
    %dma_wait3A_118 = arith.constant 0 : i32
    %dma_wait3A_119 = tpu.memref_slice %arg12[%dma_wait3A_110, %dma_wait3A_117, %dma_wait3A_118] : memref<2x128x768xf32, #tpu.memory_space<vmem>> -> memref<1x128x768xf32, #tpu.memory_space<vmem>>
    %dma_wait3A_120 = tpu.memref_squeeze %dma_wait3A_119 : memref<1x128x768xf32, #tpu.memory_space<vmem>> -> memref<128x768xf32, #tpu.memory_space<vmem>>
    tpu.wait_dma2 semaphore(%dma_wait3A_113 : memref<!tpu.dma_semaphore, #tpu.memory_space<semaphore_mem>>) src(%dma_wait3A_120 : memref<128x768xf32, #tpu.memory_space<vmem>>) dst(%dma_wait3A_116 : memref<128x768xf32, #tpu.memory_space<any>>)
    return
  }
}

module attributes {stable_mosaic.version = 14 : i64} {
  func.func @_router_body(%arg0: memref<2048x768xf32, #tpu.memory_space<vmem>>, %arg1: memref<768x64xf32, #tpu.memory_space<vmem>>, %arg2: memref<1x64xf32, #tpu.memory_space<vmem>>, %arg3: memref<768x256xf32, #tpu.memory_space<vmem>>, %arg4: memref<1x256xf32, #tpu.memory_space<vmem>>, %arg5: memref<256x768xf32, #tpu.memory_space<vmem>>, %arg6: memref<1x768xf32, #tpu.memory_space<vmem>>, %arg7: memref<2048x768xf32, #tpu.memory_space<vmem>>, %arg8: memref<2048x1xi32, #tpu.memory_space<vmem>>, %arg9: memref<2048x128xf32, #tpu.memory_space<vmem>>, %arg10: memref<1x80xi32, #tpu.memory_space<vmem>>) attributes {dimension_semantics = [], scalar_prefetch = 0 : i64, scratch_operands = 0 : i64, tpu.core_type = #tpu.core_type<tc>} {
    %get3A = arith.constant 0 : index
    %get3A_0 = arith.constant 0 : index
    %get3A_1 = vector.load %arg0[%get3A, %get3A_0] : memref<2048x768xf32, #tpu.memory_space<vmem>>, vector<2048x768xf32>
    %get3A_2 = arith.constant 0 : index
    %get3A_3 = arith.constant 0 : index
    %get3A_4 = vector.load %arg1[%get3A_2, %get3A_3] : memref<768x64xf32, #tpu.memory_space<vmem>>, vector<768x64xf32>
    %dot_general3A = arith.constant dense<0.000000e+00> : vector<2048x64xf32>
    %dot_general3A_5 = tpu.matmul %get3A_1, %get3A_4, %dot_general3A {dimension_numbers = #tpu.dot_dimension_numbers<[1], [0], [0], [1], [0, 0, 1, 1], [], []>, transpose_lhs_hint = false} : vector<2048x768xf32>, vector<768x64xf32>, vector<2048x64xf32> -> vector<2048x64xf32>
    %get3A_6 = arith.constant 0 : index
    %get3A_7 = arith.constant 0 : index
    %get3A_8 = vector.load %arg2[%get3A_6, %get3A_7] : memref<1x64xf32, #tpu.memory_space<vmem>>, vector<1x64xf32>
    %add3A = vector.broadcast %get3A_8 : vector<1x64xf32> to vector<2048x64xf32>
    %add3A_9 = arith.addf %dot_general3A_5, %add3A : vector<2048x64xf32>
    %reduce_max3A = arith.constant dense<0xFF800000> : vector<2048xf32>
    %reduce_max3A_10 = vector.multi_reduction <maximumf>, %add3A_9, %reduce_max3A [1] : vector<2048x64xf32> to vector<2048xf32>
    %broadcast_in_dim3A = vector.shape_cast %reduce_max3A_10 : vector<2048xf32> to vector<2048x1xf32>
    %sub3A = vector.broadcast %broadcast_in_dim3A : vector<2048x1xf32> to vector<2048x64xf32>
    %sub3A_11 = arith.subf %add3A_9, %sub3A : vector<2048x64xf32>
    %exp3A = math.exp %sub3A_11 : vector<2048x64xf32>
    %reduce_sum3A = arith.constant dense<0.000000e+00> : vector<2048xf32>
    %reduce_sum3A_12 = vector.multi_reduction <add>, %exp3A, %reduce_sum3A [1] : vector<2048x64xf32> to vector<2048xf32>
    %broadcast_in_dim3A_13 = vector.shape_cast %reduce_sum3A_12 : vector<2048xf32> to vector<2048x1xf32>
    %div3A = arith.constant 1.000000e+00 : f32
    %div3A_14 = vector.broadcast %div3A : f32 to vector<2048x1xf32>
    %div3A_15 = arith.divf %div3A_14, %broadcast_in_dim3A_13 : vector<2048x1xf32>
    %iota3A = tpu.iota {dimensions = array<i32: 1>} : vector<2048x64xi32>
    %ge3A = vector.broadcast %broadcast_in_dim3A : vector<2048x1xf32> to vector<2048x64xf32>
    %ge3A_16 = arith.cmpf oge, %add3A_9, %ge3A : vector<2048x64xf32>
    %jit3A = arith.constant 64 : i32
    %broadcast_in_dim3A_17 = vector.broadcast %jit3A : i32 to vector<2048x64xi32>
    %select_n3A = arith.select %ge3A_16, %iota3A, %broadcast_in_dim3A_17 : vector<2048x64xi1>, vector<2048x64xi32>
    %reduce_min3A = arith.constant dense<2147483647> : vector<2048xi32>
    %reduce_min3A_18 = vector.multi_reduction <minsi>, %select_n3A, %reduce_min3A [1] : vector<2048x64xi32> to vector<2048xi32>
    %broadcast_in_dim3A_19 = vector.shape_cast %reduce_min3A_18 : vector<2048xi32> to vector<2048x1xi32>
    %eq3A = vector.broadcast %broadcast_in_dim3A_19 : vector<2048x1xi32> to vector<2048x64xi32>
    %eq3A_20 = arith.cmpi eq, %iota3A, %eq3A : vector<2048x64xi32>
    %convert_element_type3A = arith.extui %eq3A_20 : vector<2048x64xi1> to vector<2048x64xi32>
    %convert_element_type3A_21 = arith.sitofp %convert_element_type3A : vector<2048x64xi32> to vector<2048x64xf32>
    %iota3A_22 = tpu.iota {dimensions = array<i32: 1>} : vector<2048x2048xi32>
    %iota3A_23 = tpu.iota {dimensions = array<i32: 0>} : vector<2048x2048xi32>
    %lt3A = arith.cmpi slt, %iota3A_22, %iota3A_23 : vector<2048x2048xi32>
    %convert_element_type3A_24 = arith.extui %lt3A : vector<2048x2048xi1> to vector<2048x2048xi32>
    %convert_element_type3A_25 = arith.sitofp %convert_element_type3A_24 : vector<2048x2048xi32> to vector<2048x2048xf32>
    %dot_general3A_26 = arith.constant dense<0.000000e+00> : vector<2048x64xf32>
    %dot_general3A_27 = tpu.matmul %convert_element_type3A_25, %convert_element_type3A_21, %dot_general3A_26 {dimension_numbers = #tpu.dot_dimension_numbers<[1], [0], [0], [1], [0, 0, 1, 1], [], []>, transpose_lhs_hint = false} : vector<2048x2048xf32>, vector<2048x64xf32>, vector<2048x64xf32> -> vector<2048x64xf32>
    %mul3A = arith.mulf %dot_general3A_27, %convert_element_type3A_21 : vector<2048x64xf32>
    %reduce_sum3A_28 = arith.constant dense<0.000000e+00> : vector<2048xf32>
    %reduce_sum3A_29 = vector.multi_reduction <add>, %mul3A, %reduce_sum3A_28 [1] : vector<2048x64xf32> to vector<2048xf32>
    %broadcast_in_dim3A_30 = vector.shape_cast %reduce_sum3A_29 : vector<2048xf32> to vector<2048x1xf32>
    %reduce_sum3A_31 = arith.constant dense<0.000000e+00> : vector<64xf32>
    %reduce_sum3A_32 = vector.multi_reduction <add>, %convert_element_type3A_21, %reduce_sum3A_31 [0] : vector<2048x64xf32> to vector<64xf32>
    %broadcast_in_dim3A_33 = vector.shape_cast %reduce_sum3A_32 : vector<64xf32> to vector<1x64xf32>
    %add3A_34 = arith.constant 1.270000e+02 : f32
    %add3A_35 = vector.broadcast %add3A_34 : f32 to vector<1x64xf32>
    %add3A_36 = arith.addf %broadcast_in_dim3A_33, %add3A_35 : vector<1x64xf32>
    %div3A_37 = arith.constant 1.280000e+02 : f32
    %div3A_38 = vector.broadcast %div3A_37 : f32 to vector<1x64xf32>
    %div3A_39 = arith.divf %add3A_36, %div3A_38 : vector<1x64xf32>
    %floor3A = math.floor %div3A_39 : vector<1x64xf32>
    %mul3A_40 = arith.constant 1.280000e+02 : f32
    %mul3A_41 = vector.broadcast %mul3A_40 : f32 to vector<1x64xf32>
    %mul3A_42 = arith.mulf %floor3A, %mul3A_41 : vector<1x64xf32>
    %iota3A_43 = tpu.iota {dimensions = array<i32: 0>} : vector<64x64xi32>
    %iota3A_44 = tpu.iota {dimensions = array<i32: 1>} : vector<64x64xi32>
    %lt3A_45 = arith.cmpi slt, %iota3A_43, %iota3A_44 : vector<64x64xi32>
    %convert_element_type3A_46 = arith.extui %lt3A_45 : vector<64x64xi1> to vector<64x64xi32>
    %convert_element_type3A_47 = arith.sitofp %convert_element_type3A_46 : vector<64x64xi32> to vector<64x64xf32>
    %dot_general3A_48 = arith.constant dense<0.000000e+00> : vector<1x64xf32>
    %dot_general3A_49 = tpu.matmul %mul3A_42, %convert_element_type3A_47, %dot_general3A_48 {dimension_numbers = #tpu.dot_dimension_numbers<[1], [0], [0], [1], [0, 0, 1, 1], [], []>, transpose_lhs_hint = false} : vector<1x64xf32>, vector<64x64xf32>, vector<1x64xf32> -> vector<1x64xf32>
    %mul3A_50 = vector.broadcast %dot_general3A_49 : vector<1x64xf32> to vector<2048x64xf32>
    %mul3A_51 = arith.mulf %convert_element_type3A_21, %mul3A_50 : vector<2048x64xf32>
    %reduce_sum3A_52 = arith.constant dense<0.000000e+00> : vector<2048xf32>
    %reduce_sum3A_53 = vector.multi_reduction <add>, %mul3A_51, %reduce_sum3A_52 [1] : vector<2048x64xf32> to vector<2048xf32>
    %broadcast_in_dim3A_54 = vector.shape_cast %reduce_sum3A_53 : vector<2048xf32> to vector<2048x1xf32>
    %add3A_55 = arith.addf %broadcast_in_dim3A_54, %broadcast_in_dim3A_30 : vector<2048x1xf32>
    %convert_element_type3A_56 = arith.fptosi %add3A_55 : vector<2048x1xf32> to vector<2048x1xi32>
    %swap3A = arith.constant 0 : index
    %swap3A_57 = arith.constant 0 : index
    %swap3A_58 = vector.load %arg8[%swap3A, %swap3A_57] : memref<2048x1xi32, #tpu.memory_space<vmem>>, vector<2048x1xi32>
    tpu.vector_store %arg8[%swap3A, %swap3A_57], %convert_element_type3A_56 {strides = array<i32>} : memref<2048x1xi32, #tpu.memory_space<vmem>>, vector<2048x1xi32>,
    %broadcast_in_dim3A_59 = vector.shape_cast %div3A_15 : vector<2048x1xf32> to vector<2048x1xf32>
    %broadcast_in_dim3A_60 = vector.broadcast %broadcast_in_dim3A_59 : vector<2048x1xf32> to vector<2048x128xf32>
    %swap3A_61 = arith.constant 0 : index
    %swap3A_62 = arith.constant 0 : index
    %swap3A_63 = vector.load %arg9[%swap3A_61, %swap3A_62] : memref<2048x128xf32, #tpu.memory_space<vmem>>, vector<2048x128xf32>
    tpu.vector_store %arg9[%swap3A_61, %swap3A_62], %broadcast_in_dim3A_60 {strides = array<i32>} : memref<2048x128xf32, #tpu.memory_space<vmem>>, vector<2048x128xf32>,
    %broadcast_in_dim3A_64 = arith.constant 1.000000e+00 : f32
    %broadcast_in_dim3A_65 = vector.broadcast %broadcast_in_dim3A_64 : f32 to vector<2048x1xf32>
    %dot_general3A_66 = arith.constant dense<0.000000e+00> : vector<64x1xf32>
    %dot_general3A_67 = tpu.matmul %convert_element_type3A_21, %broadcast_in_dim3A_65, %dot_general3A_66 {dimension_numbers = #tpu.dot_dimension_numbers<[0], [0], [1], [1], [0, 1, 1, 1], [], []>, transpose_lhs_hint = false} : vector<2048x64xf32>, vector<2048x1xf32>, vector<64x1xf32> -> vector<64x1xf32>
    %add3A_68 = arith.constant 1.270000e+02 : f32
    %add3A_69 = vector.broadcast %add3A_68 : f32 to vector<64x1xf32>
    %add3A_70 = arith.addf %dot_general3A_67, %add3A_69 : vector<64x1xf32>
    %div3A_71 = arith.constant 1.280000e+02 : f32
    %div3A_72 = vector.broadcast %div3A_71 : f32 to vector<64x1xf32>
    %div3A_73 = arith.divf %add3A_70, %div3A_72 : vector<64x1xf32>
    %floor3A_74 = math.floor %div3A_73 : vector<64x1xf32>
    %mul3A_75 = arith.constant 1.280000e+02 : f32
    %mul3A_76 = vector.broadcast %mul3A_75 : f32 to vector<64x1xf32>
    %mul3A_77 = arith.mulf %floor3A_74, %mul3A_76 : vector<64x1xf32>
    %dot_general3A_78 = arith.constant dense<0.000000e+00> : vector<64x1xf32>
    %dot_general3A_79 = tpu.matmul %convert_element_type3A_47, %mul3A_77, %dot_general3A_78 {dimension_numbers = #tpu.dot_dimension_numbers<[0], [0], [1], [1], [0, 1, 1, 1], [], []>, transpose_lhs_hint = false} : vector<64x64xf32>, vector<64x1xf32>, vector<64x1xf32> -> vector<64x1xf32>
    %add3A_80 = arith.addf %dot_general3A_79, %mul3A_77 : vector<64x1xf32>
    %iota3A_81 = tpu.iota {dimensions = array<i32: 1>} : vector<64x80xi32>
    %mul3A_82 = arith.constant 128 : i32
    %mul3A_83 = vector.broadcast %mul3A_82 : i32 to vector<64x80xi32>
    %mul3A_84 = arith.muli %iota3A_81, %mul3A_83 : vector<64x80xi32>
    %convert_element_type3A_85 = arith.sitofp %mul3A_84 : vector<64x80xi32> to vector<64x80xf32>
    %le3A = vector.broadcast %add3A_80 : vector<64x1xf32> to vector<64x80xf32>
    %le3A_86 = arith.cmpf ole, %le3A, %convert_element_type3A_85 : vector<64x80xf32>
    %convert_element_type3A_87 = arith.extui %le3A_86 : vector<64x80xi1> to vector<64x80xi32>
    %convert_element_type3A_88 = arith.sitofp %convert_element_type3A_87 : vector<64x80xi32> to vector<64x80xf32>
    %reduce_sum3A_89 = arith.constant dense<0.000000e+00> : vector<80xf32>
    %reduce_sum3A_90 = vector.multi_reduction <add>, %convert_element_type3A_88, %reduce_sum3A_89 [0] : vector<64x80xf32> to vector<80xf32>
    %broadcast_in_dim3A_91 = vector.shape_cast %reduce_sum3A_90 : vector<80xf32> to vector<1x80xf32>
    %min3A = arith.constant 6.300000e+01 : f32
    %min3A_92 = vector.broadcast %min3A : f32 to vector<1x80xf32>
    %min3A_93 = arith.minimumf %broadcast_in_dim3A_91, %min3A_92 : vector<1x80xf32>
    %convert_element_type3A_94 = arith.fptosi %min3A_93 : vector<1x80xf32> to vector<1x80xi32>
    %swap3A_95 = arith.constant 0 : index
    %swap3A_96 = arith.constant 0 : index
    %swap3A_97 = vector.load %arg10[%swap3A_95, %swap3A_96] : memref<1x80xi32, #tpu.memory_space<vmem>>, vector<1x80xi32>
    tpu.vector_store %arg10[%swap3A_95, %swap3A_96], %convert_element_type3A_94 {strides = array<i32>} : memref<1x80xi32, #tpu.memory_space<vmem>>, vector<1x80xi32>,
    %get3A_98 = arith.constant 0 : index
    %get3A_99 = arith.constant 0 : index
    %get3A_100 = vector.load %arg3[%get3A_98, %get3A_99] : memref<768x256xf32, #tpu.memory_space<vmem>>, vector<768x256xf32>
    %dot_general3A_101 = arith.constant dense<0.000000e+00> : vector<2048x256xf32>
    %dot_general3A_102 = tpu.matmul %get3A_1, %get3A_100, %dot_general3A_101 {dimension_numbers = #tpu.dot_dimension_numbers<[1], [0], [0], [1], [0, 0, 1, 1], [], []>, transpose_lhs_hint = false} : vector<2048x768xf32>, vector<768x256xf32>, vector<2048x256xf32> -> vector<2048x256xf32>
    %get3A_103 = arith.constant 0 : index
    %get3A_104 = arith.constant 0 : index
    %get3A_105 = vector.load %arg4[%get3A_103, %get3A_104] : memref<1x256xf32, #tpu.memory_space<vmem>>, vector<1x256xf32>
    %add3A_106 = vector.broadcast %get3A_105 : vector<1x256xf32> to vector<2048x256xf32>
    %add3A_107 = arith.addf %dot_general3A_102, %add3A_106 : vector<2048x256xf32>
    %mul3A_108 = arith.constant 5.000000e-01 : f32
    %mul3A_109 = vector.broadcast %mul3A_108 : f32 to vector<2048x256xf32>
    %mul3A_110 = arith.mulf %add3A_107, %mul3A_109 : vector<2048x256xf32>
    %mul3A_111 = arith.constant 0.707106769 : f32
    %mul3A_112 = vector.broadcast %mul3A_111 : f32 to vector<2048x256xf32>
    %mul3A_113 = arith.mulf %add3A_107, %mul3A_112 : vector<2048x256xf32>
    %erf3A = math.erf %mul3A_113 : vector<2048x256xf32>
    %add3A_114 = arith.constant 1.000000e+00 : f32
    %add3A_115 = vector.broadcast %add3A_114 : f32 to vector<2048x256xf32>
    %add3A_116 = arith.addf %add3A_115, %erf3A : vector<2048x256xf32>
    %mul3A_117 = arith.mulf %mul3A_110, %add3A_116 : vector<2048x256xf32>
    %get3A_118 = arith.constant 0 : index
    %get3A_119 = arith.constant 0 : index
    %get3A_120 = vector.load %arg5[%get3A_118, %get3A_119] : memref<256x768xf32, #tpu.memory_space<vmem>>, vector<256x768xf32>
    %dot_general3A_121 = arith.constant dense<0.000000e+00> : vector<2048x768xf32>
    %dot_general3A_122 = tpu.matmul %mul3A_117, %get3A_120, %dot_general3A_121 {dimension_numbers = #tpu.dot_dimension_numbers<[1], [0], [0], [1], [0, 0, 1, 1], [], []>, transpose_lhs_hint = false} : vector<2048x256xf32>, vector<256x768xf32>, vector<2048x768xf32> -> vector<2048x768xf32>
    %add3A_123 = arith.addf %get3A_1, %dot_general3A_122 : vector<2048x768xf32>
    %get3A_124 = arith.constant 0 : index
    %get3A_125 = arith.constant 0 : index
    %get3A_126 = vector.load %arg6[%get3A_124, %get3A_125] : memref<1x768xf32, #tpu.memory_space<vmem>>, vector<1x768xf32>
    %add3A_127 = vector.broadcast %get3A_126 : vector<1x768xf32> to vector<2048x768xf32>
    %add3A_128 = arith.addf %add3A_123, %add3A_127 : vector<2048x768xf32>
    %swap3A_129 = arith.constant 0 : index
    %swap3A_130 = arith.constant 0 : index
    %swap3A_131 = vector.load %arg7[%swap3A_129, %swap3A_130] : memref<2048x768xf32, #tpu.memory_space<vmem>>, vector<2048x768xf32>
    tpu.vector_store %arg7[%swap3A_129, %swap3A_130], %add3A_128 {strides = array<i32>} : memref<2048x768xf32, #tpu.memory_space<vmem>>, vector<2048x768xf32>,
    return
  }
}

</mosaic_0001>

<sc_bundles>
// kernel: kernel.6.cloned.1.call-start
scs
__scs_entry_jumppad:
0x0: {  	(pc) =	sbr.rel $0x88, $3  }
0x1: {  	(tag) =	ssettag $0x0;
	lr =	simm.s32 $0x1  }
0x2: {  	[smem:$0x3F96] =	sst lr;
	_ =	strace $0xD0000000  }
0x3: {  	_ = 	snop  }
0x4: {  	_ = 	snop  }
0x5: {  	_ = 	snop  }
0x6: {  	_ = 	snop  }
0x7: {  	_ = 	snop  }
__scs_overlays_trampoline_lowered:
0x8: {  	[smem:$0x3FA5] =	sst s0  }
0x9: {  	[smem:$0x3FA6] =	sst s1  }
0xa: {  	[smem:$0x3FA7] =	sst s2  }
0xb: {  	[smem:$0x3FA8] =	sst s3  }
0xc: {  	[smem:$0x3FA9] =	sst s4  }
0xd: {  	[smem:$0x3FAA] =	sst s5  }
0xe: {  	[smem:$0x3FAB] =	sst s6  }
0xf: {  	[smem:$0x3FAC] =	sst s7  }
0x10: {  	[smem:$0x3FAD] =	sst s8  }
0x11: {  	[smem:$0x3FAE] =	sst s9;
	s0 =	simm.s32 @!p0 $0x0  }
0x12: {  	s1 =	sld [smem:$0x3F94];
	s0 =	simm.s32 @p0 $0x1  }
0x13: {  	[smem:$0x3FAF] =	sst s0;
	s0 =	simm.s32 @!p1 $0x0  }
0x14: {  	s2 =	sld [smem:$0x3F93];
	s0 =	simm.s32 @p1 $0x1  }
0x15: {  	[smem:$0x3FB0] =	sst s0;
	s0 =	simm.s32 @!p2 $0x0  }
0x16: {  	s3 =	sld [smem:$0x3FDB];
	s0 =	simm.s32 @p2 $0x1  }
0x17: {  	s4 =	simm.s32 $0x1BF5;
	[smem:$0x3FB2] =	sst s0  }
0x18: {  	s0 =	sld [smem:$0x3F95];
	_ =	swait.ge [sflag:s4], $0x0  }
0x19: {  	s7 =	sld [smem:$0x3F96]  }
0x1a: {  	s8 =	sadd.s32 $0xFFFFE003, lr  }
0x1b: {  	s9 =	sadd.s32 $0xFFFFFEF7, lr;
	s5 =	simm.s32 $0xFFFFFFFF;
	p2 =	slt.u32 s8, $0xFFFFF086  }
0x1c: {  	p1 =	slt.u32 s9, $0xF7A;
	s5 =	simm.s32 @!p2 $0x0  }
0x1d: {  	s5 =	simm.s32 @p1 $0x1;
	p0 =	seq.s32 s7, s2  }
0x1e: {  	s7 =	smul.u32 @!p0 $0xF7A, s2;
	p2 =	seq.s32 @!p0 s5, $0x0  }
0x1f: {  	s9 =	smul.u32 $0xF7A, s1;
	s8 =	simm.s32 @!p0 $0x1BF5;
	p2 =	por !p2, p0  }
0x20: {  	[sflag:s8] =	ssyncset.s32 @!p0 $0xFFFFF086;
	s6 =	sadd.s32 @!p0 s3, s7;
	s7 =	simm.s32 @!p0 $0x108  }
0x21: {  	s3 =	sadd.s32 s3, s9;
	s6 =	sadd.s32 @!p0 $0x88, s6;
	s7 =	simm.s32 @p2 $0x1082  }
0x22: {  	[simem:s7], [sflag:s8] =	dma.local @!p0 [hbm:s6], $0xF7A  }
0x23: {  	s9 =	sor.u32 $0xD0000000, s2;
	s6 =	simm.s32 $0x108;
	_ =	swait.ge @!p0 [sflag:s8], $0x0  }
0x24: {  	s3 =	sadd.s32 $0x88, s3;
	s6 =	simm.s32 @!p1 $0x1082;
	[sflag:s4] =	ssyncset.s32 $0xFFFFF086  }
0x25: {  	[simem:s6], [sflag:s4] =	dma.local [hbm:s3], $0xF7A  }
0x26: {  	[smem:$0x3F96] =	sst s1;
	(tag) =	ssettag s2;
	_ =	strace s9  }
0x27: {  	s1 =	sld [smem:$0x3FA6]  }
0x28: {  	s2 =	sld [smem:$0x3FA7]  }
0x29: {  	s4 =	sld [smem:$0x3FA9]  }
0x2a: {  	p0 =	seq.s32 s5, $0x0;
	s5 =	sld [smem:$0x3FAA]  }
0x2b: {  	s6 =	sld [smem:$0x3FAB]  }
0x2c: {  	s7 =	sld [smem:$0x3FAC]  }
0x2d: {  	s3 =	simm.s32 $0x108;
	s8 =	sld [smem:$0x3FAD]  }
0x2e: {  	s3 =	simm.s32 @!p0 $0x1082;
	s9 =	sld [smem:$0x3FAE]  }
0x2f: {  	lr =	sadd.s32 s0, s3;
	s0 =	sld [smem:$0x3FA5]  }
0x30: {  	s3 =	sld [smem:$0x3FA8]  }
0x31: {  	[smem:$0x3FB1] =	sst s10  }
0x32: {  	s10 =	sld [smem:$0x3FAF];
	_ =	sdelay $0x3  }
0x33: {  	p0 =	seq.s32 s10, $0x1;
	s10 =	sld [smem:$0x3FB1];
	_ =	sdelay $0x3  }
0x34: {  	[smem:$0x3FB1] =	sst s10  }
0x35: {  	s10 =	sld [smem:$0x3FB0];
	_ =	sdelay $0x3  }
0x36: {  	p1 =	seq.s32 s10, $0x1;
	s10 =	sld [smem:$0x3FB1];
	_ =	sdelay $0x3  }
0x37: {  	[smem:$0x3FB1] =	sst s10  }
0x38: {  	s10 =	sld [smem:$0x3FB2]  }
0x39: {  	_ = 	snop;
	(pc) =	sbr.ind lr, $3  }
0x3a: {  	_ = 	snop  }
0x3b: {  	_ = 	snop  }
0x3c: {  	p2 =	seq.s32 s10, $0x1;
	s10 =	sld [smem:$0x3FB1]  }
0x3d: {  	_ =	shalt  }
0x3e: {  	_ =	shalt  }
0x3f: {  	_ =	shalt  }
0x40: {  	_ =	shalt  }
0x41: {  	_ =	shalt  }
0x42: {  	_ =	shalt  }
0x43: {  	_ =	shalt  }
0x44: {  	_ =	shalt  }
0x45: {  	_ =	shalt  }
0x46: {  	_ =	shalt  }
0x47: {  	_ =	shalt  }
0x48: {  	_ =	shalt  }
0x49: {  	_ =	shalt  }
0x4a: {  	_ =	shalt  }
0x4b: {  	_ =	shalt  }
0x4c: {  	_ =	shalt  }
0x4d: {  	_ =	shalt  }
0x4e: {  	_ =	shalt  }
0x4f: {  	_ =	shalt  }
0x50: {  	_ =	shalt  }
0x51: {  	_ =	shalt  }
0x52: {  	_ =	shalt  }
0x53: {  	_ =	shalt  }
0x54: {  	_ =	shalt  }
0x55: {  	_ =	shalt  }
0x56: {  	_ =	shalt  }
0x57: {  	_ =	shalt  }
0x58: {  	_ =	shalt  }
0x59: {  	_ =	shalt  }
0x5a: {  	_ =	shalt  }
0x5b: {  	_ =	shalt  }
0x5c: {  	_ =	shalt  }
0x5d: {  	_ =	shalt  }
0x5e: {  	_ =	shalt  }
0x5f: {  	_ =	shalt  }
0x60: {  	_ =	shalt  }
0x61: {  	_ =	shalt  }
0x62: {  	_ =	shalt  }
0x63: {  	_ =	shalt  }
0x64: {  	_ =	shalt  }
0x65: {  	_ =	shalt  }
0x66: {  	_ =	shalt  }
0x67: {  	_ =	shalt  }
0x68: {  	_ =	shalt  }
0x69: {  	_ =	shalt  }
0x6a: {  	_ =	shalt  }
0x6b: {  	_ =	shalt  }
0x6c: {  	_ =	shalt  }
0x6d: {  	_ =	shalt  }
0x6e: {  	_ =	shalt  }
0x6f: {  	_ =	shalt  }
0x70: {  	_ =	shalt  }
0x71: {  	_ =	shalt  }
0x72: {  	_ =	shalt  }
0x73: {  	_ =	shalt  }
0x74: {  	_ =	shalt  }
0x75: {  	_ =	shalt  }
0x76: {  	_ =	shalt  }
0x77: {  	_ =	shalt  }
0x78: {  	_ =	shalt  }
0x79: {  	_ =	shalt  }
0x7a: {  	_ =	shalt  }
0x7b: {  	_ =	shalt  }
0x7c: {  	_ =	shalt  }
0x7d: {  	_ =	shalt  }
0x7e: {  	_ =	shalt  }
0x7f: {  	_ =	shalt  }
0x80: {  	_ =	shalt  }
0x81: {  	_ =	shalt  }
0x82: {  	_ =	shalt  }
0x83: {  	_ =	shalt  }
0x84: {  	_ =	shalt  }
0x85: {  	_ =	shalt  }
0x86: {  	_ =	shalt  }
0x87: {  	_ =	shalt  }
.Lfunc_end0:
.L_simem_size_0:
called_computation_lowered:
.L_overlay_start_0:
0x88: {  	s2 =	sld [smem:$0x3FD9]  }
0x89: {  	s3 =	sld [smem:$0x3FFE];
	_ =	sdelay $0x1  }
0x8a: {  	s1 =	srdreg.scid  }
0x8b: {  	s0 =	sand.u32 $0x1, s1  }
0x8c: {  	s17 =	sshll.u32 s0, $0xA;
	s2 =	sadd.s32 s3, s2  }
0x8d: {  	s2 =	sadd.s32 s2, s17  }
0x8e: {  	[smem:$0x3FBD] =	sst s2  }
0x8f: {  	_ = 	snop  }
0x90: {  	s2 =	sld [smem:$0x3FC9]  }
0x91: {  	s18 =	sld [smem:$0x3FD0];
	(tm) =	ssettm $0x1  }
0x92: {  	s4 =	sld [smem:$0x3FFB];
	_ =	sdelay $0x3  }
0x93: {  	_ =	strace s4  }
0x94: {  	s4 =	sld [smem:$0x3FFC];
	_ =	sdelay $0x3  }
0x95: {  	_ =	strace s4  }
0x96: {  	s4 =	sld [smem:$0x3FFD];
	_ =	sdelay $0x3  }
0x97: {  	_ =	strace s4  }
0x98: {  	_ =	strace $0x8FFFFFFF  }
0x99: {  	s19 =	sld [smem:$0x3FDB];
	_ =	sdelay $0x1  }
0x9a: {  	s5 =	simm.s32 $_scs_section_size  }
0x9b: {  	s6 =	simm.s32 $_size__tile_overlayer_lowered;
	s7 =	simm.s32 $_tile_overlayer_lowered  }
0x9c: {  	s22 =	simm.s32 $0x1BFF;
	s21 =	sshll.u32 s7, $0x1;
	s4 =	sadd.s32 s5, s19  }
0x9d: {  	s8 =	simm.s32 $0x0;
	s20 =	sshll.u32 s6, $0x1;
	s6 =	sadd.s32 s21, s4  }
0x9e: {  	[timem:s8], [sflag:s22] =	dma.local [hbm:s6], s20  }
0x9f: {  	_ =	swait.ge [sflag:s22], s20  }
0xa0: {  	s5 =	ssub.s32 $0x0, s20;
	[sflag:s22] =	ssyncset.done $0x0  }
0xa1: {  	[sflag:s22] =	ssyncadd.s32 s5;
	_ =	sdelay $0x1  }
0xa2: {  	s23 =	simm.s32 $0x1B8B  }
0xa3: {  	_ =	swait.ge [sflag:s23], $0x1  }
0xa4: {  	[sflag:s23] =	ssyncset.done $0x0  }
0xa5: {  	s25 =	simm.s32 $0x1B8E;
	s24 =	sld [smem:$0x3FFE];
	[sflag:s23] =	ssyncadd.s32 $0xFFFFFFFF  }
0xa6: {  	s26 =	simm.s32 $execute0_lowered;
	[smem:$0x3FD2] =	sst s25  }
0xa7: {  	s6 =	sshll.u32 s26, $0x1;
	_ =	strace $0x80000046;
	[dreg:$0x1] =	wrdreg $0xFFFFFFFF  }
0xa8: {  	s28 =	simm.s32 $_size_execute0_lowered;
	s4 =	sadd.s32 s4, s6;
	[dreg:$0x0] =	wrdreg $0x0  }
0xa9: {  	s6 =	sshll.u32 s28, $0x1;
	[dreg:$0x2] =	wrdreg s4  }
0xaa: {  	[dreg:$0x3] =	wrdreg s6  }
0xab: {  	[dreg:$0x4] =	wrdreg $0xC0  }
0xac: {  	_ =	task [dreg:s8], $0x5FFFF  }
0xad: {  	[dreg:$0x1] =	wrdreg $0xFFFFFFFF  }
0xae: {  	[dreg:$0x0] =	wrdreg $0x60  }
0xaf: {  	[dreg:$0x2] =	wrdreg s24  }
0xb0: {  	[dreg:$0x3] =	wrdreg s2  }
0xb1: {  	[dreg:$0x4] =	wrdreg s18  }
0xb2: {  	[dreg:$0x5] =	wrdreg $0x9  }
0xb3: {  	_ =	task.clear_ibuf [dreg:s8], $0x6FFFF;
	_ =	strace $0x90000046  }
0xb4: {  	s29 =	simm.s32 $0x9;
	_ =	strace $0x80000048  }
0xb5: {  	_ =	swait.ge [sflag:s29], $0x1  }
0xb6: {  	[sflag:s29] =	ssyncadd.s32 $0xFFFFFFFF  }
0xb7: {  	_ =	strace $0x90000048  }
0xb8: {  	_ =	sfence  }
0xb9: {  	s30 =	sld [smem:$0x0];
	_ =	sdelay $0x2  }
0xba: {  	s31 =	sshll.u32 s1, $0xD;
	s1 =	sshrl.u32 s1, $0x2  }
0xbb: {  	s3 =	sand.u32 $0x4000, s31;
	s1 =	sadd.s32 s1, s30  }
0xbc: {  	s0 =	sor.u32 s3, s0;
	s1 =	sshll.u32 s1, $0x11  }
0xbd: {  	s0 =	sor.u32 s1, s0  }
0xbe: {  	s0 =	sadd.s32 $0x8F2B, s0  }
0xbf: {  	[sflag:s0] =	ssyncadd.remote.s32 $0x1  }
0xc0: {  	_ =	sfence.sel $0xFFFF  }
0xc1: {  	[dreg:$0x0] =	wrdreg $0xFFFFFFFF;
	(pc) =	sbr.abs _section_cstart, $3  }
0xc2: {  	[dreg:$0x1] =	wrdreg $0xFFFFFFFF  }
0xc3: {  	_ =	task.clear_ibuf [dreg:s8], $0x2FFFF;
	_ =	strace $0x9FFFFFFF  }
0xc4: {  	(tm) =	ssettm $0x7FFFFFFF  }
0xc5: {  	_ =	shalt  }
tec
execute0_lowered:
.L_overlay_start_1:
0x0: {  	(tag) =	ssettag $0x1  }
0x1: {  	s0 =	rddreg [dreg:$0x0]  }
0x2: {  	s4 =	rddreg [dreg:$0x1]  }
0x3: {  	s1 =	rddreg [dreg:$0x2];
	s2 =	srdreg.scid  }
0x4: {  	s21 =	stileid.u32;
	s24 =	simm.s32 $0x880;
	s25 =	simm.s32 $0x1080  }
0x5: {  	s26 =	simm.s32 $0x1880;
	s9 =	simm.s32 $0xC080;
	s11 =	simm.s32 $0x2880  }
0x6: {  	s12 =	simm.s32 $0x3080;
	s13 =	simm.s32 $0x3880;
	s14 =	simm.s32 $0x4080  }
0x7: {  	s15 =	simm.s32 $0x4880;
	s16 =	simm.s32 $0x5080;
	s17 =	simm.s32 $0x5880  }
0x8: {  	s18 =	simm.s32 $0x6080;
	s19 =	simm.s32 $0x6880;
	s20 =	simm.s32 $0x7080  }
0x9: {  	s28 =	simm.s32 $0xA880;
	s29 =	simm.s32 $0xB080;
	s30 =	simm.s32 $0xB880  }
0xa: {  	[dreg:$0x4] =	wrdreg s1;
	s5 =	sand.u32 $0x1, s2;
	s2 =	simm.s32 $0x0  }
0xb: {  	s31 =	simm.s32 $0x40;
	s3 =	sshll.u32 s21, $0x7;
	[smem:$0x7FF] =	sst s2  }
0xc: {  	s21 =	simm.s32 $0x7880;
	_ =	strace $0x80000047;
	[dreg:$0x8] =	wrdreg s24  }
0xd: {  	s6 =	sshll.u32 s5, $0x6;
	s5 =	ssub.s32 $0x2, s5;
	[dreg:$0x9] =	wrdreg s25  }
0xe: {  	s3 =	sor.u32 s6, s3;
	s22 =	sshrl.u32 s5, $0x1;
	[dreg:$0xa] =	wrdreg s26  }
0xf: {  	s24 =	simm.s32 $0x9080;
	s25 =	simm.s32 $0x9880;
	s6 =	sshrl.u32 s3, $0x3  }
0x10: {  	s26 =	simm.s32 $0xA080;
	s3 =	sshll.u32 s3, $0x4;
	s7 =	sadd.s32 s6, s0  }
0x11: {  	s6 =	smul.u32 $0x300, s6;
	s8 =	sadd.s32 s3, s0;
	s3 =	sadd.s32 $0x3A000, s0  }
0x12: {  	s7 =	sadd.s32 $0x39E00, s7;
	s23 =	sadd.s32 $0x1E00, s8;
	s8 =	simm.s32 $0x80  }
0x13: {  	[dreg:$0x5] =	wrdreg s7;
	s4 =	sadd.s32 s4, s6;
	s6 =	ssub.s32 s5, s22  }
0x14: {  	v2 =	vlaneseq.u32;
	[dreg:$0x7] =	wrdreg s23;
	s5 =	sadd.s32 $0x3A200, s0;
	s7 =	simm.s32 $0x2  }
0x15: {  	vm0 =	vmmov $0xffff;
	v1 =	vshrl.u32 v2, $0x3;
	s22 =	simm.s32 $0x8080;
	s23 =	simm.s32 $0x8880;
	[dreg:$0x6] =	wrdreg s4  }
0x16: {  	v0 =	vand.u32 $0x7, v2;
	v2 =	vor.u32 $0x8, v2;
	v1 =	vmul.u32 $0x8, v1;
	s4 =	sadd.s32 $0x3A100, s0;
	s6 =	smax.u32 s6, $0x1;
	s0 =	simm.s32 $0x1  }
.LBB2_1:
0x17: {  	s1 =	rddreg [dreg:$0x5]  }
0x18: {  	[tilespmem:s2], [sflag:$0x2] =	stream.linear.gather [hbm4b:s1+s2], $0x40, $0x38;
	[tilespmem:$0xE080] =	vst v63  }
0x19: {  	_ =	swait.ge [sflag:s7], $0x40  }
0x1a: {  	[sflag:s7] =	ssyncset.done $0x0  }
0x1b: {  	s10 =	rddreg [dreg:$0x6];
	[sflag:s7] =	ssyncadd.s32 $0xFFFFFFC0  }
0x1c: {  	[tilespmem:s8], [sflag:$0x2] =	stream.linear.gather [hbm4b:s10+s2], $0xC000, $0x38;
	[tilespmem:$0xE080] =	vst v63  }
0x1d: {  	_ =	swait.ge [sflag:s7], $0xC000  }
0x1e: {  	[sflag:s7] =	ssyncset.done $0x0  }
0x1f: {  	s10 =	rddreg [dreg:$0x7];
	[sflag:s7] =	ssyncadd.s32 $0xFFFF4000  }
0x20: {  	[tilespmem:s9], [sflag:$0x2] =	stream.linear.gather [hbm4b:s10+s2], $0x2000, $0x38;
	[tilespmem:$0xE080] =	vst v63  }
0x21: {  	_ =	swait.ge [sflag:s7], $0x2000  }
0x22: {  	[sflag:s7] =	ssyncset.done $0x0  }
0x23: {  	[sflag:s7] =	ssyncadd.s32 $0xFFFFE000  }
0x24: {  	v3 =	vld [tilespmem:$0x0];
	_ =	sdelay $0x4  }
0x25: {  	v4 =	vshrl.u32 v3, $0x3  }
0x26: {  	v4 =	vmul.u32 $0x30, v4  }
0x27: {  	v3 =	vand.u32 $0x7, v3  }
0x28: {  	v3 =	vor.u32 v3, v4  }
0x29: {  	v4 =	vperm.xlane v3, v0;
	_ =	sdelay $0x1  }
0x2a: {  	v4 =	vadd.s32 v1, v4;
	_ =	sdelay $0x3  }
0x2b: {  	v3 =	vperm.xlane v3, v2  }
0x2c: {  	[hbm4b:s3+s2] =	stream.indirect_vreg.scatter [tilespmem:s8], [sflag:$0x1], $0x80, v4, vm0, $0xb8;
	[tilespmem:$0xE080] =	vst v63  }
0x2d: {  	s1 =	rddreg [dreg:$0x8];
	v3 =	vadd.s32 v1, v3  }
0x2e: {  	[hbm4b:s4+s2] =	stream.indirect_vreg.scatter [tilespmem:s1], [sflag:$0x1], $0x80, v4, vm0, $0xb8;
	[tilespmem:$0xE080] =	vst v63  }
0x2f: {  	s10 =	rddreg [dreg:$0x9]  }
0x30: {  	[hbm4b:s5+s2] =	stream.indirect_vreg.scatter [tilespmem:s10], [sflag:$0x1], $0x80, v4, vm0, $0xb8;
	[tilespmem:$0xE080] =	vst v63  }
0x31: {  	s1 =	rddreg [dreg:$0xa]  }
0x32: {  	[hbm4b:s3+s2] =	stream.indirect_vreg.scatter [tilespmem:s1], [sflag:$0x1], $0x80, v3, vm0, $0xb8;
	[tilespmem:$0xE080] =	vst v63  }
0x33: {  	s10 =	simm.s32 $0x2080  }
0x34: {  	[hbm4b:s4+s2] =	stream.indirect_vreg.scatter [tilespmem:s10], [sflag:$0x1], $0x80, v3, vm0, $0xb8;
	[tilespmem:$0xE080] =	vst v63  }
0x35: {  	_ = 	snop  }
0x36: {  	[hbm4b:s5+s2] =	stream.indirect_vreg.scatter [tilespmem:s11], [sflag:$0x1], $0x80, v3, vm0, $0xb8;
	[tilespmem:$0xE080] =	vst v63  }
0x37: {  	v3 =	vld [tilespmem:$0x10];
	_ =	sdelay $0x4  }
0x38: {  	v61 =	vshrl.u32 v3, $0x3  }
0x39: {  	v4 =	vmul.u32 $0x30, v61  }
0x3a: {  	v3 =	vand.u32 $0x7, v3  }
0x3b: {  	v3 =	vor.u32 v3, v4  }
0x3c: {  	v4 =	vperm.xlane v3, v0;
	_ =	sdelay $0x1  }
0x3d: {  	v4 =	vadd.s32 v1, v4;
	_ =	sdelay $0x3  }
0x3e: {  	v3 =	vperm.xlane v3, v2  }
0x3f: {  	[hbm4b:s3+s2] =	stream.indirect_vreg.scatter [tilespmem:s12], [sflag:$0x1], $0x80, v4, vm0, $0xb8;
	[tilespmem:$0xE080] =	vst v63  }
0x40: {  	v3 =	vadd.s32 v1, v3  }
0x41: {  	[hbm4b:s4+s2] =	stream.indirect_vreg.scatter [tilespmem:s13], [sflag:$0x1], $0x80, v4, vm0, $0xb8;
	[tilespmem:$0xE080] =	vst v63  }
0x42: {  	_ = 	snop  }
0x43: {  	[hbm4b:s5+s2] =	stream.indirect_vreg.scatter [tilespmem:s14], [sflag:$0x1], $0x80, v4, vm0, $0xb8;
	[tilespmem:$0xE080] =	vst v63  }
0x44: {  	_ = 	snop  }
0x45: {  	[hbm4b:s3+s2] =	stream.indirect_vreg.scatter [tilespmem:s15], [sflag:$0x1], $0x80, v3, vm0, $0xb8;
	[tilespmem:$0xE080] =	vst v63  }
0x46: {  	_ = 	snop  }
0x47: {  	[hbm4b:s4+s2] =	stream.indirect_vreg.scatter [tilespmem:s16], [sflag:$0x1], $0x80, v3, vm0, $0xb8;
	[tilespmem:$0xE080] =	vst v63  }
0x48: {  	_ = 	snop  }
0x49: {  	[hbm4b:s5+s2] =	stream.indirect_vreg.scatter [tilespmem:s17], [sflag:$0x1], $0x80, v3, vm0, $0xb8;
	[tilespmem:$0xE080] =	vst v63  }
0x4a: {  	v3 =	vld [tilespmem:$0x20];
	_ =	sdelay $0x4  }
0x4b: {  	v62 =	vshrl.u32 v3, $0x3  }
0x4c: {  	v4 =	vmul.u32 $0x30, v62  }
0x4d: {  	v3 =	vand.u32 $0x7, v3  }
0x4e: {  	v3 =	vor.u32 v3, v4  }
0x4f: {  	v4 =	vperm.xlane v3, v0;
	_ =	sdelay $0x1  }
0x50: {  	v4 =	vadd.s32 v1, v4;
	_ =	sdelay $0x3  }
0x51: {  	v3 =	vperm.xlane v3, v2  }
0x52: {  	[hbm4b:s3+s2] =	stream.indirect_vreg.scatter [tilespmem:s18], [sflag:$0x1], $0x80, v4, vm0, $0xb8;
	[tilespmem:$0xE080] =	vst v63  }
0x53: {  	v3 =	vadd.s32 v1, v3  }
0x54: {  	[hbm4b:s4+s2] =	stream.indirect_vreg.scatter [tilespmem:s19], [sflag:$0x1], $0x80, v4, vm0, $0xb8;
	[tilespmem:$0xE080] =	vst v63  }
0x55: {  	_ = 	snop  }
0x56: {  	[hbm4b:s5+s2] =	stream.indirect_vreg.scatter [tilespmem:s20], [sflag:$0x1], $0x80, v4, vm0, $0xb8;
	[tilespmem:$0xE080] =	vst v63  }
0x57: {  	_ = 	snop  }
0x58: {  	[hbm4b:s3+s2] =	stream.indirect_vreg.scatter [tilespmem:s21], [sflag:$0x1], $0x80, v3, vm0, $0xb8;
	[tilespmem:$0xE080] =	vst v63  }
0x59: {  	_ = 	snop  }
0x5a: {  	[hbm4b:s4+s2] =	stream.indirect_vreg.scatter [tilespmem:s22], [sflag:$0x1], $0x80, v3, vm0, $0xb8;
	[tilespmem:$0xE080] =	vst v63  }
0x5b: {  	_ = 	snop  }
0x5c: {  	[hbm4b:s5+s2] =	stream.indirect_vreg.scatter [tilespmem:s23], [sflag:$0x1], $0x80, v3, vm0, $0xb8;
	[tilespmem:$0xE080] =	vst v63  }
0x5d: {  	v3 =	vld [tilespmem:$0x30];
	_ =	sdelay $0x4  }
0x5e: {  	v63 =	vshrl.u32 v3, $0x3  }
0x5f: {  	v4 =	vmul.u32 $0x30, v63  }
0x60: {  	v3 =	vand.u32 $0x7, v3  }
0x61: {  	v3 =	vor.u32 v3, v4  }
0x62: {  	v4 =	vperm.xlane v3, v0;
	_ =	sdelay $0x1  }
0x63: {  	v4 =	vadd.s32 v1, v4;
	_ =	sdelay $0x3  }
0x64: {  	v3 =	vperm.xlane v3, v2  }
0x65: {  	[hbm4b:s3+s2] =	stream.indirect_vreg.scatter [tilespmem:s24], [sflag:$0x1], $0x80, v4, vm0, $0xb8;
	[tilespmem:$0xE080] =	vst v63  }
0x66: {  	v3 =	vadd.s32 v1, v3  }
0x67: {  	[hbm4b:s4+s2] =	stream.indirect_vreg.scatter [tilespmem:s25], [sflag:$0x1], $0x80, v4, vm0, $0xb8;
	[tilespmem:$0xE080] =	vst v63  }
0x68: {  	_ = 	snop  }
0x69: {  	[hbm4b:s5+s2] =	stream.indirect_vreg.scatter [tilespmem:s26], [sflag:$0x1], $0x80, v4, vm0, $0xb8;
	[tilespmem:$0xE080] =	vst v63  }
0x6a: {  	_ = 	snop  }
0x6b: {  	[hbm4b:s3+s2] =	stream.indirect_vreg.scatter [tilespmem:s28], [sflag:$0x1], $0x80, v3, vm0, $0xb8;
	[tilespmem:$0xE080] =	vst v63  }
0x6c: {  	_ = 	snop  }
0x6d: {  	[hbm4b:s4+s2] =	stream.indirect_vreg.scatter [tilespmem:s29], [sflag:$0x1], $0x80, v3, vm0, $0xb8;
	[tilespmem:$0xE080] =	vst v63  }
0x6e: {  	_ = 	snop  }
0x6f: {  	[hbm4b:s5+s2] =	stream.indirect_vreg.scatter [tilespmem:s30], [sflag:$0x1], $0x80, v3, vm0, $0xb8;
	[tilespmem:$0xE080] =	vst v63  }
0x70: {  	s10 =	rddreg [dreg:$0x4]  }
0x71: {  	[hbm4b:s10+s31] =	stream.indirect.scatter [tilespmem:s9], [sflag:$0x1], $0x80, s2, s31, $0xb8;
	[tilespmem:$0xE080] =	vst v63  }
0x72: {  	p0 =	sne.s32 s6, $0x1;
	_ =	swait.ge [sflag:s0], $0xC000  }
.Ltmp0:
0x73: {  	[sflag:s0] =	ssyncset.done $0x0;
	(pc) =	sbr.rel @p0 .LBB2_1-.Ltmp0, $4  }
0x74: {  	[sflag:s0] =	ssyncadd.s32 $0xFFFF4000  }
0x75: {  	_ =	swait.ge [sflag:s0], $0x2000  }
0x76: {  	[sflag:s0] =	ssyncset.done $0x0  }
0x77: {  	s6 =	sadd.s32 $0xFFFFFFFF, s6;
	[sflag:s0] =	ssyncadd.s32 $0xFFFFE000  }
0x78: {  	_ =	sfence.sel $0x180000  }
0x79: {  	[bflag:$0x0] =	sbarrier.arrive $0xFFFF  }
0x7a: {  	_ =	strace $0x90000047  }
0x7b: {  	s0 =	stileid.u32;
	[bflag:$0x2] =	sbarrier.arrive $0xFFFF  }
0x7c: {  	p0 =	sne.s32 s0, $0x0;
	s0 =	rddreg [dreg:$0x3]  }
0x7d: {  	s0 =	sadd.s32 @!p0 $0x100000, s0  }
0x7e: {  	[sflag:s0] =	ssyncadd.tile.s32 @!p0 $0x1;
	_ =	shalt  }
.Lfunc_end2:
_tile_overlayer_lowered:
.L_overlay_start_2:
0x7f: {  	(tag) =	ssettag $0x2  }
0x80: {  	s0 =	rddreg [dreg:$0x0];
	s2 =	stileid.u32  }
0x81: {  	s1 =	rddreg [dreg:$0x1];
	p0 =	sne.s32 s2, $0x0  }
0x82: {  	s3 =	rddreg [dreg:$0x2];
	[bflag:$0x3] =	sbarrier.arrive $0xFFFF;
	s2 =	simm.s32 @!p0 $0x1C02  }
0x83: {  	[timem:s3], [sflag:s2] =	dma.local @!p0 [hbm:s0], s1  }
0x84: {  	s0 =	simm.s32 @!p0 $0x2  }
0x85: {  	_ =	swait.ge @!p0 [sflag:s0], s1  }
0x86: {  	s1 =	ssub.s32 @!p0 $0x0, s1;
	[sflag:s0] =	ssyncset.done @!p0 $0x0  }
0x87: {  	[sflag:s0] =	ssyncadd.s32 @!p0 s1  }
0x88: {  	[bflag:$0x3] =	sbarrier.arrive $0xFFFF  }
0x89: {  	_ =	shalt  }

// kernel: kernel.9.cloned.1.call-start
scs
__scs_entry_jumppad:
0x0: {  	(pc) =	sbr.rel $0x88, $3  }
0x1: {  	(tag) =	ssettag $0x0;
	lr =	simm.s32 $0x1  }
0x2: {  	[smem:$0x3F96] =	sst lr;
	_ =	strace $0xD0000000  }
0x3: {  	_ = 	snop  }
0x4: {  	_ = 	snop  }
0x5: {  	_ = 	snop  }
0x6: {  	_ = 	snop  }
0x7: {  	_ = 	snop  }
__scs_overlays_trampoline_lowered:
0x8: {  	[smem:$0x3FA5] =	sst s0  }
0x9: {  	[smem:$0x3FA6] =	sst s1  }
0xa: {  	[smem:$0x3FA7] =	sst s2  }
0xb: {  	[smem:$0x3FA8] =	sst s3  }
0xc: {  	[smem:$0x3FA9] =	sst s4  }
0xd: {  	[smem:$0x3FAA] =	sst s5  }
0xe: {  	[smem:$0x3FAB] =	sst s6  }
0xf: {  	[smem:$0x3FAC] =	sst s7  }
0x10: {  	[smem:$0x3FAD] =	sst s8  }
0x11: {  	[smem:$0x3FAE] =	sst s9;
	s0 =	simm.s32 @!p0 $0x0  }
0x12: {  	s1 =	sld [smem:$0x3F94];
	s0 =	simm.s32 @p0 $0x1  }
0x13: {  	[smem:$0x3FAF] =	sst s0;
	s0 =	simm.s32 @!p1 $0x0  }
0x14: {  	s2 =	sld [smem:$0x3F93];
	s0 =	simm.s32 @p1 $0x1  }
0x15: {  	[smem:$0x3FB0] =	sst s0;
	s0 =	simm.s32 @!p2 $0x0  }
0x16: {  	s3 =	sld [smem:$0x3FDB];
	s0 =	simm.s32 @p2 $0x1  }
0x17: {  	s4 =	simm.s32 $0x1BF5;
	[smem:$0x3FB2] =	sst s0  }
0x18: {  	s0 =	sld [smem:$0x3F95];
	_ =	swait.ge [sflag:s4], $0x0  }
0x19: {  	s7 =	sld [smem:$0x3F96]  }
0x1a: {  	s8 =	sadd.s32 $0xFFFFE003, lr  }
0x1b: {  	s9 =	sadd.s32 $0xFFFFFEF7, lr;
	s5 =	simm.s32 $0xFFFFFFFF;
	p2 =	slt.u32 s8, $0xFFFFF086  }
0x1c: {  	p1 =	slt.u32 s9, $0xF7A;
	s5 =	simm.s32 @!p2 $0x0  }
0x1d: {  	s5 =	simm.s32 @p1 $0x1;
	p0 =	seq.s32 s7, s2  }
0x1e: {  	s7 =	smul.u32 @!p0 $0xF7A, s2;
	p2 =	seq.s32 @!p0 s5, $0x0  }
0x1f: {  	s9 =	smul.u32 $0xF7A, s1;
	s8 =	simm.s32 @!p0 $0x1BF5;
	p2 =	por !p2, p0  }
0x20: {  	[sflag:s8] =	ssyncset.s32 @!p0 $0xFFFFF086;
	s6 =	sadd.s32 @!p0 s3, s7;
	s7 =	simm.s32 @!p0 $0x108  }
0x21: {  	s3 =	sadd.s32 s3, s9;
	s6 =	sadd.s32 @!p0 $0x88, s6;
	s7 =	simm.s32 @p2 $0x1082  }
0x22: {  	[simem:s7], [sflag:s8] =	dma.local @!p0 [hbm:s6], $0xF7A  }
0x23: {  	s9 =	sor.u32 $0xD0000000, s2;
	s6 =	simm.s32 $0x108;
	_ =	swait.ge @!p0 [sflag:s8], $0x0  }
0x24: {  	s3 =	sadd.s32 $0x88, s3;
	s6 =	simm.s32 @!p1 $0x1082;
	[sflag:s4] =	ssyncset.s32 $0xFFFFF086  }
0x25: {  	[simem:s6], [sflag:s4] =	dma.local [hbm:s3], $0xF7A  }
0x26: {  	[smem:$0x3F96] =	sst s1;
	(tag) =	ssettag s2;
	_ =	strace s9  }
0x27: {  	s1 =	sld [smem:$0x3FA6]  }
0x28: {  	s2 =	sld [smem:$0x3FA7]  }
0x29: {  	s4 =	sld [smem:$0x3FA9]  }
0x2a: {  	p0 =	seq.s32 s5, $0x0;
	s5 =	sld [smem:$0x3FAA]  }
0x2b: {  	s6 =	sld [smem:$0x3FAB]  }
0x2c: {  	s7 =	sld [smem:$0x3FAC]  }
0x2d: {  	s3 =	simm.s32 $0x108;
	s8 =	sld [smem:$0x3FAD]  }
0x2e: {  	s3 =	simm.s32 @!p0 $0x1082;
	s9 =	sld [smem:$0x3FAE]  }
0x2f: {  	lr =	sadd.s32 s0, s3;
	s0 =	sld [smem:$0x3FA5]  }
0x30: {  	s3 =	sld [smem:$0x3FA8]  }
0x31: {  	[smem:$0x3FB1] =	sst s10  }
0x32: {  	s10 =	sld [smem:$0x3FAF];
	_ =	sdelay $0x3  }
0x33: {  	p0 =	seq.s32 s10, $0x1;
	s10 =	sld [smem:$0x3FB1];
	_ =	sdelay $0x3  }
0x34: {  	[smem:$0x3FB1] =	sst s10  }
0x35: {  	s10 =	sld [smem:$0x3FB0];
	_ =	sdelay $0x3  }
0x36: {  	p1 =	seq.s32 s10, $0x1;
	s10 =	sld [smem:$0x3FB1];
	_ =	sdelay $0x3  }
0x37: {  	[smem:$0x3FB1] =	sst s10  }
0x38: {  	s10 =	sld [smem:$0x3FB2]  }
0x39: {  	_ = 	snop;
	(pc) =	sbr.ind lr, $3  }
0x3a: {  	_ = 	snop  }
0x3b: {  	_ = 	snop  }
0x3c: {  	p2 =	seq.s32 s10, $0x1;
	s10 =	sld [smem:$0x3FB1]  }
0x3d: {  	_ =	shalt  }
0x3e: {  	_ =	shalt  }
0x3f: {  	_ =	shalt  }
0x40: {  	_ =	shalt  }
0x41: {  	_ =	shalt  }
0x42: {  	_ =	shalt  }
0x43: {  	_ =	shalt  }
0x44: {  	_ =	shalt  }
0x45: {  	_ =	shalt  }
0x46: {  	_ =	shalt  }
0x47: {  	_ =	shalt  }
0x48: {  	_ =	shalt  }
0x49: {  	_ =	shalt  }
0x4a: {  	_ =	shalt  }
0x4b: {  	_ =	shalt  }
0x4c: {  	_ =	shalt  }
0x4d: {  	_ =	shalt  }
0x4e: {  	_ =	shalt  }
0x4f: {  	_ =	shalt  }
0x50: {  	_ =	shalt  }
0x51: {  	_ =	shalt  }
0x52: {  	_ =	shalt  }
0x53: {  	_ =	shalt  }
0x54: {  	_ =	shalt  }
0x55: {  	_ =	shalt  }
0x56: {  	_ =	shalt  }
0x57: {  	_ =	shalt  }
0x58: {  	_ =	shalt  }
0x59: {  	_ =	shalt  }
0x5a: {  	_ =	shalt  }
0x5b: {  	_ =	shalt  }
0x5c: {  	_ =	shalt  }
0x5d: {  	_ =	shalt  }
0x5e: {  	_ =	shalt  }
0x5f: {  	_ =	shalt  }
0x60: {  	_ =	shalt  }
0x61: {  	_ =	shalt  }
0x62: {  	_ =	shalt  }
0x63: {  	_ =	shalt  }
0x64: {  	_ =	shalt  }
0x65: {  	_ =	shalt  }
0x66: {  	_ =	shalt  }
0x67: {  	_ =	shalt  }
0x68: {  	_ =	shalt  }
0x69: {  	_ =	shalt  }
0x6a: {  	_ =	shalt  }
0x6b: {  	_ =	shalt  }
0x6c: {  	_ =	shalt  }
0x6d: {  	_ =	shalt  }
0x6e: {  	_ =	shalt  }
0x6f: {  	_ =	shalt  }
0x70: {  	_ =	shalt  }
0x71: {  	_ =	shalt  }
0x72: {  	_ =	shalt  }
0x73: {  	_ =	shalt  }
0x74: {  	_ =	shalt  }
0x75: {  	_ =	shalt  }
0x76: {  	_ =	shalt  }
0x77: {  	_ =	shalt  }
0x78: {  	_ =	shalt  }
0x79: {  	_ =	shalt  }
0x7a: {  	_ =	shalt  }
0x7b: {  	_ =	shalt  }
0x7c: {  	_ =	shalt  }
0x7d: {  	_ =	shalt  }
0x7e: {  	_ =	shalt  }
0x7f: {  	_ =	shalt  }
0x80: {  	_ =	shalt  }
0x81: {  	_ =	shalt  }
0x82: {  	_ =	shalt  }
0x83: {  	_ =	shalt  }
0x84: {  	_ =	shalt  }
0x85: {  	_ =	shalt  }
0x86: {  	_ =	shalt  }
0x87: {  	_ =	shalt  }
.Lfunc_end0:
.L_simem_size_0:
called_computation.1_lowered:
.L_overlay_start_0:
0x88: {  	s2 =	sld [smem:$0x3FD9]  }
0x89: {  	s3 =	sld [smem:$0x3FFE];
	_ =	sdelay $0x1  }
0x8a: {  	s1 =	srdreg.scid  }
0x8b: {  	s0 =	sand.u32 $0x1, s1  }
0x8c: {  	s17 =	sshll.u32 s0, $0xA;
	s2 =	sadd.s32 s3, s2  }
0x8d: {  	s2 =	sadd.s32 s2, s17  }
0x8e: {  	[smem:$0x3FBD] =	sst s2  }
0x8f: {  	_ = 	snop  }
0x90: {  	s2 =	sld [smem:$0x3FD0];
	(tm) =	ssettm $0x1  }
0x91: {  	s18 =	sld [smem:$0x3FFB];
	_ =	sdelay $0x3  }
0x92: {  	_ =	strace s18  }
0x93: {  	s3 =	sld [smem:$0x3FFC];
	_ =	sdelay $0x3  }
0x94: {  	_ =	strace s3  }
0x95: {  	s3 =	sld [smem:$0x3FFD];
	_ =	sdelay $0x3  }
0x96: {  	_ =	strace s3  }
0x97: {  	_ =	strace $0x8FFFFFFF  }
0x98: {  	s19 =	sld [smem:$0x3FDB];
	_ =	sdelay $0x1  }
0x99: {  	s4 =	simm.s32 $_scs_section_size  }
0x9a: {  	s5 =	simm.s32 $_size__tile_overlayer_lowered;
	s6 =	simm.s32 $_tile_overlayer_lowered  }
0x9b: {  	s22 =	simm.s32 $0x1BFF;
	s21 =	sshll.u32 s6, $0x1;
	s3 =	sadd.s32 s4, s19  }
0x9c: {  	s7 =	simm.s32 $0x0;
	s20 =	sshll.u32 s5, $0x1;
	s5 =	sadd.s32 s21, s3  }
0x9d: {  	[timem:s7], [sflag:s22] =	dma.local [hbm:s5], s20  }
0x9e: {  	_ =	swait.ge [sflag:s22], s20  }
0x9f: {  	s4 =	ssub.s32 $0x0, s20;
	[sflag:s22] =	ssyncset.done $0x0  }
0xa0: {  	[sflag:s22] =	ssyncadd.s32 s4;
	_ =	sdelay $0x1  }
0xa1: {  	s23 =	simm.s32 $0x1B8B  }
0xa2: {  	_ =	swait.ge [sflag:s23], $0x1  }
0xa3: {  	[sflag:s23] =	ssyncset.done $0x0  }
0xa4: {  	s25 =	simm.s32 $0x1B8E;
	s24 =	sld [smem:$0x3FFE];
	[sflag:s23] =	ssyncadd.s32 $0xFFFFFFFF  }
0xa5: {  	s26 =	simm.s32 $execute0_lowered;
	[smem:$0x3FD2] =	sst s25  }
0xa6: {  	s5 =	sshll.u32 s26, $0x1;
	_ =	strace $0x80000049;
	[dreg:$0x1] =	wrdreg $0xFFFFFFFF  }
0xa7: {  	s28 =	simm.s32 $_size_execute0_lowered;
	s3 =	sadd.s32 s3, s5;
	[dreg:$0x0] =	wrdreg $0x0  }
0xa8: {  	s5 =	sshll.u32 s28, $0x1;
	[dreg:$0x2] =	wrdreg s3  }
0xa9: {  	[dreg:$0x3] =	wrdreg s5  }
0xaa: {  	[dreg:$0x4] =	wrdreg $0xC0  }
0xab: {  	_ =	task [dreg:s7], $0x5FFFF  }
0xac: {  	[dreg:$0x1] =	wrdreg $0xFFFFFFFF  }
0xad: {  	[dreg:$0x0] =	wrdreg $0x60  }
0xae: {  	[dreg:$0x2] =	wrdreg s24  }
0xaf: {  	[dreg:$0x3] =	wrdreg s2  }
0xb0: {  	[dreg:$0x4] =	wrdreg $0x9  }
0xb1: {  	_ =	task.clear_ibuf [dreg:s7], $0x5FFFF;
	_ =	strace $0x90000049  }
0xb2: {  	s29 =	simm.s32 $0x9;
	_ =	strace $0x8000004B  }
0xb3: {  	_ =	swait.ge [sflag:s29], $0x1  }
0xb4: {  	[sflag:s29] =	ssyncadd.s32 $0xFFFFFFFF  }
0xb5: {  	_ =	strace $0x9000004B  }
0xb6: {  	_ =	sfence  }
0xb7: {  	s30 =	sld [smem:$0x0];
	_ =	sdelay $0x2  }
0xb8: {  	s31 =	sshll.u32 s1, $0xD;
	s1 =	sshrl.u32 s1, $0x2  }
0xb9: {  	s3 =	sand.u32 $0x4000, s31;
	s1 =	sadd.s32 s1, s30  }
0xba: {  	s0 =	sor.u32 s3, s0;
	s1 =	sshll.u32 s1, $0x11  }
0xbb: {  	s0 =	sor.u32 s1, s0  }
0xbc: {  	s0 =	sadd.s32 $0x8F2B, s0  }
0xbd: {  	[sflag:s0] =	ssyncadd.remote.s32 $0x1  }
0xbe: {  	_ =	sfence.sel $0xFFFF  }
0xbf: {  	[dreg:$0x0] =	wrdreg $0xFFFFFFFF;
	(pc) =	sbr.abs _section_cstart, $3  }
0xc0: {  	[dreg:$0x1] =	wrdreg $0xFFFFFFFF  }
0xc1: {  	_ =	task.clear_ibuf [dreg:s7], $0x2FFFF;
	_ =	strace $0x9FFFFFFF  }
0xc2: {  	(tm) =	ssettm $0x7FFFFFFF  }
0xc3: {  	_ =	shalt  }
tec
execute0_lowered:
.L_overlay_start_1:
0x0: {  	(tag) =	ssettag $0x1  }
0x1: {  	s0 =	rddreg [dreg:$0x0]  }
0x2: {  	s1 =	rddreg [dreg:$0x1];
	s2 =	srdreg.scid  }
0x3: {  	s4 =	stileid.u32;
	s10 =	simm.s32 $0x2;
	s21 =	simm.s32 $0x5080  }
0x4: {  	s22 =	simm.s32 $0x5880;
	s23 =	simm.s32 $0x6080;
	s24 =	simm.s32 $0x6880  }
0x5: {  	s28 =	simm.s32 $0x8080;
	s29 =	simm.s32 $0x8880;
	s30 =	simm.s32 $0x9080  }
0x6: {  	s31 =	simm.s32 $0x9880;
	s11 =	simm.s32 $0xB080;
	s12 =	simm.s32 $0xB880  }
0x7: {  	s13 =	simm.s32 $0xC080;
	s14 =	simm.s32 $0x1;
	s15 =	simm.s32 $0x0  }
0x8: {  	s3 =	sand.u32 $0x1, s2;
	s2 =	simm.s32 $0x0;
	s4 =	sshll.u32 s4, $0x4  }
0x9: {  	s5 =	sshll.u32 s3, $0x3;
	[smem:$0x7FF] =	sst s2;
	s25 =	ssub.s32 $0x2, s3  }
0xa: {  	s3 =	sadd.s32 $0x12A000, s0;
	s4 =	sor.u32 s5, s4;
	_ =	strace $0x8000004A  }
0xb: {  	s26 =	sshrl.u32 s25, $0x1;
	s8 =	smul.u32 $0x300, s4;
	s6 =	sadd.s32 s4, s0  }
0xc: {  	s9 =	ssub.s32 s25, s26;
	s4 =	sadd.s32 $0x12A100, s0;
	s25 =	simm.s32 $0x7080  }
0xd: {  	v2 =	vlaneseq.u32;
	s26 =	simm.s32 $0x7880;
	s5 =	sadd.s32 $0x39E00, s6;
	s6 =	sadd.s32 $0x12A200, s0  }
0xe: {  	vm0 =	vmmov $0xffff;
	v1 =	vshrl.u32 v2, $0x3;
	s9 =	smax.u32 s9, $0x1;
	s7 =	sadd.s32 s8, s0;
	s8 =	sadd.s32 s1, s8  }
0xf: {  	v0 =	vand.u32 $0x7, v2;
	v2 =	vor.u32 $0x8, v2;
	v1 =	vmul.u32 $0x8, v1;
	s0 =	simm.s32 $0xA080;
	s1 =	simm.s32 $0xA880;
	s7 =	sadd.s32 $0x9E00, s7  }
.LBB2_1:
0x10: {  	[tilespmem:s2], [sflag:$0x2] =	stream.linear.gather [hbm4b:s5+s2], $0x40, $0x38;
	[tilespmem:$0x18080] =	vst v63  }
0x11: {  	_ =	swait.ge [sflag:s10], $0x40  }
0x12: {  	[sflag:s10] =	ssyncset.done $0x0  }
0x13: {  	[sflag:s10] =	ssyncadd.s32 $0xFFFFFFC0  }
0x14: {  	v3 =	vld [tilespmem:$0x0];
	_ =	sdelay $0x4  }
0x15: {  	v4 =	vshrl.u32 v3, $0x3  }
0x16: {  	v4 =	vmul.u32 $0x30, v4  }
0x17: {  	v3 =	vand.u32 $0x7, v3  }
0x18: {  	v3 =	vor.u32 v3, v4  }
0x19: {  	v4 =	vperm.xlane v3, v0;
	_ =	sdelay $0x1  }
0x1a: {  	v4 =	vadd.s32 v1, v4;
	_ =	sdelay $0x3  }
0x1b: {  	s16 =	simm.s32 $0x80;
	v3 =	vperm.xlane v3, v2  }
0x1c: {  	[tilespmem:s16], [sflag:$0x1] =	stream.indirect_vreg.gather [hbm4b:s3+s2], $0x80, v4, vm0, $0xb8;
	[tilespmem:$0x18080] =	vst v63  }
0x1d: {  	s19 =	simm.s32 $0x880;
	v3 =	vadd.s32 v1, v3  }
0x1e: {  	[tilespmem:s19], [sflag:$0x1] =	stream.indirect_vreg.gather [hbm4b:s4+s2], $0x80, v4, vm0, $0xb8;
	[tilespmem:$0x18080] =	vst v63  }
0x1f: {  	s20 =	simm.s32 $0x1080  }
0x20: {  	[tilespmem:s20], [sflag:$0x1] =	stream.indirect_vreg.gather [hbm4b:s6+s2], $0x80, v4, vm0, $0xb8;
	[tilespmem:$0x18080] =	vst v63  }
0x21: {  	s17 =	simm.s32 $0x1880  }
0x22: {  	[tilespmem:s17], [sflag:$0x1] =	stream.indirect_vreg.gather [hbm4b:s3+s2], $0x80, v3, vm0, $0xb8;
	[tilespmem:$0x18080] =	vst v63  }
0x23: {  	s18 =	simm.s32 $0x2080  }
0x24: {  	[tilespmem:s18], [sflag:$0x1] =	stream.indirect_vreg.gather [hbm4b:s4+s2], $0x80, v3, vm0, $0xb8;
	[tilespmem:$0x18080] =	vst v63  }
0x25: {  	s19 =	simm.s32 $0x2880  }
0x26: {  	[tilespmem:s19], [sflag:$0x1] =	stream.indirect_vreg.gather [hbm4b:s6+s2], $0x80, v3, vm0, $0xb8;
	[tilespmem:$0x18080] =	vst v63  }
0x27: {  	v3 =	vld [tilespmem:$0x10];
	_ =	sdelay $0x4  }
0x28: {  	v4 =	vshrl.u32 v3, $0x3  }
0x29: {  	v4 =	vmul.u32 $0x30, v4  }
0x2a: {  	v3 =	vand.u32 $0x7, v3  }
0x2b: {  	v3 =	vor.u32 v3, v4  }
0x2c: {  	v4 =	vperm.xlane v3, v0;
	_ =	sdelay $0x1  }
0x2d: {  	v4 =	vadd.s32 v1, v4;
	_ =	sdelay $0x3  }
0x2e: {  	s20 =	simm.s32 $0x3080;
	v3 =	vperm.xlane v3, v2  }
0x2f: {  	[tilespmem:s20], [sflag:$0x1] =	stream.indirect_vreg.gather [hbm4b:s3+s2], $0x80, v4, vm0, $0xb8;
	[tilespmem:$0x18080] =	vst v63  }
0x30: {  	s17 =	simm.s32 $0x3880;
	v3 =	vadd.s32 v1, v3  }
0x31: {  	[tilespmem:s17], [sflag:$0x1] =	stream.indirect_vreg.gather [hbm4b:s4+s2], $0x80, v4, vm0, $0xb8;
	[tilespmem:$0x18080] =	vst v63  }
0x32: {  	s18 =	simm.s32 $0x4080  }
0x33: {  	[tilespmem:s18], [sflag:$0x1] =	stream.indirect_vreg.gather [hbm4b:s6+s2], $0x80, v4, vm0, $0xb8;
	[tilespmem:$0x18080] =	vst v63  }
0x34: {  	s19 =	simm.s32 $0x4880  }
0x35: {  	[tilespmem:s19], [sflag:$0x1] =	stream.indirect_vreg.gather [hbm4b:s3+s2], $0x80, v3, vm0, $0xb8;
	[tilespmem:$0x18080] =	vst v63  }
0x36: {  	_ = 	snop  }
0x37: {  	[tilespmem:s21], [sflag:$0x1] =	stream.indirect_vreg.gather [hbm4b:s4+s2], $0x80, v3, vm0, $0xb8;
	[tilespmem:$0x18080] =	vst v63  }
0x38: {  	_ = 	snop  }
0x39: {  	[tilespmem:s22], [sflag:$0x1] =	stream.indirect_vreg.gather [hbm4b:s6+s2], $0x80, v3, vm0, $0xb8;
	[tilespmem:$0x18080] =	vst v63  }
0x3a: {  	v3 =	vld [tilespmem:$0x20];
	_ =	sdelay $0x4  }
0x3b: {  	v4 =	vshrl.u32 v3, $0x3  }
0x3c: {  	v4 =	vmul.u32 $0x30, v4  }
0x3d: {  	v3 =	vand.u32 $0x7, v3  }
0x3e: {  	v3 =	vor.u32 v3, v4  }
0x3f: {  	v4 =	vperm.xlane v3, v0;
	_ =	sdelay $0x1  }
0x40: {  	v4 =	vadd.s32 v1, v4;
	_ =	sdelay $0x3  }
0x41: {  	v3 =	vperm.xlane v3, v2  }
0x42: {  	[tilespmem:s23], [sflag:$0x1] =	stream.indirect_vreg.gather [hbm4b:s3+s2], $0x80, v4, vm0, $0xb8;
	[tilespmem:$0x18080] =	vst v63  }
0x43: {  	v3 =	vadd.s32 v1, v3  }
0x44: {  	[tilespmem:s24], [sflag:$0x1] =	stream.indirect_vreg.gather [hbm4b:s4+s2], $0x80, v4, vm0, $0xb8;
	[tilespmem:$0x18080] =	vst v63  }
0x45: {  	_ = 	snop  }
0x46: {  	[tilespmem:s25], [sflag:$0x1] =	stream.indirect_vreg.gather [hbm4b:s6+s2], $0x80, v4, vm0, $0xb8;
	[tilespmem:$0x18080] =	vst v63  }
0x47: {  	_ = 	snop  }
0x48: {  	[tilespmem:s26], [sflag:$0x1] =	stream.indirect_vreg.gather [hbm4b:s3+s2], $0x80, v3, vm0, $0xb8;
	[tilespmem:$0x18080] =	vst v63  }
0x49: {  	_ = 	snop  }
0x4a: {  	[tilespmem:s28], [sflag:$0x1] =	stream.indirect_vreg.gather [hbm4b:s4+s2], $0x80, v3, vm0, $0xb8;
	[tilespmem:$0x18080] =	vst v63  }
0x4b: {  	_ = 	snop  }
0x4c: {  	[tilespmem:s29], [sflag:$0x1] =	stream.indirect_vreg.gather [hbm4b:s6+s2], $0x80, v3, vm0, $0xb8;
	[tilespmem:$0x18080] =	vst v63  }
0x4d: {  	v3 =	vld [tilespmem:$0x30];
	_ =	sdelay $0x4  }
0x4e: {  	v4 =	vshrl.u32 v3, $0x3  }
0x4f: {  	v4 =	vmul.u32 $0x30, v4  }
0x50: {  	v3 =	vand.u32 $0x7, v3  }
0x51: {  	v3 =	vor.u32 v3, v4  }
0x52: {  	v4 =	vperm.xlane v3, v0;
	_ =	sdelay $0x1  }
0x53: {  	v4 =	vadd.s32 v1, v4;
	_ =	sdelay $0x3  }
0x54: {  	v3 =	vperm.xlane v3, v2  }
0x55: {  	[tilespmem:s30], [sflag:$0x1] =	stream.indirect_vreg.gather [hbm4b:s3+s2], $0x80, v4, vm0, $0xb8;
	[tilespmem:$0x18080] =	vst v63  }
0x56: {  	v3 =	vadd.s32 v1, v3  }
0x57: {  	[tilespmem:s31], [sflag:$0x1] =	stream.indirect_vreg.gather [hbm4b:s4+s2], $0x80, v4, vm0, $0xb8;
	[tilespmem:$0x18080] =	vst v63  }
0x58: {  	_ = 	snop  }
0x59: {  	[tilespmem:s0], [sflag:$0x1] =	stream.indirect_vreg.gather [hbm4b:s6+s2], $0x80, v4, vm0, $0xb8;
	[tilespmem:$0x18080] =	vst v63  }
0x5a: {  	_ = 	snop  }
0x5b: {  	[tilespmem:s1], [sflag:$0x1] =	stream.indirect_vreg.gather [hbm4b:s3+s2], $0x80, v3, vm0, $0xb8;
	[tilespmem:$0x18080] =	vst v63  }
0x5c: {  	_ = 	snop  }
0x5d: {  	[tilespmem:s11], [sflag:$0x1] =	stream.indirect_vreg.gather [hbm4b:s4+s2], $0x80, v3, vm0, $0xb8;
	[tilespmem:$0x18080] =	vst v63  }
0x5e: {  	_ = 	snop  }
0x5f: {  	[tilespmem:s12], [sflag:$0x1] =	stream.indirect_vreg.gather [hbm4b:s6+s2], $0x80, v3, vm0, $0xb8;
	[tilespmem:$0x18080] =	vst v63  }
0x60: {  	_ = 	snop  }
0x61: {  	[tilespmem:s13], [sflag:$0x2] =	stream.linear.gather [hbm4b:s7+s2], $0xC000, $0x38;
	[tilespmem:$0x18080] =	vst v63  }
0x62: {  	_ =	swait.ge [sflag:s10], $0xC000  }
0x63: {  	[sflag:s10] =	ssyncset.done $0x0  }
0x64: {  	s20 =	simm.s32 $0x0;
	[sflag:s10] =	ssyncadd.s32 $0xFFFF4000  }
0x65: {  	s16 =	smul.u32 $0x1800, s20;
	_ =	swait.ge [sflag:s14], $0xC000  }
0x66: {  	s17 =	sand.u32 $0x380, s2;
	[sflag:s14] =	ssyncset.done $0x0  }
0x67: {  	s16 =	sor.u32 s17, s16;
	[sflag:s14] =	ssyncadd.s32 $0xFFFF4000  }
0x68: {  	v12 =	vld [tilespmem:s16+$0x80]  }
0x69: {  	v13 =	vld [tilespmem:s16+$0x90]  }
0x6a: {  	v14 =	vld [tilespmem:s16+$0xA0]  }
0x6b: {  	v15 =	vld [tilespmem:s16+$0xB0]  }
0x6c: {  	v16 =	vld [tilespmem:s16+$0xC0]  }
0x6d: {  	v17 =	vld [tilespmem:s16+$0xD0]  }
0x6e: {  	v18 =	vld [tilespmem:s16+$0xE0]  }
0x6f: {  	v19 =	vld [tilespmem:s16+$0xF0]  }
0x70: {  	v20 =	vld [tilespmem:s16+$0x480]  }
0x71: {  	v21 =	vld [tilespmem:s16+$0x490]  }
0x72: {  	v22 =	vld [tilespmem:s16+$0x4A0]  }
0x73: {  	v23 =	vld [tilespmem:s16+$0x4B0]  }
0x74: {  	v24 =	vld [tilespmem:s16+$0x4C0]  }
0x75: {  	v25 =	vld [tilespmem:s16+$0x4D0]  }
0x76: {  	v26 =	vld [tilespmem:s16+$0x4E0]  }
0x77: {  	v27 =	vld [tilespmem:s16+$0x4F0]  }
0x78: {  	v28 =	vld [tilespmem:s16+$0x880]  }
0x79: {  	v29 =	vld [tilespmem:s16+$0x890]  }
0x7a: {  	v30 =	vld [tilespmem:s16+$0x8A0]  }
0x7b: {  	v31 =	vld [tilespmem:s16+$0x8B0]  }
0x7c: {  	v32 =	vld [tilespmem:s16+$0x8C0]  }
0x7d: {  	v33 =	vld [tilespmem:s16+$0x8D0]  }
0x7e: {  	v34 =	vld [tilespmem:s16+$0x8E0]  }
0x7f: {  	v35 =	vld [tilespmem:s16+$0x8F0]  }
0x80: {  	v36 =	vld [tilespmem:s16+$0xC80]  }
0x81: {  	v37 =	vld [tilespmem:s16+$0xC90]  }
0x82: {  	v38 =	vld [tilespmem:s16+$0xCA0]  }
0x83: {  	v39 =	vld [tilespmem:s16+$0xCB0]  }
0x84: {  	v40 =	vld [tilespmem:s16+$0xCC0]  }
0x85: {  	v41 =	vld [tilespmem:s16+$0xCD0]  }
0x86: {  	v42 =	vld [tilespmem:s16+$0xCE0]  }
0x87: {  	v43 =	vld [tilespmem:s16+$0xCF0]  }
0x88: {  	v44 =	vld [tilespmem:s16+$0x1080]  }
0x89: {  	v45 =	vld [tilespmem:s16+$0x1090]  }
0x8a: {  	v46 =	vld [tilespmem:s16+$0x10A0]  }
0x8b: {  	v47 =	vld [tilespmem:s16+$0x10B0]  }
0x8c: {  	v48 =	vld [tilespmem:s16+$0x10C0]  }
0x8d: {  	v49 =	vld [tilespmem:s16+$0x10D0]  }
0x8e: {  	v50 =	vld [tilespmem:s16+$0x10E0]  }
0x8f: {  	v11 =	vld [tilespmem:s16+$0x10F0]  }
0x90: {  	v10 =	vld [tilespmem:s16+$0x1480]  }
0x91: {  	v9 =	vld [tilespmem:s16+$0x1490]  }
0x92: {  	v8 =	vld [tilespmem:s16+$0x14A0]  }
0x93: {  	v7 =	vld [tilespmem:s16+$0x14B0]  }
0x94: {  	v6 =	vld [tilespmem:s16+$0x14C0]  }
0x95: {  	v51 =	vld [tilespmem:s16+$0xC080]  }
0x96: {  	v52 =	vld [tilespmem:s16+$0xC090]  }
0x97: {  	v53 =	vld [tilespmem:s16+$0xC0A0]  }
0x98: {  	v54 =	vld [tilespmem:s16+$0xC0B0]  }
0x99: {  	v55 =	vld [tilespmem:s16+$0xC0C0]  }
0x9a: {  	v62 =	vld [tilespmem:s16+$0xC0D0];
	v12 =	vadd.f32 v12, v51  }
0x9b: {  	v63 =	vld [tilespmem:s16+$0xC0E0];
	v13 =	vadd.f32 v13, v52  }
0x9c: {  	[tilespmem:s16+$0xC080] =	vst v12;
	v12 =	vadd.f32 v14, v53;
	v14 =	vld [tilespmem:s16+$0xC0F0]  }
0x9d: {  	[tilespmem:s16+$0xC090] =	vst v13;
	v13 =	vadd.f32 v15, v54;
	v15 =	vld [tilespmem:s16+$0xC480]  }
0x9e: {  	[tilespmem:s16+$0xC0A0] =	vst v12;
	v12 =	vadd.f32 v16, v55;
	v16 =	vld [tilespmem:s16+$0xC490]  }
0x9f: {  	[tilespmem:s16+$0xC0B0] =	vst v13;
	v13 =	vadd.f32 v17, v62;
	v17 =	vld [tilespmem:s16+$0xC4A0]  }
0xa0: {  	v5 =	vld [tilespmem:s16+$0x14D0]  }
0xa1: {  	[tilespmem:s16+$0xC0C0] =	vst v12;
	v12 =	vadd.f32 v18, v63;
	v18 =	vld [tilespmem:s16+$0xC4F0]  }
0xa2: {  	[tilespmem:s16+$0xC0D0] =	vst v13;
	v13 =	vadd.f32 v19, v14;
	v14 =	vld [tilespmem:s16+$0xC4B0]  }
0xa3: {  	[tilespmem:s16+$0xC0E0] =	vst v12;
	v12 =	vadd.f32 v20, v15;
	v15 =	vld [tilespmem:s16+$0xC4C0]  }
0xa4: {  	[tilespmem:s16+$0xC0F0] =	vst v13;
	v13 =	vadd.f32 v21, v16;
	v16 =	vadd.f32 v22, v17;
	v17 =	vld [tilespmem:s16+$0xC4E0]  }
0xa5: {  	[tilespmem:s16+$0xC480] =	vst v12;
	v12 =	vld [tilespmem:s16+$0xC4D0]  }
0xa6: {  	[tilespmem:s16+$0xC490] =	vst v13;
	v13 =	vld [tilespmem:s16+$0xC880];
	v18 =	vadd.f32 v27, v18  }
0xa7: {  	[tilespmem:s16+$0xC4A0] =	vst v16;
	v16 =	vld [tilespmem:s16+$0xC890];
	v14 =	vadd.f32 v23, v14  }
0xa8: {  	v4 =	vld [tilespmem:s16+$0x14E0];
	v15 =	vadd.f32 v24, v15;
	[tilespmem:s16+$0xC4F0] =	vst v18  }
0xa9: {  	[tilespmem:s16+$0xC4B0] =	vst v14;
	v14 =	vld [tilespmem:s16+$0xC8A0];
	v17 =	vadd.f32 v26, v17  }
0xaa: {  	v12 =	vadd.f32 v25, v12;
	[tilespmem:s16+$0xC4C0] =	vst v15;
	v15 =	vld [tilespmem:s16+$0xC8B0]  }
0xab: {  	v18 =	vld [tilespmem:s16+$0xC8F0];
	[tilespmem:s16+$0xC4E0] =	vst v17;
	v13 =	vadd.f32 v28, v13  }
0xac: {  	v16 =	vadd.f32 v29, v16;
	[tilespmem:s16+$0xC4D0] =	vst v12;
	v12 =	vld [tilespmem:s16+$0xC8C0]  }
0xad: {  	v17 =	vld [tilespmem:s16+$0xC8D0];
	[tilespmem:s16+$0xC880] =	vst v13  }
0xae: {  	[tilespmem:s16+$0xC890] =	vst v16;
	v16 =	vld [tilespmem:s16+$0xC8E0];
	v13 =	vadd.f32 v30, v14  }
0xaf: {  	v14 =	vld [tilespmem:s16+$0xCC80];
	v15 =	vadd.f32 v31, v15  }
0xb0: {  	[tilespmem:s16+$0xC8A0] =	vst v13;
	v13 =	vld [tilespmem:s16+$0xCC90]  }
0xb1: {  	v12 =	vadd.f32 v32, v12;
	[tilespmem:s16+$0xC8B0] =	vst v15;
	v15 =	vld [tilespmem:s16+$0xCCA0]  }
0xb2: {  	v3 =	vld [tilespmem:s16+$0x14F0];
	v17 =	vadd.f32 v33, v17  }
0xb3: {  	v16 =	vadd.f32 v34, v16;
	[tilespmem:s16+$0xC8C0] =	vst v12;
	v12 =	vld [tilespmem:s16+$0xCCB0]  }
0xb4: {  	[tilespmem:s16+$0xC8D0] =	vst v17;
	v17 =	vld [tilespmem:s16+$0xCCC0];
	v14 =	vadd.f32 v36, v14  }
0xb5: {  	v18 =	vadd.f32 v35, v18;
	[tilespmem:s16+$0xC8E0] =	vst v16;
	v16 =	vld [tilespmem:s16+$0xCCD0]  }
0xb6: {  	v13 =	vadd.f32 v37, v13;
	[tilespmem:s16+$0xCC80] =	vst v14;
	v14 =	vadd.f32 v38, v15;
	v15 =	vld [tilespmem:s16+$0xCCE0]  }
0xb7: {  	[tilespmem:s16+$0xC8F0] =	vst v18;
	v18 =	vld [tilespmem:s16+$0xCCF0]  }
0xb8: {  	[tilespmem:s16+$0xCC90] =	vst v13;
	v13 =	vld [tilespmem:s16+$0xD080];
	v12 =	vadd.f32 v39, v12  }
0xb9: {  	v17 =	vadd.f32 v40, v17;
	[tilespmem:s16+$0xCCA0] =	vst v14;
	v14 =	vld [tilespmem:s16+$0xD090]  }
0xba: {  	v16 =	vadd.f32 v41, v16;
	[tilespmem:s16+$0xCCB0] =	vst v12;
	v12 =	vld [tilespmem:s16+$0xD0A0]  }
0xbb: {  	[tilespmem:s16+$0xCCC0] =	vst v17;
	v17 =	vld [tilespmem:s16+$0xD0B0];
	v15 =	vadd.f32 v42, v15  }
0xbc: {  	v19 =	vld [tilespmem:s16+$0xD0C0];
	[tilespmem:s16+$0xCCD0] =	vst v16;
	v16 =	vadd.f32 v43, v18  }
0xbd: {  	v18 =	vld [tilespmem:s16+$0xD0D0];
	v13 =	vadd.f32 v44, v13;
	[tilespmem:s16+$0xCCE0] =	vst v15  }
0xbe: {  	v20 =	vld [tilespmem:s16+$0xD0E0];
	[tilespmem:s16+$0xCCF0] =	vst v16;
	v14 =	vadd.f32 v45, v14  }
0xbf: {  	v16 =	vld [tilespmem:s16+$0xD0F0];
	[tilespmem:s16+$0xD080] =	vst v13;
	v12 =	vadd.f32 v46, v12  }
0xc0: {  	v15 =	vld [tilespmem:s16+$0xD480];
	v13 =	vadd.f32 v47, v17;
	[tilespmem:s16+$0xD090] =	vst v14  }
0xc1: {  	v14 =	vld [tilespmem:s16+$0xD490];
	[tilespmem:s16+$0xD0A0] =	vst v12;
	v12 =	vadd.f32 v48, v19  }
0xc2: {  	[tilespmem:s16+$0xD0B0] =	vst v13;
	v13 =	vld [tilespmem:s16+$0xD4A0];
	v18 =	vadd.f32 v49, v18  }
0xc3: {  	s17 =	simm.s32 $0x1;
	s18 =	simm.s32 $0x0;
	v17 =	vadd.f32 v50, v20;
	[tilespmem:s16+$0xD0C0] =	vst v12;
	v12 =	vld [tilespmem:s16+$0xD4B0]  }
.LBB2_2:
0xc4: {  	s19 =	sshrl.u32 s17, $0x3;
	p0 =	sne.s32 s17, $0x3F;
	[tilespmem:s16+$0xD0D0] =	vst v18;
	v11 =	vadd.f32 v11, v16;
	v16 =	vld [tilespmem:s16+$0xD4C0]  }
0xc5: {  	s18 =	sadd.s32 $0x80, s18;
	s19 =	smul.u32 $0x1800, s19;
	[tilespmem:s16+$0xD0E0] =	vst v17;
	v10 =	vadd.f32 v10, v15;
	v15 =	vld [tilespmem:s16+$0xD4D0]  }
0xc6: {  	s20 =	sand.u32 $0x380, s18;
	[tilespmem:s16+$0xD0F0] =	vst v11;
	v9 =	vadd.f32 v9, v14;
	v11 =	vld [tilespmem:s16+$0xD4E0]  }
0xc7: {  	s19 =	sor.u32 s20, s19;
	[tilespmem:s16+$0xD480] =	vst v10;
	v8 =	vadd.f32 v8, v13;
	v10 =	vld [tilespmem:s16+$0xD4F0]  }
0xc8: {  	v39 =	vld [tilespmem:s19+$0x80];
	[tilespmem:s16+$0xD490] =	vst v9;
	v7 =	vadd.f32 v7, v12  }
0xc9: {  	v40 =	vld [tilespmem:s19+$0x90];
	[tilespmem:s16+$0xD4A0] =	vst v8;
	v6 =	vadd.f32 v6, v16  }
0xca: {  	v41 =	vld [tilespmem:s19+$0xA0];
	[tilespmem:s16+$0xD4B0] =	vst v7;
	v5 =	vadd.f32 v5, v15  }
0xcb: {  	v42 =	vld [tilespmem:s19+$0xB0];
	[tilespmem:s16+$0xD4C0] =	vst v6;
	v4 =	vadd.f32 v4, v11  }
0xcc: {  	v43 =	vld [tilespmem:s19+$0xC0];
	[tilespmem:s16+$0xD4D0] =	vst v5;
	v3 =	vadd.f32 v3, v10  }
0xcd: {  	v44 =	vld [tilespmem:s19+$0xD0];
	[tilespmem:s16+$0xD4E0] =	vst v4  }
0xce: {  	v45 =	vld [tilespmem:s19+$0xE0];
	[tilespmem:s16+$0xD4F0] =	vst v3;
	s16 =	smov.u32 s19  }
0xcf: {  	v46 =	vld [tilespmem:s16+$0xF0]  }
0xd0: {  	v47 =	vld [tilespmem:s16+$0x480]  }
0xd1: {  	v48 =	vld [tilespmem:s16+$0x490]  }
0xd2: {  	v49 =	vld [tilespmem:s16+$0x4A0]  }
0xd3: {  	v50 =	vld [tilespmem:s16+$0x4B0]  }
0xd4: {  	v38 =	vld [tilespmem:s16+$0x4C0]  }
0xd5: {  	v37 =	vld [tilespmem:s16+$0x4D0]  }
0xd6: {  	v36 =	vld [tilespmem:s16+$0x4E0]  }
0xd7: {  	v35 =	vld [tilespmem:s16+$0x4F0]  }
0xd8: {  	v34 =	vld [tilespmem:s16+$0x880]  }
0xd9: {  	v33 =	vld [tilespmem:s16+$0x890]  }
0xda: {  	v32 =	vld [tilespmem:s16+$0x8A0]  }
0xdb: {  	v31 =	vld [tilespmem:s16+$0x8B0]  }
0xdc: {  	v30 =	vld [tilespmem:s16+$0x8C0]  }
0xdd: {  	v29 =	vld [tilespmem:s16+$0x8D0]  }
0xde: {  	v28 =	vld [tilespmem:s16+$0x8E0]  }
0xdf: {  	v27 =	vld [tilespmem:s16+$0x8F0]  }
0xe0: {  	v26 =	vld [tilespmem:s16+$0xC80]  }
0xe1: {  	v25 =	vld [tilespmem:s16+$0xC90]  }
0xe2: {  	v24 =	vld [tilespmem:s16+$0xCA0]  }
0xe3: {  	v23 =	vld [tilespmem:s16+$0xCB0]  }
0xe4: {  	v22 =	vld [tilespmem:s16+$0xCC0]  }
0xe5: {  	v21 =	vld [tilespmem:s16+$0xCD0]  }
0xe6: {  	v20 =	vld [tilespmem:s16+$0xCE0]  }
0xe7: {  	v19 =	vld [tilespmem:s16+$0xCF0]  }
0xe8: {  	v18 =	vld [tilespmem:s16+$0x1080]  }
0xe9: {  	v17 =	vld [tilespmem:s16+$0x1090]  }
0xea: {  	v16 =	vld [tilespmem:s16+$0x10A0]  }
0xeb: {  	v15 =	vld [tilespmem:s16+$0x10B0]  }
0xec: {  	v14 =	vld [tilespmem:s16+$0x10C0]  }
0xed: {  	v13 =	vld [tilespmem:s16+$0x10D0]  }
0xee: {  	v12 =	vld [tilespmem:s16+$0x10E0]  }
0xef: {  	v11 =	vld [tilespmem:s16+$0x10F0]  }
0xf0: {  	v10 =	vld [tilespmem:s16+$0x1480]  }
0xf1: {  	v9 =	vld [tilespmem:s16+$0x1490]  }
0xf2: {  	v8 =	vld [tilespmem:s16+$0x14A0]  }
0xf3: {  	v7 =	vld [tilespmem:s16+$0x14B0]  }
0xf4: {  	v6 =	vld [tilespmem:s16+$0x14C0]  }
0xf5: {  	v5 =	vld [tilespmem:s16+$0x14D0]  }
0xf6: {  	v4 =	vld [tilespmem:s16+$0x14E0]  }
0xf7: {  	v3 =	vld [tilespmem:s16+$0x14F0]  }
0xf8: {  	v51 =	vld [tilespmem:s16+$0xC080]  }
0xf9: {  	v52 =	vld [tilespmem:s16+$0xC090]  }
0xfa: {  	v53 =	vld [tilespmem:s16+$0xC0A0]  }
0xfb: {  	v54 =	vld [tilespmem:s16+$0xC0B0]  }
0xfc: {  	v55 =	vld [tilespmem:s16+$0xC0C0]  }
0xfd: {  	v39 =	vadd.f32 v39, v51;
	v51 =	vld [tilespmem:s16+$0xC0D0]  }
0xfe: {  	v40 =	vadd.f32 v40, v52;
	v52 =	vld [tilespmem:s16+$0xC0E0]  }
0xff: {  	[tilespmem:s16+$0xC080] =	vst v39;
	v39 =	vadd.f32 v41, v53;
	v41 =	vld [tilespmem:s16+$0xC0F0]  }
0x100: {  	[tilespmem:s16+$0xC090] =	vst v40;
	v40 =	vadd.f32 v42, v54;
	v42 =	vld [tilespmem:s16+$0xC480]  }
0x101: {  	[tilespmem:s16+$0xC0A0] =	vst v39;
	v39 =	vadd.f32 v43, v55;
	v43 =	vld [tilespmem:s16+$0xC490]  }
0x102: {  	[tilespmem:s16+$0xC0B0] =	vst v40;
	v40 =	vadd.f32 v44, v51;
	v44 =	vld [tilespmem:s16+$0xC4A0]  }
0x103: {  	[tilespmem:s16+$0xC0C0] =	vst v39;
	v39 =	vadd.f32 v45, v52;
	v45 =	vld [tilespmem:s16+$0xC4B0]  }
0x104: {  	[tilespmem:s16+$0xC0D0] =	vst v40;
	v40 =	vadd.f32 v46, v41;
	v41 =	vld [tilespmem:s16+$0xC4C0]  }
0x105: {  	[tilespmem:s16+$0xC0E0] =	vst v39;
	v39 =	vadd.f32 v47, v42;
	v42 =	vld [tilespmem:s16+$0xC4D0]  }
0x106: {  	[tilespmem:s16+$0xC0F0] =	vst v40;
	v40 =	vadd.f32 v48, v43;
	v43 =	vld [tilespmem:s16+$0xC4E0]  }
0x107: {  	[tilespmem:s16+$0xC480] =	vst v39;
	v39 =	vadd.f32 v49, v44;
	v44 =	vld [tilespmem:s16+$0xC4F0]  }
0x108: {  	[tilespmem:s16+$0xC490] =	vst v40;
	v40 =	vadd.f32 v50, v45;
	v45 =	vld [tilespmem:s16+$0xC880]  }
0x109: {  	[tilespmem:s16+$0xC4A0] =	vst v39;
	v38 =	vadd.f32 v38, v41;
	v39 =	vld [tilespmem:s16+$0xC890]  }
0x10a: {  	[tilespmem:s16+$0xC4B0] =	vst v40;
	v37 =	vadd.f32 v37, v42;
	v40 =	vld [tilespmem:s16+$0xC8A0]  }
0x10b: {  	[tilespmem:s16+$0xC4C0] =	vst v38;
	v36 =	vadd.f32 v36, v43;
	v38 =	vld [tilespmem:s16+$0xC8B0]  }
0x10c: {  	[tilespmem:s16+$0xC4D0] =	vst v37;
	v35 =	vadd.f32 v35, v44;
	v37 =	vld [tilespmem:s16+$0xC8C0]  }
0x10d: {  	[tilespmem:s16+$0xC4E0] =	vst v36;
	v34 =	vadd.f32 v34, v45;
	v36 =	vld [tilespmem:s16+$0xC8D0]  }
0x10e: {  	[tilespmem:s16+$0xC4F0] =	vst v35;
	v33 =	vadd.f32 v33, v39;
	v35 =	vld [tilespmem:s16+$0xC8E0]  }
0x10f: {  	[tilespmem:s16+$0xC880] =	vst v34;
	v32 =	vadd.f32 v32, v40;
	v34 =	vld [tilespmem:s16+$0xC8F0]  }
0x110: {  	[tilespmem:s16+$0xC890] =	vst v33;
	v31 =	vadd.f32 v31, v38;
	v33 =	vld [tilespmem:s16+$0xCC80]  }
0x111: {  	[tilespmem:s16+$0xC8A0] =	vst v32;
	v30 =	vadd.f32 v30, v37;
	v32 =	vld [tilespmem:s16+$0xCC90]  }
0x112: {  	[tilespmem:s16+$0xC8B0] =	vst v31;
	v29 =	vadd.f32 v29, v36;
	v31 =	vld [tilespmem:s16+$0xCCA0]  }
0x113: {  	[tilespmem:s16+$0xC8C0] =	vst v30;
	v28 =	vadd.f32 v28, v35;
	v30 =	vld [tilespmem:s16+$0xCCB0]  }
0x114: {  	[tilespmem:s16+$0xC8D0] =	vst v29;
	v27 =	vadd.f32 v27, v34;
	v29 =	vld [tilespmem:s16+$0xCCC0]  }
0x115: {  	[tilespmem:s16+$0xC8E0] =	vst v28;
	v26 =	vadd.f32 v26, v33;
	v28 =	vld [tilespmem:s16+$0xCCD0]  }
0x116: {  	[tilespmem:s16+$0xC8F0] =	vst v27;
	v25 =	vadd.f32 v25, v32;
	v27 =	vld [tilespmem:s16+$0xCCE0]  }
0x117: {  	[tilespmem:s16+$0xCC80] =	vst v26;
	v24 =	vadd.f32 v24, v31;
	v26 =	vld [tilespmem:s16+$0xCCF0]  }
0x118: {  	[tilespmem:s16+$0xCC90] =	vst v25;
	v23 =	vadd.f32 v23, v30;
	v25 =	vld [tilespmem:s16+$0xD080]  }
0x119: {  	[tilespmem:s16+$0xCCA0] =	vst v24;
	v22 =	vadd.f32 v22, v29;
	v24 =	vld [tilespmem:s16+$0xD090]  }
0x11a: {  	[tilespmem:s16+$0xCCB0] =	vst v23;
	v21 =	vadd.f32 v21, v28;
	v23 =	vld [tilespmem:s16+$0xD0A0]  }
0x11b: {  	[tilespmem:s16+$0xCCC0] =	vst v22;
	v20 =	vadd.f32 v20, v27;
	v22 =	vld [tilespmem:s16+$0xD0B0]  }
0x11c: {  	[tilespmem:s16+$0xCCD0] =	vst v21;
	v19 =	vadd.f32 v19, v26;
	v21 =	vld [tilespmem:s16+$0xD0C0]  }
0x11d: {  	[tilespmem:s16+$0xCCE0] =	vst v20;
	v18 =	vadd.f32 v18, v25;
	v20 =	vld [tilespmem:s16+$0xD0D0]  }
0x11e: {  	[tilespmem:s16+$0xCCF0] =	vst v19;
	v17 =	vadd.f32 v17, v24;
	v19 =	vld [tilespmem:s16+$0xD0E0]  }
.Ltmp0:
0x11f: {  	[tilespmem:s16+$0xD080] =	vst v18;
	v18 =	vadd.f32 v16, v23;
	v16 =	vld [tilespmem:s16+$0xD0F0];
	(pc) =	sbr.rel @p0 .LBB2_2-.Ltmp0, $4  }
0x120: {  	[tilespmem:s16+$0xD090] =	vst v17;
	v17 =	vadd.f32 v15, v22;
	v15 =	vld [tilespmem:s16+$0xD480]  }
0x121: {  	[tilespmem:s16+$0xD0A0] =	vst v18;
	v21 =	vadd.f32 v14, v21;
	v14 =	vld [tilespmem:s16+$0xD490]  }
0x122: {  	[tilespmem:s16+$0xD0B0] =	vst v17;
	v18 =	vadd.f32 v13, v20;
	v13 =	vld [tilespmem:s16+$0xD4A0]  }
0x123: {  	s17 =	sadd.s32 $0x1, s17;
	[tilespmem:s16+$0xD0C0] =	vst v21;
	v17 =	vadd.f32 v12, v19;
	v12 =	vld [tilespmem:s16+$0xD4B0]  }
0x124: {  	[tilespmem:s16+$0xD0D0] =	vst v18;
	v60 =	vld [tilespmem:s16+$0xD4C0];
	v11 =	vadd.f32 v11, v16  }
0x125: {  	v61 =	vld [tilespmem:s16+$0xD4D0];
	[tilespmem:s16+$0xD0E0] =	vst v17;
	v10 =	vadd.f32 v10, v15  }
0x126: {  	v62 =	vld [tilespmem:s16+$0xD4E0];
	[tilespmem:s16+$0xD0F0] =	vst v11;
	v9 =	vadd.f32 v9, v14  }
0x127: {  	v63 =	vld [tilespmem:s16+$0xD4F0];
	[tilespmem:s16+$0xD480] =	vst v10;
	v8 =	vadd.f32 v8, v13  }
0x128: {  	[tilespmem:s16+$0xD490] =	vst v9;
	v7 =	vadd.f32 v7, v12  }
0x129: {  	[tilespmem:s16+$0xD4A0] =	vst v8;
	v6 =	vadd.f32 v6, v60  }
0x12a: {  	v5 =	vadd.f32 v5, v61;
	[tilespmem:s16+$0xD4B0] =	vst v7  }
0x12b: {  	v4 =	vadd.f32 v4, v62;
	[tilespmem:s16+$0xD4C0] =	vst v6  }
0x12c: {  	s15 =	sadd.s32 $0x1, s15;
	v3 =	vadd.f32 v3, v63;
	[tilespmem:s16+$0xD4D0] =	vst v5  }
0x12d: {  	p0 =	sne.s32 s15, s9;
	[tilespmem:s16+$0xD4E0] =	vst v4  }
.Ltmp1:
0x12e: {  	[tilespmem:s16+$0xD4F0] =	vst v3;
	(pc) =	sbr.rel @p0 .LBB2_1-.Ltmp1, $4  }
0x12f: {  	[hbm4b:s8+s2] =	stream.linear.scatter [tilespmem:s13], [sflag:$0x2], $0xC000, $0x38;
	[tilespmem:$0x18080] =	vst v63  }
0x130: {  	_ =	swait.ge [sflag:s10], $0xC000  }
0x131: {  	[sflag:s10] =	ssyncset.done $0x0  }
0x132: {  	[sflag:s10] =	ssyncadd.s32 $0xFFFF4000  }
0x133: {  	_ =	sfence.sel $0x180000  }
0x134: {  	[bflag:$0x0] =	sbarrier.arrive $0xFFFF  }
0x135: {  	_ =	strace $0x9000004A  }
0x136: {  	s0 =	stileid.u32;
	[bflag:$0x2] =	sbarrier.arrive $0xFFFF  }
0x137: {  	p0 =	sne.s32 s0, $0x0;
	s0 =	rddreg [dreg:$0x2]  }
0x138: {  	s0 =	sadd.s32 @!p0 $0x100000, s0  }
0x139: {  	[sflag:s0] =	ssyncadd.tile.s32 @!p0 $0x1;
	_ =	shalt  }
.Lfunc_end2:
_tile_overlayer_lowered:
.L_overlay_start_2:
0x13a: {  	(tag) =	ssettag $0x2  }
0x13b: {  	s0 =	rddreg [dreg:$0x0];
	s2 =	stileid.u32  }
0x13c: {  	s1 =	rddreg [dreg:$0x1];
	p0 =	sne.s32 s2, $0x0  }
0x13d: {  	s3 =	rddreg [dreg:$0x2];
	[bflag:$0x3] =	sbarrier.arrive $0xFFFF;
	s2 =	simm.s32 @!p0 $0x1C02  }
0x13e: {  	[timem:s3], [sflag:s2] =	dma.local @!p0 [hbm:s0], s1  }
0x13f: {  	s0 =	simm.s32 @!p0 $0x2  }
0x140: {  	_ =	swait.ge @!p0 [sflag:s0], s1  }
0x141: {  	s1 =	ssub.s32 @!p0 $0x0, s1;
	[sflag:s0] =	ssyncset.done @!p0 $0x0  }
0x142: {  	[sflag:s0] =	ssyncadd.s32 @!p0 s1  }
0x143: {  	[bflag:$0x3] =	sbarrier.arrive $0xFFFF  }
0x144: {  	_ =	shalt  }

</sc_bundles>
